<compile_context>
chip_gen: v7x
topology: tpu7x:2x2x1
jax: 0.10.2.dev20260603
libtpu: 0.0.44.dev20260713+nightly
codegen_flags: <defaults>
</compile_context>

<pallas_src>
import functools

import jax
import jax.numpy as jnp
from jax import lax
from jax.experimental import pallas as pl
from jax.experimental.pallas import tpu as pltpu
from jax.experimental.pallas import tpu_sc as plsc

N = 100000
E = 6400000
NUM_LAYERS = 10

NUM_TILES = 16
NT = 6272
NP = NUM_TILES * NT
VREGS = NT // 16
C = 128
K = 8
EDGES_PER_TILE = 400384
EPAD = NUM_TILES * EDGES_PER_TILE
ROWS_PER_TILE = EDGES_PER_TILE // C
CHUNKS = ROWS_PER_TILE // K


def _rsqrt16(d):
    i = lax.bitcast_convert_type(d, jnp.int32)
    i = jnp.int32(0x5F3759DF) - lax.shift_right_logical(i, 1)
    y = lax.bitcast_convert_type(i, jnp.float32)
    for _ in range(3):
        y = y * (jnp.float32(1.5) - jnp.float32(0.5) * d * y * y)
    return y


def _body(xh, rowr, colr, wv, onesh, out,
          deg, hs2, t2,
          rowb, colb, mp, onesm, disb, tb2, wbuf,
          sem_l, sem_g, sem_s):
    wid = lax.axis_index("s")
    nbase = wid * NT
    ebase = wid * ROWS_PER_TILE

    pltpu.sync_copy(onesh, onesm)

    def init_deg(i, c):
        pltpu.sync_copy(onesm, deg.at[pl.ds(nbase + i * C, C)])
        return c
    lax.fori_loop(0, NT // C, init_deg, 0)
    if NT % C:
        pltpu.sync_copy(onesm.at[pl.ds(0, NT % C)],
                        deg.at[pl.ds(nbase + (NT // C) * C, NT % C)])
    plsc.subcore_barrier()

    def deg_chunk(c, carry):
        base = ebase + c * K
        pltpu.async_copy(rowr.at[pl.ds(base, K)], rowb, sem_l).wait()
        ss = [pltpu.async_copy(onesm, deg.at[rowb.at[j]], sem_s, add=True)
              for j in range(K)]
        for s_ in ss:
            s_.wait()
        return carry
    lax.fori_loop(0, CHUNKS, deg_chunk, 0)
    plsc.subcore_barrier()

    pltpu.sync_copy(deg.at[pl.ds(nbase, NT)], disb)

    def dis_body(i, c):
        d = disb[pl.ds(i * 16, 16)]
        disb[pl.ds(i * 16, 16)] = _rsqrt16(d)
        return c
    lax.fori_loop(0, VREGS, dis_body, 0)

    def ew_loop(first):
        def ew(i, c):
            s = pl.ds(i * 16, 16)
            idx = lax.iota(jnp.int32, 16) + i * 16
            f0 = jnp.zeros((16,), jnp.int32)
            f1 = jnp.ones((16,), jnp.int32)
            dv = disb[s]
            a0 = plsc.load_gather(tb2, [idx, f0])
            a1 = plsc.load_gather(tb2, [idx, f1])
            if first:
                h0 = a0
                h1 = a1
            else:
                h0 = dv * a0
                h1 = dv * a1
            u0 = h0 * wbuf[pl.ds(0, 16)] + h1 * wbuf[pl.ds(16, 16)] \
                + wbuf[pl.ds(64, 16)]
            u1 = h0 * wbuf[pl.ds(32, 16)] + h1 * wbuf[pl.ds(48, 16)] \
                + wbuf[pl.ds(80, 16)]
            plsc.store_scatter(tb2, [idx, f0], dv * u0)
            plsc.store_scatter(tb2, [idx, f1], dv * u1)
            return c
        lax.fori_loop(0, VREGS, ew, 0)

    def elementwise(l, first):
        sl = pl.ds(nbase, NT)
        if first:
            pltpu.sync_copy(xh.at[sl], tb2)
        else:
            pltpu.sync_copy(t2.at[sl], tb2)
        pltpu.sync_copy(wv.at[l], wbuf)
        ew_loop(first)
        pltpu.sync_copy(tb2, hs2.at[sl])
        pltpu.sync_copy(tb2, t2.at[sl])

    def edge_pass():
        def chunk(c, carry):
            base = ebase + c * K
            cp1 = pltpu.async_copy(rowr.at[pl.ds(base, K)], rowb, sem_l)
            cp2 = pltpu.async_copy(colr.at[pl.ds(base, K)], colb, sem_l)
            cp1.wait()
            gs = [pltpu.async_copy(hs2.at[rowb.at[j]], mp.at[j], sem_g)
                  for j in range(K)]
            cp2.wait()
            for g in gs:
                g.wait()
            ss = [pltpu.async_copy(mp.at[j], t2.at[colb.at[j]], sem_s,
                                   add=True)
                  for j in range(K)]
            for s_ in ss:
                s_.wait()
            return carry
        lax.fori_loop(0, CHUNKS, chunk, 0)

    elementwise(0, True)
    plsc.subcore_barrier()
    edge_pass()
    plsc.subcore_barrier()

    def layer(l, carry):
        elementwise(l, False)
        plsc.subcore_barrier()
        edge_pass()
        plsc.subcore_barrier()
        return carry
    lax.fori_loop(1, NUM_LAYERS, layer, 0)

    pltpu.sync_copy(t2.at[pl.ds(nbase, NT)], tb2)

    def fin(i, c):
        s = pl.ds(i * 16, 16)
        idx = lax.iota(jnp.int32, 16) + i * 16
        f0 = jnp.zeros((16,), jnp.int32)
        f1 = jnp.ones((16,), jnp.int32)
        dv = disb[s]
        v0 = plsc.load_gather(tb2, [idx, f0])
        v1 = plsc.load_gather(tb2, [idx, f1])
        plsc.store_scatter(tb2, [idx, f0], dv * v0)
        plsc.store_scatter(tb2, [idx, f1], dv * v1)
        return c
    lax.fori_loop(0, VREGS, fin, 0)
    pltpu.sync_copy(tb2, out.at[pl.ds(nbase, NT)])


@jax.jit
def kernel(x, edge, W, b):
    xh = jnp.zeros((NP, 2), jnp.float32).at[:N].set(x)
    epad = EPAD - E
    rowr = jnp.pad(edge[0], (0, epad), constant_values=NP - 1).reshape(
        NUM_TILES * ROWS_PER_TILE, C)
    colr = jnp.pad(edge[1], (0, epad), constant_values=NP - 1).reshape(
        NUM_TILES * ROWS_PER_TILE, C)
    coef = jnp.stack(
        [W[:, 0, 0], W[:, 0, 1], W[:, 1, 0], W[:, 1, 1], b[:, 0], b[:, 1]],
        axis=1)
    wv = jnp.repeat(coef[:, :, None], 16, axis=2).reshape(NUM_LAYERS, 96)
    onesh = jnp.ones((C,), jnp.float32)

    mesh = plsc.VectorSubcoreMesh(core_axis_name="c", subcore_axis_name="s",
                                  num_cores=1)
    run = pl.kernel(
        _body,
        out_type=jax.ShapeDtypeStruct((NP, 2), jnp.float32),
        mesh=mesh,
        compiler_params=pltpu.CompilerParams(
            use_tc_tiling_on_sc=False, needs_layout_passes=False),
        scratch_types=[
            pltpu.VMEM_SHARED((NP,), jnp.float32),
            pltpu.VMEM_SHARED((NP, 2), jnp.float32),
            pltpu.VMEM_SHARED((NP, 2), jnp.float32),
            pltpu.VMEM((K, C), jnp.int32),
            pltpu.VMEM((K, C), jnp.int32),
            pltpu.VMEM((K, C, 2), jnp.float32),
            pltpu.VMEM((C,), jnp.float32),
            pltpu.VMEM((NT,), jnp.float32),
            pltpu.VMEM((NT, 2), jnp.float32),
            pltpu.VMEM((96,), jnp.float32),
            pltpu.SemaphoreType.DMA,
            pltpu.SemaphoreType.DMA,
            pltpu.SemaphoreType.DMA,
        ],
    )
    out = run(xh, rowr, colr, wv, onesh)
    return out[:N]

# --- scband reference (transcript-rebuilt; emitter-appended) ---
"""Pipeline reference for scband-gcn-74191265071226 (READ-ONLY COPY).

The authoritative reference and input builder live on the scoring server;
editing this copy changes nothing except your own understanding.
"""

import jax, jax.numpy as jnp
import numpy as np

N = 100000
E = 6400000
NUM_LAYERS = 10
D = 2


def setup_inputs(seed: int = 0) -> dict:
    key = jax.random.key(seed)
    kx, ke, kw, kb = jax.random.split(key, 4)
    x = jax.random.normal(kx, (N, D), dtype=jnp.float32)
    edge = jax.random.randint(ke, (2, E), 0, N, dtype=jnp.int32)
    # Stacked Linear(2,2) params for the 10 GCNConv layers (PyTorch Linear: y = x @ W.T + b)
    W = jax.random.normal(kw, (NUM_LAYERS, D, D), dtype=jnp.float32) * 0.5
    b = jax.random.normal(kb, (NUM_LAYERS, D), dtype=jnp.float32) * 0.1
    return {"x": x, "edge": edge, "W": W, "b": b}


def _gcn_layer(x, row, col, W_l, b_l):
    # lin
    h = x @ W_l.T + b_l
    # degree over row (self loops already included, so deg >= 1)
    deg = jnp.zeros((N,), dtype=x.dtype).at[row].add(jnp.ones_like(row, dtype=x.dtype))
    deg_inv_sqrt = deg ** -0.5
    norm = deg_inv_sqrt[row] * deg_inv_sqrt[col]
    # message: norm * x_j where x_j = h[row] (source), aggregate 'add' at col (target)
    msg = norm[:, None] * jnp.take(h, row, axis=0)
    out = jnp.zeros((N, h.shape[1]), dtype=x.dtype).at[col].add(msg)
    return out


def reference(x, edge, W, b):
    loops = jnp.arange(N, dtype=edge.dtype)
    row = jnp.concatenate([edge[0], loops])
    col = jnp.concatenate([edge[1], loops])
    h = x
    for l in range(NUM_LAYERS):
        h = _gcn_layer(h, row, col, W[l], b[l])
    return h

if __name__ == "__main__":
    import jax
    _d = setup_inputs()
    print(jax.jit(kernel)(*tuple(_d.values())))

</pallas_src>

<mosaic_0001>
#map = affine_map<(d0, d1) -> (0, 0)>
#map1 = affine_map<(d0, d1) -> (0)>
module attributes {stable_mosaic.version = 14 : i64} {
  func.func @_body(%arg0: i32, %arg1: i32, %arg2: memref<100352x2xf32, #tpu.memory_space<hbm>>, %arg3: memref<50048x128xi32, #tpu.memory_space<hbm>>, %arg4: memref<50048x128xi32, #tpu.memory_space<hbm>>, %arg5: memref<10x96xf32, #tpu.memory_space<hbm>>, %arg6: memref<128xf32, #tpu.memory_space<hbm>>, %arg7: memref<100352x2xf32, #tpu.memory_space<hbm>>, %arg8: memref<100352xf32, #tpu.memory_space<vmem_shared>>, %arg9: memref<100352x2xf32, #tpu.memory_space<vmem_shared>>, %arg10: memref<100352x2xf32, #tpu.memory_space<vmem_shared>>, %arg11: memref<8x128xi32, #tpu.memory_space<vmem>>, %arg12: memref<8x128xi32, #tpu.memory_space<vmem>>, %arg13: memref<8x128x2xf32, #tpu.memory_space<vmem>>, %arg14: memref<128xf32, #tpu.memory_space<vmem>>, %arg15: memref<6272xf32, #tpu.memory_space<vmem>>, %arg16: memref<6272x2xf32, #tpu.memory_space<vmem>>, %arg17: memref<96xf32, #tpu.memory_space<vmem>>, %arg18: memref<!tpu.dma_semaphore, #tpu.memory_space<semaphore_mem>>, %arg19: memref<!tpu.dma_semaphore, #tpu.memory_space<semaphore_mem>>, %arg20: memref<!tpu.dma_semaphore, #tpu.memory_space<semaphore_mem>>) attributes {dimension_semantics = [#tpu.dimension_semantics<core_parallel>, #tpu.dimension_semantics<subcore_parallel>], iteration_bounds = array<i64: 1, 16>, scalar_prefetch = 0 : i64, scratch_operands = 13 : i64, tpu.core_type = #tpu.core_type<sc_vector_subcore>, window_params = [{transform_indices = #map}, {transform_indices = #map}, {transform_indices = #map}, {transform_indices = #map}, {transform_indices = #map1}, {transform_indices = #map}]} {
    %mul3A = arith.constant 6272 : i32
    %mul3A_0 = arith.muli %arg1, %mul3A : i32
    %mul3A_1 = arith.constant 3128 : i32
    %mul3A_2 = arith.muli %arg1, %mul3A_1 : i32
    "tpu.region"() ({
      %run_scoped3A_47 = tpu.sem_alloc : memref<!tpu.dma_semaphore, #tpu.memory_space<semaphore_mem>>
      tpu.enqueue_dma source(%arg6 : memref<128xf32, #tpu.memory_space<hbm>>) target(%arg14 : memref<128xf32, #tpu.memory_space<vmem>>) target_semaphore(%run_scoped3A_47 : memref<!tpu.dma_semaphore, #tpu.memory_space<semaphore_mem>>)
      tpu.wait_dma2 semaphore(%run_scoped3A_47 : memref<!tpu.dma_semaphore, #tpu.memory_space<semaphore_mem>>) src(%arg6 : memref<128xf32, #tpu.memory_space<hbm>>) dst(%arg14 : memref<128xf32, #tpu.memory_space<vmem>>)
      tpu.yield
    }) : () -> ()
    %scan3A = arith.constant 0 : i32
    %scan3A_3 = arith.constant 0 : i32
    %scan3A_4 = arith.constant 49 : i32
    %scan3A_5 = arith.addi %scan3A_3, %scan3A_4 : i32
    %scan3A_6 = arith.constant 1 : i32
    scf.for %scan3A_47 = %scan3A_3 to %scan3A_5 step %scan3A_6  : i32 {
      %mul3A_48 = arith.constant 128 : i32
      %mul3A_49 = arith.muli %scan3A_47, %mul3A_48 : i32
      %add3A = arith.addi %mul3A_0, %mul3A_49 : i32
      "tpu.region"() ({
        %run_scoped3A_50 = tpu.sem_alloc : memref<!tpu.dma_semaphore, #tpu.memory_space<semaphore_mem>>
        %dma_start3A = tpu.memref_slice %arg8[%add3A] : memref<100352xf32, #tpu.memory_space<vmem_shared>> -> memref<128xf32, #tpu.memory_space<vmem_shared>>
        %dma_start3A_51 = tpu.memref_slice %arg8[%add3A] : memref<100352xf32, #tpu.memory_space<vmem_shared>> -> memref<128xf32, #tpu.memory_space<vmem_shared>>
        tpu.enqueue_dma source(%arg14 : memref<128xf32, #tpu.memory_space<vmem>>) target(%dma_start3A_51 : memref<128xf32, #tpu.memory_space<vmem_shared>>) target_semaphore(%run_scoped3A_50 : memref<!tpu.dma_semaphore, #tpu.memory_space<semaphore_mem>>)
        %dma_wait3A = tpu.memref_slice %arg8[%add3A] : memref<100352xf32, #tpu.memory_space<vmem_shared>> -> memref<128xf32, #tpu.memory_space<vmem_shared>>
        %dma_wait3A_52 = tpu.memref_slice %arg8[%add3A] : memref<100352xf32, #tpu.memory_space<vmem_shared>> -> memref<128xf32, #tpu.memory_space<vmem_shared>>
        tpu.wait_dma2 semaphore(%run_scoped3A_50 : memref<!tpu.dma_semaphore, #tpu.memory_space<semaphore_mem>>) src(%arg14 : memref<128xf32, #tpu.memory_space<vmem>>) dst(%dma_wait3A_52 : memref<128xf32, #tpu.memory_space<vmem_shared>>)
        tpu.yield
      }) : () -> ()
    }
    %scan3A_7 = arith.constant 49 : i32
    %barrier3A = arith.constant 0 : index
    tpu.barrier barrier_id(%barrier3A)
    %scan3A_8 = arith.constant 0 : i32
    %scan3A_9 = arith.constant 0 : i32
    %scan3A_10 = arith.constant 391 : i32
    %scan3A_11 = arith.addi %scan3A_9, %scan3A_10 : i32
    %scan3A_12 = arith.constant 1 : i32
    scf.for %scan3A_47 = %scan3A_9 to %scan3A_11 step %scan3A_12  : i32 {
      %mul3A_48 = arith.constant 8 : i32
      %mul3A_49 = arith.muli %scan3A_47, %mul3A_48 : i32
      %add3A = arith.addi %mul3A_2, %mul3A_49 : i32
      %dma_start3A = arith.constant 0 : i32
      %dma_start3A_50 = tpu.memref_slice %arg3[%add3A, %dma_start3A] : memref<50048x128xi32, #tpu.memory_space<hbm>> -> memref<8x128xi32, #tpu.memory_space<hbm>>
      %dma_start3A_51 = arith.constant 0 : i32
      %dma_start3A_52 = tpu.memref_slice %arg3[%add3A, %dma_start3A_51] : memref<50048x128xi32, #tpu.memory_space<hbm>> -> memref<8x128xi32, #tpu.memory_space<hbm>>
      tpu.enqueue_dma source(%dma_start3A_52 : memref<8x128xi32, #tpu.memory_space<hbm>>) target(%arg11 : memref<8x128xi32, #tpu.memory_space<vmem>>) target_semaphore(%arg18 : memref<!tpu.dma_semaphore, #tpu.memory_space<semaphore_mem>>)
      %dma_wait3A = arith.constant 0 : i32
      %dma_wait3A_53 = tpu.memref_slice %arg3[%add3A, %dma_wait3A] : memref<50048x128xi32, #tpu.memory_space<hbm>> -> memref<8x128xi32, #tpu.memory_space<hbm>>
      %dma_wait3A_54 = arith.constant 0 : i32
      %dma_wait3A_55 = tpu.memref_slice %arg3[%add3A, %dma_wait3A_54] : memref<50048x128xi32, #tpu.memory_space<hbm>> -> memref<8x128xi32, #tpu.memory_space<hbm>>
      tpu.wait_dma2 semaphore(%arg18 : memref<!tpu.dma_semaphore, #tpu.memory_space<semaphore_mem>>) src(%dma_wait3A_55 : memref<8x128xi32, #tpu.memory_space<hbm>>) dst(%arg11 : memref<8x128xi32, #tpu.memory_space<vmem>>)
      %dma_start3A_56 = arith.constant 0 : i32
      %dma_start3A_57 = arith.constant 0 : i32
      %dma_start3A_58 = tpu.memref_slice %arg11[%dma_start3A_56, %dma_start3A_57] : memref<8x128xi32, #tpu.memory_space<vmem>> -> memref<1x128xi32, #tpu.memory_space<vmem>>
      %dma_start3A_59 = tpu.memref_squeeze %dma_start3A_58 : memref<1x128xi32, #tpu.memory_space<vmem>> -> memref<128xi32, #tpu.memory_space<vmem>>
      %dma_start3A_60 = arith.constant 0 : i32
      %dma_start3A_61 = tpu.memref_slice %arg8[%dma_start3A_60] : memref<100352xf32, #tpu.memory_space<vmem_shared>> -> memref<100352xf32, #tpu.memory_space<vmem_shared>>
      tpu.enqueue_indirect_dma source(%arg14 : memref<128xf32, #tpu.memory_space<vmem>>) target(%dma_start3A_61 : memref<100352xf32, #tpu.memory_space<vmem_shared>>) offsets(%dma_start3A_59 : memref<128xi32, #tpu.memory_space<vmem>>) semaphore(%arg20 : memref<!tpu.dma_semaphore, #tpu.memory_space<semaphore_mem>>) {add = true}
      %dma_start3A_62 = arith.constant 1 : i32
      %dma_start3A_63 = arith.constant 0 : i32
      %dma_start3A_64 = tpu.memref_slice %arg11[%dma_start3A_62, %dma_start3A_63] : memref<8x128xi32, #tpu.memory_space<vmem>> -> memref<1x128xi32, #tpu.memory_space<vmem>>
      %dma_start3A_65 = tpu.memref_squeeze %dma_start3A_64 : memref<1x128xi32, #tpu.memory_space<vmem>> -> memref<128xi32, #tpu.memory_space<vmem>>
      %dma_start3A_66 = arith.constant 0 : i32
      %dma_start3A_67 = tpu.memref_slice %arg8[%dma_start3A_66] : memref<100352xf32, #tpu.memory_space<vmem_shared>> -> memref<100352xf32, #tpu.memory_space<vmem_shared>>
      tpu.enqueue_indirect_dma source(%arg14 : memref<128xf32, #tpu.memory_space<vmem>>) target(%dma_start3A_67 : memref<100352xf32, #tpu.memory_space<vmem_shared>>) offsets(%dma_start3A_65 : memref<128xi32, #tpu.memory_space<vmem>>) semaphore(%arg20 : memref<!tpu.dma_semaphore, #tpu.memory_space<semaphore_mem>>) {add = true}
      %dma_start3A_68 = arith.constant 2 : i32
      %dma_start3A_69 = arith.constant 0 : i32
      %dma_start3A_70 = tpu.memref_slice %arg11[%dma_start3A_68, %dma_start3A_69] : memref<8x128xi32, #tpu.memory_space<vmem>> -> memref<1x128xi32, #tpu.memory_space<vmem>>
      %dma_start3A_71 = tpu.memref_squeeze %dma_start3A_70 : memref<1x128xi32, #tpu.memory_space<vmem>> -> memref<128xi32, #tpu.memory_space<vmem>>
      %dma_start3A_72 = arith.constant 0 : i32
      %dma_start3A_73 = tpu.memref_slice %arg8[%dma_start3A_72] : memref<100352xf32, #tpu.memory_space<vmem_shared>> -> memref<100352xf32, #tpu.memory_space<vmem_shared>>
      tpu.enqueue_indirect_dma source(%arg14 : memref<128xf32, #tpu.memory_space<vmem>>) target(%dma_start3A_73 : memref<100352xf32, #tpu.memory_space<vmem_shared>>) offsets(%dma_start3A_71 : memref<128xi32, #tpu.memory_space<vmem>>) semaphore(%arg20 : memref<!tpu.dma_semaphore, #tpu.memory_space<semaphore_mem>>) {add = true}
      %dma_start3A_74 = arith.constant 3 : i32
      %dma_start3A_75 = arith.constant 0 : i32
      %dma_start3A_76 = tpu.memref_slice %arg11[%dma_start3A_74, %dma_start3A_75] : memref<8x128xi32, #tpu.memory_space<vmem>> -> memref<1x128xi32, #tpu.memory_space<vmem>>
      %dma_start3A_77 = tpu.memref_squeeze %dma_start3A_76 : memref<1x128xi32, #tpu.memory_space<vmem>> -> memref<128xi32, #tpu.memory_space<vmem>>
      %dma_start3A_78 = arith.constant 0 : i32
      %dma_start3A_79 = tpu.memref_slice %arg8[%dma_start3A_78] : memref<100352xf32, #tpu.memory_space<vmem_shared>> -> memref<100352xf32, #tpu.memory_space<vmem_shared>>
      tpu.enqueue_indirect_dma source(%arg14 : memref<128xf32, #tpu.memory_space<vmem>>) target(%dma_start3A_79 : memref<100352xf32, #tpu.memory_space<vmem_shared>>) offsets(%dma_start3A_77 : memref<128xi32, #tpu.memory_space<vmem>>) semaphore(%arg20 : memref<!tpu.dma_semaphore, #tpu.memory_space<semaphore_mem>>) {add = true}
      %dma_start3A_80 = arith.constant 4 : i32
      %dma_start3A_81 = arith.constant 0 : i32
      %dma_start3A_82 = tpu.memref_slice %arg11[%dma_start3A_80, %dma_start3A_81] : memref<8x128xi32, #tpu.memory_space<vmem>> -> memref<1x128xi32, #tpu.memory_space<vmem>>
      %dma_start3A_83 = tpu.memref_squeeze %dma_start3A_82 : memref<1x128xi32, #tpu.memory_space<vmem>> -> memref<128xi32, #tpu.memory_space<vmem>>
      %dma_start3A_84 = arith.constant 0 : i32
      %dma_start3A_85 = tpu.memref_slice %arg8[%dma_start3A_84] : memref<100352xf32, #tpu.memory_space<vmem_shared>> -> memref<100352xf32, #tpu.memory_space<vmem_shared>>
      tpu.enqueue_indirect_dma source(%arg14 : memref<128xf32, #tpu.memory_space<vmem>>) target(%dma_start3A_85 : memref<100352xf32, #tpu.memory_space<vmem_shared>>) offsets(%dma_start3A_83 : memref<128xi32, #tpu.memory_space<vmem>>) semaphore(%arg20 : memref<!tpu.dma_semaphore, #tpu.memory_space<semaphore_mem>>) {add = true}
      %dma_start3A_86 = arith.constant 5 : i32
      %dma_start3A_87 = arith.constant 0 : i32
      %dma_start3A_88 = tpu.memref_slice %arg11[%dma_start3A_86, %dma_start3A_87] : memref<8x128xi32, #tpu.memory_space<vmem>> -> memref<1x128xi32, #tpu.memory_space<vmem>>
      %dma_start3A_89 = tpu.memref_squeeze %dma_start3A_88 : memref<1x128xi32, #tpu.memory_space<vmem>> -> memref<128xi32, #tpu.memory_space<vmem>>
      %dma_start3A_90 = arith.constant 0 : i32
      %dma_start3A_91 = tpu.memref_slice %arg8[%dma_start3A_90] : memref<100352xf32, #tpu.memory_space<vmem_shared>> -> memref<100352xf32, #tpu.memory_space<vmem_shared>>
      tpu.enqueue_indirect_dma source(%arg14 : memref<128xf32, #tpu.memory_space<vmem>>) target(%dma_start3A_91 : memref<100352xf32, #tpu.memory_space<vmem_shared>>) offsets(%dma_start3A_89 : memref<128xi32, #tpu.memory_space<vmem>>) semaphore(%arg20 : memref<!tpu.dma_semaphore, #tpu.memory_space<semaphore_mem>>) {add = true}
      %dma_start3A_92 = arith.constant 6 : i32
      %dma_start3A_93 = arith.constant 0 : i32
      %dma_start3A_94 = tpu.memref_slice %arg11[%dma_start3A_92, %dma_start3A_93] : memref<8x128xi32, #tpu.memory_space<vmem>> -> memref<1x128xi32, #tpu.memory_space<vmem>>
      %dma_start3A_95 = tpu.memref_squeeze %dma_start3A_94 : memref<1x128xi32, #tpu.memory_space<vmem>> -> memref<128xi32, #tpu.memory_space<vmem>>
      %dma_start3A_96 = arith.constant 0 : i32
      %dma_start3A_97 = tpu.memref_slice %arg8[%dma_start3A_96] : memref<100352xf32, #tpu.memory_space<vmem_shared>> -> memref<100352xf32, #tpu.memory_space<vmem_shared>>
      tpu.enqueue_indirect_dma source(%arg14 : memref<128xf32, #tpu.memory_space<vmem>>) target(%dma_start3A_97 : memref<100352xf32, #tpu.memory_space<vmem_shared>>) offsets(%dma_start3A_95 : memref<128xi32, #tpu.memory_space<vmem>>) semaphore(%arg20 : memref<!tpu.dma_semaphore, #tpu.memory_space<semaphore_mem>>) {add = true}
      %dma_start3A_98 = arith.constant 7 : i32
      %dma_start3A_99 = arith.constant 0 : i32
      %dma_start3A_100 = tpu.memref_slice %arg11[%dma_start3A_98, %dma_start3A_99] : memref<8x128xi32, #tpu.memory_space<vmem>> -> memref<1x128xi32, #tpu.memory_space<vmem>>
      %dma_start3A_101 = tpu.memref_squeeze %dma_start3A_100 : memref<1x128xi32, #tpu.memory_space<vmem>> -> memref<128xi32, #tpu.memory_space<vmem>>
      %dma_start3A_102 = arith.constant 0 : i32
      %dma_start3A_103 = tpu.memref_slice %arg8[%dma_start3A_102] : memref<100352xf32, #tpu.memory_space<vmem_shared>> -> memref<100352xf32, #tpu.memory_space<vmem_shared>>
      tpu.enqueue_indirect_dma source(%arg14 : memref<128xf32, #tpu.memory_space<vmem>>) target(%dma_start3A_103 : memref<100352xf32, #tpu.memory_space<vmem_shared>>) offsets(%dma_start3A_101 : memref<128xi32, #tpu.memory_space<vmem>>) semaphore(%arg20 : memref<!tpu.dma_semaphore, #tpu.memory_space<semaphore_mem>>) {add = true}
      %dma_wait3A_104 = arith.constant 0 : i32
      %dma_wait3A_105 = arith.constant 0 : i32
      %dma_wait3A_106 = tpu.memref_slice %arg11[%dma_wait3A_104, %dma_wait3A_105] : memref<8x128xi32, #tpu.memory_space<vmem>> -> memref<1x128xi32, #tpu.memory_space<vmem>>
      %dma_wait3A_107 = tpu.memref_squeeze %dma_wait3A_106 : memref<1x128xi32, #tpu.memory_space<vmem>> -> memref<128xi32, #tpu.memory_space<vmem>>
      %dma_wait3A_108 = arith.constant 0 : i32
      %dma_wait3A_109 = tpu.memref_slice %arg8[%dma_wait3A_108] : memref<100352xf32, #tpu.memory_space<vmem_shared>> -> memref<100352xf32, #tpu.memory_space<vmem_shared>>
      tpu.wait_indirect_dma semaphore(%arg20 : memref<!tpu.dma_semaphore, #tpu.memory_space<semaphore_mem>>) src(%arg14 : memref<128xf32, #tpu.memory_space<vmem>>) dst(%dma_wait3A_109 : memref<100352xf32, #tpu.memory_space<vmem_shared>>)
      %dma_wait3A_110 = arith.constant 1 : i32
      %dma_wait3A_111 = arith.constant 0 : i32
      %dma_wait3A_112 = tpu.memref_slice %arg11[%dma_wait3A_110, %dma_wait3A_111] : memref<8x128xi32, #tpu.memory_space<vmem>> -> memref<1x128xi32, #tpu.memory_space<vmem>>
      %dma_wait3A_113 = tpu.memref_squeeze %dma_wait3A_112 : memref<1x128xi32, #tpu.memory_space<vmem>> -> memref<128xi32, #tpu.memory_space<vmem>>
      %dma_wait3A_114 = arith.constant 0 : i32
      %dma_wait3A_115 = tpu.memref_slice %arg8[%dma_wait3A_114] : memref<100352xf32, #tpu.memory_space<vmem_shared>> -> memref<100352xf32, #tpu.memory_space<vmem_shared>>
      tpu.wait_indirect_dma semaphore(%arg20 : memref<!tpu.dma_semaphore, #tpu.memory_space<semaphore_mem>>) src(%arg14 : memref<128xf32, #tpu.memory_space<vmem>>) dst(%dma_wait3A_115 : memref<100352xf32, #tpu.memory_space<vmem_shared>>)
      %dma_wait3A_116 = arith.constant 2 : i32
      %dma_wait3A_117 = arith.constant 0 : i32
      %dma_wait3A_118 = tpu.memref_slice %arg11[%dma_wait3A_116, %dma_wait3A_117] : memref<8x128xi32, #tpu.memory_space<vmem>> -> memref<1x128xi32, #tpu.memory_space<vmem>>
      %dma_wait3A_119 = tpu.memref_squeeze %dma_wait3A_118 : memref<1x128xi32, #tpu.memory_space<vmem>> -> memref<128xi32, #tpu.memory_space<vmem>>
      %dma_wait3A_120 = arith.constant 0 : i32
      %dma_wait3A_121 = tpu.memref_slice %arg8[%dma_wait3A_120] : memref<100352xf32, #tpu.memory_space<vmem_shared>> -> memref<100352xf32, #tpu.memory_space<vmem_shared>>
      tpu.wait_indirect_dma semaphore(%arg20 : memref<!tpu.dma_semaphore, #tpu.memory_space<semaphore_mem>>) src(%arg14 : memref<128xf32, #tpu.memory_space<vmem>>) dst(%dma_wait3A_121 : memref<100352xf32, #tpu.memory_space<vmem_shared>>)
      %dma_wait3A_122 = arith.constant 3 : i32
      %dma_wait3A_123 = arith.constant 0 : i32
      %dma_wait3A_124 = tpu.memref_slice %arg11[%dma_wait3A_122, %dma_wait3A_123] : memref<8x128xi32, #tpu.memory_space<vmem>> -> memref<1x128xi32, #tpu.memory_space<vmem>>
      %dma_wait3A_125 = tpu.memref_squeeze %dma_wait3A_124 : memref<1x128xi32, #tpu.memory_space<vmem>> -> memref<128xi32, #tpu.memory_space<vmem>>
      %dma_wait3A_126 = arith.constant 0 : i32
      %dma_wait3A_127 = tpu.memref_slice %arg8[%dma_wait3A_126] : memref<100352xf32, #tpu.memory_space<vmem_shared>> -> memref<100352xf32, #tpu.memory_space<vmem_shared>>
      tpu.wait_indirect_dma semaphore(%arg20 : memref<!tpu.dma_semaphore, #tpu.memory_space<semaphore_mem>>) src(%arg14 : memref<128xf32, #tpu.memory_space<vmem>>) dst(%dma_wait3A_127 : memref<100352xf32, #tpu.memory_space<vmem_shared>>)
      %dma_wait3A_128 = arith.constant 4 : i32
      %dma_wait3A_129 = arith.constant 0 : i32
      %dma_wait3A_130 = tpu.memref_slice %arg11[%dma_wait3A_128, %dma_wait3A_129] : memref<8x128xi32, #tpu.memory_space<vmem>> -> memref<1x128xi32, #tpu.memory_space<vmem>>
      %dma_wait3A_131 = tpu.memref_squeeze %dma_wait3A_130 : memref<1x128xi32, #tpu.memory_space<vmem>> -> memref<128xi32, #tpu.memory_space<vmem>>
      %dma_wait3A_132 = arith.constant 0 : i32
      %dma_wait3A_133 = tpu.memref_slice %arg8[%dma_wait3A_132] : memref<100352xf32, #tpu.memory_space<vmem_shared>> -> memref<100352xf32, #tpu.memory_space<vmem_shared>>
      tpu.wait_indirect_dma semaphore(%arg20 : memref<!tpu.dma_semaphore, #tpu.memory_space<semaphore_mem>>) src(%arg14 : memref<128xf32, #tpu.memory_space<vmem>>) dst(%dma_wait3A_133 : memref<100352xf32, #tpu.memory_space<vmem_shared>>)
      %dma_wait3A_134 = arith.constant 5 : i32
      %dma_wait3A_135 = arith.constant 0 : i32
      %dma_wait3A_136 = tpu.memref_slice %arg11[%dma_wait3A_134, %dma_wait3A_135] : memref<8x128xi32, #tpu.memory_space<vmem>> -> memref<1x128xi32, #tpu.memory_space<vmem>>
      %dma_wait3A_137 = tpu.memref_squeeze %dma_wait3A_136 : memref<1x128xi32, #tpu.memory_space<vmem>> -> memref<128xi32, #tpu.memory_space<vmem>>
      %dma_wait3A_138 = arith.constant 0 : i32
      %dma_wait3A_139 = tpu.memref_slice %arg8[%dma_wait3A_138] : memref<100352xf32, #tpu.memory_space<vmem_shared>> -> memref<100352xf32, #tpu.memory_space<vmem_shared>>
      tpu.wait_indirect_dma semaphore(%arg20 : memref<!tpu.dma_semaphore, #tpu.memory_space<semaphore_mem>>) src(%arg14 : memref<128xf32, #tpu.memory_space<vmem>>) dst(%dma_wait3A_139 : memref<100352xf32, #tpu.memory_space<vmem_shared>>)
      %dma_wait3A_140 = arith.constant 6 : i32
      %dma_wait3A_141 = arith.constant 0 : i32
      %dma_wait3A_142 = tpu.memref_slice %arg11[%dma_wait3A_140, %dma_wait3A_141] : memref<8x128xi32, #tpu.memory_space<vmem>> -> memref<1x128xi32, #tpu.memory_space<vmem>>
      %dma_wait3A_143 = tpu.memref_squeeze %dma_wait3A_142 : memref<1x128xi32, #tpu.memory_space<vmem>> -> memref<128xi32, #tpu.memory_space<vmem>>
      %dma_wait3A_144 = arith.constant 0 : i32
      %dma_wait3A_145 = tpu.memref_slice %arg8[%dma_wait3A_144] : memref<100352xf32, #tpu.memory_space<vmem_shared>> -> memref<100352xf32, #tpu.memory_space<vmem_shared>>
      tpu.wait_indirect_dma semaphore(%arg20 : memref<!tpu.dma_semaphore, #tpu.memory_space<semaphore_mem>>) src(%arg14 : memref<128xf32, #tpu.memory_space<vmem>>) dst(%dma_wait3A_145 : memref<100352xf32, #tpu.memory_space<vmem_shared>>)
      %dma_wait3A_146 = arith.constant 7 : i32
      %dma_wait3A_147 = arith.constant 0 : i32
      %dma_wait3A_148 = tpu.memref_slice %arg11[%dma_wait3A_146, %dma_wait3A_147] : memref<8x128xi32, #tpu.memory_space<vmem>> -> memref<1x128xi32, #tpu.memory_space<vmem>>
      %dma_wait3A_149 = tpu.memref_squeeze %dma_wait3A_148 : memref<1x128xi32, #tpu.memory_space<vmem>> -> memref<128xi32, #tpu.memory_space<vmem>>
      %dma_wait3A_150 = arith.constant 0 : i32
      %dma_wait3A_151 = tpu.memref_slice %arg8[%dma_wait3A_150] : memref<100352xf32, #tpu.memory_space<vmem_shared>> -> memref<100352xf32, #tpu.memory_space<vmem_shared>>
      tpu.wait_indirect_dma semaphore(%arg20 : memref<!tpu.dma_semaphore, #tpu.memory_space<semaphore_mem>>) src(%arg14 : memref<128xf32, #tpu.memory_space<vmem>>) dst(%dma_wait3A_151 : memref<100352xf32, #tpu.memory_space<vmem_shared>>)
    }
    %scan3A_13 = arith.constant 391 : i32
    %barrier3A_14 = arith.constant 0 : index
    tpu.barrier barrier_id(%barrier3A_14)
    "tpu.region"() ({
      %run_scoped3A_47 = tpu.sem_alloc : memref<!tpu.dma_semaphore, #tpu.memory_space<semaphore_mem>>
      %dma_start3A = tpu.memref_slice %arg8[%mul3A_0] : memref<100352xf32, #tpu.memory_space<vmem_shared>> -> memref<6272xf32, #tpu.memory_space<vmem_shared>>
      %dma_start3A_48 = tpu.memref_slice %arg8[%mul3A_0] : memref<100352xf32, #tpu.memory_space<vmem_shared>> -> memref<6272xf32, #tpu.memory_space<vmem_shared>>
      tpu.enqueue_dma source(%dma_start3A_48 : memref<6272xf32, #tpu.memory_space<vmem_shared>>) target(%arg15 : memref<6272xf32, #tpu.memory_space<vmem>>) target_semaphore(%run_scoped3A_47 : memref<!tpu.dma_semaphore, #tpu.memory_space<semaphore_mem>>)
      %dma_wait3A = tpu.memref_slice %arg8[%mul3A_0] : memref<100352xf32, #tpu.memory_space<vmem_shared>> -> memref<6272xf32, #tpu.memory_space<vmem_shared>>
      %dma_wait3A_49 = tpu.memref_slice %arg8[%mul3A_0] : memref<100352xf32, #tpu.memory_space<vmem_shared>> -> memref<6272xf32, #tpu.memory_space<vmem_shared>>
      tpu.wait_dma2 semaphore(%run_scoped3A_47 : memref<!tpu.dma_semaphore, #tpu.memory_space<semaphore_mem>>) src(%dma_wait3A_49 : memref<6272xf32, #tpu.memory_space<vmem_shared>>) dst(%arg15 : memref<6272xf32, #tpu.memory_space<vmem>>)
      tpu.yield
    }) : () -> ()
    %scan3A_15 = arith.constant 0 : i32
    %scan3A_16 = arith.constant 0 : i32
    %scan3A_17 = arith.constant 392 : i32
    %scan3A_18 = arith.addi %scan3A_16, %scan3A_17 : i32
    %scan3A_19 = arith.constant 1 : i32
    scf.for %scan3A_47 = %scan3A_16 to %scan3A_18 step %scan3A_19  : i32 {
      %mul3A_48 = arith.constant 16 : i32
      %mul3A_49 = arith.muli %scan3A_47, %mul3A_48 : i32
      %get3A = arith.index_cast %mul3A_49 : i32 to index
      %get3A_50 = tpu.vector_load %arg15[%get3A] {strides = array<i32>} : memref<6272xf32, #tpu.memory_space<vmem>>, vector<16xf32>,
      %bitcast_convert_type3A = tpu.bitcast %get3A_50 : vector<16xf32> -> vector<16xi32>
      %shift_right_logical3A = arith.constant 1 : i32
      %shift_right_logical3A_51 = vector.broadcast %shift_right_logical3A : i32 to vector<16xi32>
      %shift_right_logical3A_52 = arith.shrui %bitcast_convert_type3A, %shift_right_logical3A_51 : vector<16xi32>
      %sub3A = arith.constant 1597463007 : i32
      %sub3A_53 = vector.broadcast %sub3A : i32 to vector<16xi32>
      %sub3A_54 = arith.subi %sub3A_53, %shift_right_logical3A_52 : vector<16xi32>
      %bitcast_convert_type3A_55 = tpu.bitcast %sub3A_54 : vector<16xi32> -> vector<16xf32>
      %mul3A_56 = arith.constant 5.000000e-01 : f32
      %mul3A_57 = vector.broadcast %mul3A_56 : f32 to vector<16xf32>
      %mul3A_58 = arith.mulf %mul3A_57, %get3A_50 : vector<16xf32>
      %mul3A_59 = arith.mulf %mul3A_58, %bitcast_convert_type3A_55 : vector<16xf32>
      %mul3A_60 = arith.mulf %mul3A_59, %bitcast_convert_type3A_55 : vector<16xf32>
      %sub3A_61 = arith.constant 1.500000e+00 : f32
      %sub3A_62 = vector.broadcast %sub3A_61 : f32 to vector<16xf32>
      %sub3A_63 = arith.subf %sub3A_62, %mul3A_60 : vector<16xf32>
      %mul3A_64 = arith.mulf %bitcast_convert_type3A_55, %sub3A_63 : vector<16xf32>
      %mul3A_65 = arith.constant 5.000000e-01 : f32
      %mul3A_66 = vector.broadcast %mul3A_65 : f32 to vector<16xf32>
      %mul3A_67 = arith.mulf %mul3A_66, %get3A_50 : vector<16xf32>
      %mul3A_68 = arith.mulf %mul3A_67, %mul3A_64 : vector<16xf32>
      %mul3A_69 = arith.mulf %mul3A_68, %mul3A_64 : vector<16xf32>
      %sub3A_70 = arith.constant 1.500000e+00 : f32
      %sub3A_71 = vector.broadcast %sub3A_70 : f32 to vector<16xf32>
      %sub3A_72 = arith.subf %sub3A_71, %mul3A_69 : vector<16xf32>
      %mul3A_73 = arith.mulf %mul3A_64, %sub3A_72 : vector<16xf32>
      %mul3A_74 = arith.constant 5.000000e-01 : f32
      %mul3A_75 = vector.broadcast %mul3A_74 : f32 to vector<16xf32>
      %mul3A_76 = arith.mulf %mul3A_75, %get3A_50 : vector<16xf32>
      %mul3A_77 = arith.mulf %mul3A_76, %mul3A_73 : vector<16xf32>
      %mul3A_78 = arith.mulf %mul3A_77, %mul3A_73 : vector<16xf32>
      %sub3A_79 = arith.constant 1.500000e+00 : f32
      %sub3A_80 = vector.broadcast %sub3A_79 : f32 to vector<16xf32>
      %sub3A_81 = arith.subf %sub3A_80, %mul3A_78 : vector<16xf32>
      %mul3A_82 = arith.mulf %mul3A_73, %sub3A_81 : vector<16xf32>
      %mul3A_83 = arith.constant 16 : i32
      %mul3A_84 = arith.muli %scan3A_47, %mul3A_83 : i32
      %swap3A = arith.index_cast %mul3A_84 : i32 to index
      %swap3A_85 = tpu.vector_load %arg15[%swap3A] {strides = array<i32>} : memref<6272xf32, #tpu.memory_space<vmem>>, vector<16xf32>,
      tpu.vector_store %arg15[%swap3A], %mul3A_82 {strides = array<i32>} : memref<6272xf32, #tpu.memory_space<vmem>>, vector<16xf32>,
    }
    %scan3A_20 = arith.constant 392 : i32
    "tpu.region"() ({
      %run_scoped3A_47 = tpu.sem_alloc : memref<!tpu.dma_semaphore, #tpu.memory_space<semaphore_mem>>
      %dma_start3A = arith.constant 0 : i32
      %dma_start3A_48 = tpu.memref_slice %arg2[%mul3A_0, %dma_start3A] : memref<100352x2xf32, #tpu.memory_space<hbm>> -> memref<6272x2xf32, #tpu.memory_space<hbm>>
      %dma_start3A_49 = arith.constant 0 : i32
      %dma_start3A_50 = tpu.memref_slice %arg2[%mul3A_0, %dma_start3A_49] : memref<100352x2xf32, #tpu.memory_space<hbm>> -> memref<6272x2xf32, #tpu.memory_space<hbm>>
      tpu.enqueue_dma source(%dma_start3A_50 : memref<6272x2xf32, #tpu.memory_space<hbm>>) target(%arg16 : memref<6272x2xf32, #tpu.memory_space<vmem>>) target_semaphore(%run_scoped3A_47 : memref<!tpu.dma_semaphore, #tpu.memory_space<semaphore_mem>>)
      %dma_wait3A = arith.constant 0 : i32
      %dma_wait3A_51 = tpu.memref_slice %arg2[%mul3A_0, %dma_wait3A] : memref<100352x2xf32, #tpu.memory_space<hbm>> -> memref<6272x2xf32, #tpu.memory_space<hbm>>
      %dma_wait3A_52 = arith.constant 0 : i32
      %dma_wait3A_53 = tpu.memref_slice %arg2[%mul3A_0, %dma_wait3A_52] : memref<100352x2xf32, #tpu.memory_space<hbm>> -> memref<6272x2xf32, #tpu.memory_space<hbm>>
      tpu.wait_dma2 semaphore(%run_scoped3A_47 : memref<!tpu.dma_semaphore, #tpu.memory_space<semaphore_mem>>) src(%dma_wait3A_53 : memref<6272x2xf32, #tpu.memory_space<hbm>>) dst(%arg16 : memref<6272x2xf32, #tpu.memory_space<vmem>>)
      tpu.yield
    }) : () -> ()
    %run_scoped3A = arith.constant 0 : i32
    "tpu.region"() ({
      %run_scoped3A_47 = tpu.sem_alloc : memref<!tpu.dma_semaphore, #tpu.memory_space<semaphore_mem>>
      %dma_start3A = arith.constant 0 : i32
      %dma_start3A_48 = tpu.memref_slice %arg5[%run_scoped3A, %dma_start3A] : memref<10x96xf32, #tpu.memory_space<hbm>> -> memref<1x96xf32, #tpu.memory_space<hbm>>
      %dma_start3A_49 = tpu.memref_squeeze %dma_start3A_48 : memref<1x96xf32, #tpu.memory_space<hbm>> -> memref<96xf32, #tpu.memory_space<hbm>>
      %dma_start3A_50 = arith.constant 0 : i32
      %dma_start3A_51 = tpu.memref_slice %arg5[%run_scoped3A, %dma_start3A_50] : memref<10x96xf32, #tpu.memory_space<hbm>> -> memref<1x96xf32, #tpu.memory_space<hbm>>
      %dma_start3A_52 = tpu.memref_squeeze %dma_start3A_51 : memref<1x96xf32, #tpu.memory_space<hbm>> -> memref<96xf32, #tpu.memory_space<hbm>>
      tpu.enqueue_dma source(%dma_start3A_52 : memref<96xf32, #tpu.memory_space<hbm>>) target(%arg17 : memref<96xf32, #tpu.memory_space<vmem>>) target_semaphore(%run_scoped3A_47 : memref<!tpu.dma_semaphore, #tpu.memory_space<semaphore_mem>>)
      %dma_wait3A = arith.constant 0 : i32
      %dma_wait3A_53 = tpu.memref_slice %arg5[%run_scoped3A, %dma_wait3A] : memref<10x96xf32, #tpu.memory_space<hbm>> -> memref<1x96xf32, #tpu.memory_space<hbm>>
      %dma_wait3A_54 = tpu.memref_squeeze %dma_wait3A_53 : memref<1x96xf32, #tpu.memory_space<hbm>> -> memref<96xf32, #tpu.memory_space<hbm>>
      %dma_wait3A_55 = arith.constant 0 : i32
      %dma_wait3A_56 = tpu.memref_slice %arg5[%run_scoped3A, %dma_wait3A_55] : memref<10x96xf32, #tpu.memory_space<hbm>> -> memref<1x96xf32, #tpu.memory_space<hbm>>
      %dma_wait3A_57 = tpu.memref_squeeze %dma_wait3A_56 : memref<1x96xf32, #tpu.memory_space<hbm>> -> memref<96xf32, #tpu.memory_space<hbm>>
      tpu.wait_dma2 semaphore(%run_scoped3A_47 : memref<!tpu.dma_semaphore, #tpu.memory_space<semaphore_mem>>) src(%dma_wait3A_57 : memref<96xf32, #tpu.memory_space<hbm>>) dst(%arg17 : memref<96xf32, #tpu.memory_space<vmem>>)
      tpu.yield
    }) : () -> ()
    %scan3A_21 = arith.constant 0 : i32
    %scan3A_22 = arith.constant 0 : i32
    %scan3A_23 = arith.constant 392 : i32
    %scan3A_24 = arith.addi %scan3A_22, %scan3A_23 : i32
    %scan3A_25 = arith.constant 1 : i32
    scf.for %scan3A_47 = %scan3A_22 to %scan3A_24 step %scan3A_25  : i32 {
      %mul3A_48 = arith.constant 16 : i32
      %mul3A_49 = arith.muli %scan3A_47, %mul3A_48 : i32
      %iota3A = tpu.iota {dimensions = array<i32: 0>} : vector<16xi32>
      %mul3A_50 = arith.constant 16 : i32
      %mul3A_51 = arith.muli %scan3A_47, %mul3A_50 : i32
      %add3A = vector.broadcast %mul3A_51 : i32 to vector<16xi32>
      %add3A_52 = arith.addi %iota3A, %add3A : vector<16xi32>
      %broadcast_in_dim3A = arith.constant 0 : i32
      %broadcast_in_dim3A_53 = vector.broadcast %broadcast_in_dim3A : i32 to vector<16xi32>
      %broadcast_in_dim3A_54 = arith.constant 1 : i32
      %broadcast_in_dim3A_55 = vector.broadcast %broadcast_in_dim3A_54 : i32 to vector<16xi32>
      %get3A = arith.index_cast %mul3A_49 : i32 to index
      %get3A_56 = tpu.vector_load %arg15[%get3A] {strides = array<i32>} : memref<6272xf32, #tpu.memory_space<vmem>>, vector<16xf32>,
      %gather3A = tpu.vector_load_idx %arg16[%add3A_52, %broadcast_in_dim3A_53] : memref<6272x2xf32, #tpu.memory_space<vmem>>[vector<16xi32>, vector<16xi32>], vector<16xf32>,
      %gather3A_57 = tpu.vector_load_idx %arg16[%add3A_52, %broadcast_in_dim3A_55] : memref<6272x2xf32, #tpu.memory_space<vmem>>[vector<16xi32>, vector<16xi32>], vector<16xf32>,
      %get3A_58 = arith.constant 0 : index
      %get3A_59 = tpu.vector_load %arg17[%get3A_58] {strides = array<i32>} : memref<96xf32, #tpu.memory_space<vmem>>, vector<16xf32>,
      %mul3A_60 = arith.mulf %gather3A, %get3A_59 : vector<16xf32>
      %get3A_61 = arith.constant 16 : index
      %get3A_62 = tpu.vector_load %arg17[%get3A_61] {strides = array<i32>} : memref<96xf32, #tpu.memory_space<vmem>>, vector<16xf32>,
      %mul3A_63 = arith.mulf %gather3A_57, %get3A_62 : vector<16xf32>
      %add3A_64 = arith.addf %mul3A_60, %mul3A_63 : vector<16xf32>
      %get3A_65 = arith.constant 64 : index
      %get3A_66 = tpu.vector_load %arg17[%get3A_65] {strides = array<i32>} : memref<96xf32, #tpu.memory_space<vmem>>, vector<16xf32>,
      %add3A_67 = arith.addf %add3A_64, %get3A_66 : vector<16xf32>
      %get3A_68 = arith.constant 32 : index
      %get3A_69 = tpu.vector_load %arg17[%get3A_68] {strides = array<i32>} : memref<96xf32, #tpu.memory_space<vmem>>, vector<16xf32>,
      %mul3A_70 = arith.mulf %gather3A, %get3A_69 : vector<16xf32>
      %get3A_71 = arith.constant 48 : index
      %get3A_72 = tpu.vector_load %arg17[%get3A_71] {strides = array<i32>} : memref<96xf32, #tpu.memory_space<vmem>>, vector<16xf32>,
      %mul3A_73 = arith.mulf %gather3A_57, %get3A_72 : vector<16xf32>
      %add3A_74 = arith.addf %mul3A_70, %mul3A_73 : vector<16xf32>
      %get3A_75 = arith.constant 80 : index
      %get3A_76 = tpu.vector_load %arg17[%get3A_75] {strides = array<i32>} : memref<96xf32, #tpu.memory_space<vmem>>, vector<16xf32>,
      %add3A_77 = arith.addf %add3A_74, %get3A_76 : vector<16xf32>
      %mul3A_78 = arith.mulf %get3A_56, %add3A_67 : vector<16xf32>
      tpu.vector_store_idx %arg16[%add3A_52, %broadcast_in_dim3A_53], %mul3A_78 : memref<6272x2xf32, #tpu.memory_space<vmem>>[vector<16xi32>, vector<16xi32>], vector<16xf32>,
      %mul3A_79 = arith.mulf %get3A_56, %add3A_77 : vector<16xf32>
      tpu.vector_store_idx %arg16[%add3A_52, %broadcast_in_dim3A_55], %mul3A_79 : memref<6272x2xf32, #tpu.memory_space<vmem>>[vector<16xi32>, vector<16xi32>], vector<16xf32>,
    }
    %scan3A_26 = arith.constant 392 : i32
    "tpu.region"() ({
      %run_scoped3A_47 = tpu.sem_alloc : memref<!tpu.dma_semaphore, #tpu.memory_space<semaphore_mem>>
      %dma_start3A = arith.constant 0 : i32
      %dma_start3A_48 = tpu.memref_slice %arg9[%mul3A_0, %dma_start3A] : memref<100352x2xf32, #tpu.memory_space<vmem_shared>> -> memref<6272x2xf32, #tpu.memory_space<vmem_shared>>
      %dma_start3A_49 = arith.constant 0 : i32
      %dma_start3A_50 = tpu.memref_slice %arg9[%mul3A_0, %dma_start3A_49] : memref<100352x2xf32, #tpu.memory_space<vmem_shared>> -> memref<6272x2xf32, #tpu.memory_space<vmem_shared>>
      tpu.enqueue_dma source(%arg16 : memref<6272x2xf32, #tpu.memory_space<vmem>>) target(%dma_start3A_50 : memref<6272x2xf32, #tpu.memory_space<vmem_shared>>) target_semaphore(%run_scoped3A_47 : memref<!tpu.dma_semaphore, #tpu.memory_space<semaphore_mem>>)
      %dma_wait3A = arith.constant 0 : i32
      %dma_wait3A_51 = tpu.memref_slice %arg9[%mul3A_0, %dma_wait3A] : memref<100352x2xf32, #tpu.memory_space<vmem_shared>> -> memref<6272x2xf32, #tpu.memory_space<vmem_shared>>
      %dma_wait3A_52 = arith.constant 0 : i32
      %dma_wait3A_53 = tpu.memref_slice %arg9[%mul3A_0, %dma_wait3A_52] : memref<100352x2xf32, #tpu.memory_space<vmem_shared>> -> memref<6272x2xf32, #tpu.memory_space<vmem_shared>>
      tpu.wait_dma2 semaphore(%run_scoped3A_47 : memref<!tpu.dma_semaphore, #tpu.memory_space<semaphore_mem>>) src(%arg16 : memref<6272x2xf32, #tpu.memory_space<vmem>>) dst(%dma_wait3A_53 : memref<6272x2xf32, #tpu.memory_space<vmem_shared>>)
      tpu.yield
    }) : () -> ()
    "tpu.region"() ({
      %run_scoped3A_47 = tpu.sem_alloc : memref<!tpu.dma_semaphore, #tpu.memory_space<semaphore_mem>>
      %dma_start3A = arith.constant 0 : i32
      %dma_start3A_48 = tpu.memref_slice %arg10[%mul3A_0, %dma_start3A] : memref<100352x2xf32, #tpu.memory_space<vmem_shared>> -> memref<6272x2xf32, #tpu.memory_space<vmem_shared>>
      %dma_start3A_49 = arith.constant 0 : i32
      %dma_start3A_50 = tpu.memref_slice %arg10[%mul3A_0, %dma_start3A_49] : memref<100352x2xf32, #tpu.memory_space<vmem_shared>> -> memref<6272x2xf32, #tpu.memory_space<vmem_shared>>
      tpu.enqueue_dma source(%arg16 : memref<6272x2xf32, #tpu.memory_space<vmem>>) target(%dma_start3A_50 : memref<6272x2xf32, #tpu.memory_space<vmem_shared>>) target_semaphore(%run_scoped3A_47 : memref<!tpu.dma_semaphore, #tpu.memory_space<semaphore_mem>>)
      %dma_wait3A = arith.constant 0 : i32
      %dma_wait3A_51 = tpu.memref_slice %arg10[%mul3A_0, %dma_wait3A] : memref<100352x2xf32, #tpu.memory_space<vmem_shared>> -> memref<6272x2xf32, #tpu.memory_space<vmem_shared>>
      %dma_wait3A_52 = arith.constant 0 : i32
      %dma_wait3A_53 = tpu.memref_slice %arg10[%mul3A_0, %dma_wait3A_52] : memref<100352x2xf32, #tpu.memory_space<vmem_shared>> -> memref<6272x2xf32, #tpu.memory_space<vmem_shared>>
      tpu.wait_dma2 semaphore(%run_scoped3A_47 : memref<!tpu.dma_semaphore, #tpu.memory_space<semaphore_mem>>) src(%arg16 : memref<6272x2xf32, #tpu.memory_space<vmem>>) dst(%dma_wait3A_53 : memref<6272x2xf32, #tpu.memory_space<vmem_shared>>)
      tpu.yield
    }) : () -> ()
    %barrier3A_27 = arith.constant 0 : index
    tpu.barrier barrier_id(%barrier3A_27)
    %scan3A_28 = arith.constant 0 : i32
    %scan3A_29 = arith.constant 0 : i32
    %scan3A_30 = arith.constant 391 : i32
    %scan3A_31 = arith.addi %scan3A_29, %scan3A_30 : i32
    %scan3A_32 = arith.constant 1 : i32
    scf.for %scan3A_47 = %scan3A_29 to %scan3A_31 step %scan3A_32  : i32 {
      %mul3A_48 = arith.constant 8 : i32
      %mul3A_49 = arith.muli %scan3A_47, %mul3A_48 : i32
      %add3A = arith.addi %mul3A_2, %mul3A_49 : i32
      %dma_start3A = arith.constant 0 : i32
      %dma_start3A_50 = tpu.memref_slice %arg3[%add3A, %dma_start3A] : memref<50048x128xi32, #tpu.memory_space<hbm>> -> memref<8x128xi32, #tpu.memory_space<hbm>>
      %dma_start3A_51 = arith.constant 0 : i32
      %dma_start3A_52 = tpu.memref_slice %arg3[%add3A, %dma_start3A_51] : memref<50048x128xi32, #tpu.memory_space<hbm>> -> memref<8x128xi32, #tpu.memory_space<hbm>>
      tpu.enqueue_dma source(%dma_start3A_52 : memref<8x128xi32, #tpu.memory_space<hbm>>) target(%arg11 : memref<8x128xi32, #tpu.memory_space<vmem>>) target_semaphore(%arg18 : memref<!tpu.dma_semaphore, #tpu.memory_space<semaphore_mem>>)
      %dma_start3A_53 = arith.constant 0 : i32
      %dma_start3A_54 = tpu.memref_slice %arg4[%add3A, %dma_start3A_53] : memref<50048x128xi32, #tpu.memory_space<hbm>> -> memref<8x128xi32, #tpu.memory_space<hbm>>
      %dma_start3A_55 = arith.constant 0 : i32
      %dma_start3A_56 = tpu.memref_slice %arg4[%add3A, %dma_start3A_55] : memref<50048x128xi32, #tpu.memory_space<hbm>> -> memref<8x128xi32, #tpu.memory_space<hbm>>
      tpu.enqueue_dma source(%dma_start3A_56 : memref<8x128xi32, #tpu.memory_space<hbm>>) target(%arg12 : memref<8x128xi32, #tpu.memory_space<vmem>>) target_semaphore(%arg18 : memref<!tpu.dma_semaphore, #tpu.memory_space<semaphore_mem>>)
      %dma_wait3A = arith.constant 0 : i32
      %dma_wait3A_57 = tpu.memref_slice %arg3[%add3A, %dma_wait3A] : memref<50048x128xi32, #tpu.memory_space<hbm>> -> memref<8x128xi32, #tpu.memory_space<hbm>>
      %dma_wait3A_58 = arith.constant 0 : i32
      %dma_wait3A_59 = tpu.memref_slice %arg3[%add3A, %dma_wait3A_58] : memref<50048x128xi32, #tpu.memory_space<hbm>> -> memref<8x128xi32, #tpu.memory_space<hbm>>
      tpu.wait_dma2 semaphore(%arg18 : memref<!tpu.dma_semaphore, #tpu.memory_space<semaphore_mem>>) src(%dma_wait3A_59 : memref<8x128xi32, #tpu.memory_space<hbm>>) dst(%arg11 : memref<8x128xi32, #tpu.memory_space<vmem>>)
      %dma_start3A_60 = arith.constant 0 : i32
      %dma_start3A_61 = arith.constant 0 : i32
      %dma_start3A_62 = arith.constant 0 : i32
      %dma_start3A_63 = arith.constant 0 : i32
      %dma_start3A_64 = tpu.memref_slice %arg13[%dma_start3A_61, %dma_start3A_62, %dma_start3A_63] : memref<8x128x2xf32, #tpu.memory_space<vmem>> -> memref<1x128x2xf32, #tpu.memory_space<vmem>>
      %dma_start3A_65 = tpu.memref_squeeze %dma_start3A_64 : memref<1x128x2xf32, #tpu.memory_space<vmem>> -> memref<128x2xf32, #tpu.memory_space<vmem>>
      %dma_start3A_66 = arith.constant 0 : i32
      %dma_start3A_67 = tpu.memref_slice %arg11[%dma_start3A_60, %dma_start3A_66] : memref<8x128xi32, #tpu.memory_space<vmem>> -> memref<1x128xi32, #tpu.memory_space<vmem>>
      %dma_start3A_68 = tpu.memref_squeeze %dma_start3A_67 : memref<1x128xi32, #tpu.memory_space<vmem>> -> memref<128xi32, #tpu.memory_space<vmem>>
      %dma_start3A_69 = arith.constant 0 : i32
      %dma_start3A_70 = arith.constant 0 : i32
      %dma_start3A_71 = tpu.memref_slice %arg9[%dma_start3A_69, %dma_start3A_70] : memref<100352x2xf32, #tpu.memory_space<vmem_shared>> -> memref<100352x2xf32, #tpu.memory_space<vmem_shared>>
      tpu.enqueue_indirect_dma source(%dma_start3A_71 : memref<100352x2xf32, #tpu.memory_space<vmem_shared>>) target(%dma_start3A_65 : memref<128x2xf32, #tpu.memory_space<vmem>>) offsets(%dma_start3A_68 : memref<128xi32, #tpu.memory_space<vmem>>) semaphore(%arg19 : memref<!tpu.dma_semaphore, #tpu.memory_space<semaphore_mem>>)
      %dma_start3A_72 = arith.constant 1 : i32
      %dma_start3A_73 = arith.constant 1 : i32
      %dma_start3A_74 = arith.constant 0 : i32
      %dma_start3A_75 = arith.constant 0 : i32
      %dma_start3A_76 = tpu.memref_slice %arg13[%dma_start3A_73, %dma_start3A_74, %dma_start3A_75] : memref<8x128x2xf32, #tpu.memory_space<vmem>> -> memref<1x128x2xf32, #tpu.memory_space<vmem>>
      %dma_start3A_77 = tpu.memref_squeeze %dma_start3A_76 : memref<1x128x2xf32, #tpu.memory_space<vmem>> -> memref<128x2xf32, #tpu.memory_space<vmem>>
      %dma_start3A_78 = arith.constant 0 : i32
      %dma_start3A_79 = tpu.memref_slice %arg11[%dma_start3A_72, %dma_start3A_78] : memref<8x128xi32, #tpu.memory_space<vmem>> -> memref<1x128xi32, #tpu.memory_space<vmem>>
      %dma_start3A_80 = tpu.memref_squeeze %dma_start3A_79 : memref<1x128xi32, #tpu.memory_space<vmem>> -> memref<128xi32, #tpu.memory_space<vmem>>
      %dma_start3A_81 = arith.constant 0 : i32
      %dma_start3A_82 = arith.constant 0 : i32
      %dma_start3A_83 = tpu.memref_slice %arg9[%dma_start3A_81, %dma_start3A_82] : memref<100352x2xf32, #tpu.memory_space<vmem_shared>> -> memref<100352x2xf32, #tpu.memory_space<vmem_shared>>
      tpu.enqueue_indirect_dma source(%dma_start3A_83 : memref<100352x2xf32, #tpu.memory_space<vmem_shared>>) target(%dma_start3A_77 : memref<128x2xf32, #tpu.memory_space<vmem>>) offsets(%dma_start3A_80 : memref<128xi32, #tpu.memory_space<vmem>>) semaphore(%arg19 : memref<!tpu.dma_semaphore, #tpu.memory_space<semaphore_mem>>)
      %dma_start3A_84 = arith.constant 2 : i32
      %dma_start3A_85 = arith.constant 2 : i32
      %dma_start3A_86 = arith.constant 0 : i32
      %dma_start3A_87 = arith.constant 0 : i32
      %dma_start3A_88 = tpu.memref_slice %arg13[%dma_start3A_85, %dma_start3A_86, %dma_start3A_87] : memref<8x128x2xf32, #tpu.memory_space<vmem>> -> memref<1x128x2xf32, #tpu.memory_space<vmem>>
      %dma_start3A_89 = tpu.memref_squeeze %dma_start3A_88 : memref<1x128x2xf32, #tpu.memory_space<vmem>> -> memref<128x2xf32, #tpu.memory_space<vmem>>
      %dma_start3A_90 = arith.constant 0 : i32
      %dma_start3A_91 = tpu.memref_slice %arg11[%dma_start3A_84, %dma_start3A_90] : memref<8x128xi32, #tpu.memory_space<vmem>> -> memref<1x128xi32, #tpu.memory_space<vmem>>
      %dma_start3A_92 = tpu.memref_squeeze %dma_start3A_91 : memref<1x128xi32, #tpu.memory_space<vmem>> -> memref<128xi32, #tpu.memory_space<vmem>>
      %dma_start3A_93 = arith.constant 0 : i32
      %dma_start3A_94 = arith.constant 0 : i32
      %dma_start3A_95 = tpu.memref_slice %arg9[%dma_start3A_93, %dma_start3A_94] : memref<100352x2xf32, #tpu.memory_space<vmem_shared>> -> memref<100352x2xf32, #tpu.memory_space<vmem_shared>>
      tpu.enqueue_indirect_dma source(%dma_start3A_95 : memref<100352x2xf32, #tpu.memory_space<vmem_shared>>) target(%dma_start3A_89 : memref<128x2xf32, #tpu.memory_space<vmem>>) offsets(%dma_start3A_92 : memref<128xi32, #tpu.memory_space<vmem>>) semaphore(%arg19 : memref<!tpu.dma_semaphore, #tpu.memory_space<semaphore_mem>>)
      %dma_start3A_96 = arith.constant 3 : i32
      %dma_start3A_97 = arith.constant 3 : i32
      %dma_start3A_98 = arith.constant 0 : i32
      %dma_start3A_99 = arith.constant 0 : i32
      %dma_start3A_100 = tpu.memref_slice %arg13[%dma_start3A_97, %dma_start3A_98, %dma_start3A_99] : memref<8x128x2xf32, #tpu.memory_space<vmem>> -> memref<1x128x2xf32, #tpu.memory_space<vmem>>
      %dma_start3A_101 = tpu.memref_squeeze %dma_start3A_100 : memref<1x128x2xf32, #tpu.memory_space<vmem>> -> memref<128x2xf32, #tpu.memory_space<vmem>>
      %dma_start3A_102 = arith.constant 0 : i32
      %dma_start3A_103 = tpu.memref_slice %arg11[%dma_start3A_96, %dma_start3A_102] : memref<8x128xi32, #tpu.memory_space<vmem>> -> memref<1x128xi32, #tpu.memory_space<vmem>>
      %dma_start3A_104 = tpu.memref_squeeze %dma_start3A_103 : memref<1x128xi32, #tpu.memory_space<vmem>> -> memref<128xi32, #tpu.memory_space<vmem>>
      %dma_start3A_105 = arith.constant 0 : i32
      %dma_start3A_106 = arith.constant 0 : i32
      %dma_start3A_107 = tpu.memref_slice %arg9[%dma_start3A_105, %dma_start3A_106] : memref<100352x2xf32, #tpu.memory_space<vmem_shared>> -> memref<100352x2xf32, #tpu.memory_space<vmem_shared>>
      tpu.enqueue_indirect_dma source(%dma_start3A_107 : memref<100352x2xf32, #tpu.memory_space<vmem_shared>>) target(%dma_start3A_101 : memref<128x2xf32, #tpu.memory_space<vmem>>) offsets(%dma_start3A_104 : memref<128xi32, #tpu.memory_space<vmem>>) semaphore(%arg19 : memref<!tpu.dma_semaphore, #tpu.memory_space<semaphore_mem>>)
      %dma_start3A_108 = arith.constant 4 : i32
      %dma_start3A_109 = arith.constant 4 : i32
      %dma_start3A_110 = arith.constant 0 : i32
      %dma_start3A_111 = arith.constant 0 : i32
      %dma_start3A_112 = tpu.memref_slice %arg13[%dma_start3A_109, %dma_start3A_110, %dma_start3A_111] : memref<8x128x2xf32, #tpu.memory_space<vmem>> -> memref<1x128x2xf32, #tpu.memory_space<vmem>>
      %dma_start3A_113 = tpu.memref_squeeze %dma_start3A_112 : memref<1x128x2xf32, #tpu.memory_space<vmem>> -> memref<128x2xf32, #tpu.memory_space<vmem>>
      %dma_start3A_114 = arith.constant 0 : i32
      %dma_start3A_115 = tpu.memref_slice %arg11[%dma_start3A_108, %dma_start3A_114] : memref<8x128xi32, #tpu.memory_space<vmem>> -> memref<1x128xi32, #tpu.memory_space<vmem>>
      %dma_start3A_116 = tpu.memref_squeeze %dma_start3A_115 : memref<1x128xi32, #tpu.memory_space<vmem>> -> memref<128xi32, #tpu.memory_space<vmem>>
      %dma_start3A_117 = arith.constant 0 : i32
      %dma_start3A_118 = arith.constant 0 : i32
      %dma_start3A_119 = tpu.memref_slice %arg9[%dma_start3A_117, %dma_start3A_118] : memref<100352x2xf32, #tpu.memory_space<vmem_shared>> -> memref<100352x2xf32, #tpu.memory_space<vmem_shared>>
      tpu.enqueue_indirect_dma source(%dma_start3A_119 : memref<100352x2xf32, #tpu.memory_space<vmem_shared>>) target(%dma_start3A_113 : memref<128x2xf32, #tpu.memory_space<vmem>>) offsets(%dma_start3A_116 : memref<128xi32, #tpu.memory_space<vmem>>) semaphore(%arg19 : memref<!tpu.dma_semaphore, #tpu.memory_space<semaphore_mem>>)
      %dma_start3A_120 = arith.constant 5 : i32
      %dma_start3A_121 = arith.constant 5 : i32
      %dma_start3A_122 = arith.constant 0 : i32
      %dma_start3A_123 = arith.constant 0 : i32
      %dma_start3A_124 = tpu.memref_slice %arg13[%dma_start3A_121, %dma_start3A_122, %dma_start3A_123] : memref<8x128x2xf32, #tpu.memory_space<vmem>> -> memref<1x128x2xf32, #tpu.memory_space<vmem>>
      %dma_start3A_125 = tpu.memref_squeeze %dma_start3A_124 : memref<1x128x2xf32, #tpu.memory_space<vmem>> -> memref<128x2xf32, #tpu.memory_space<vmem>>
      %dma_start3A_126 = arith.constant 0 : i32
      %dma_start3A_127 = tpu.memref_slice %arg11[%dma_start3A_120, %dma_start3A_126] : memref<8x128xi32, #tpu.memory_space<vmem>> -> memref<1x128xi32, #tpu.memory_space<vmem>>
      %dma_start3A_128 = tpu.memref_squeeze %dma_start3A_127 : memref<1x128xi32, #tpu.memory_space<vmem>> -> memref<128xi32, #tpu.memory_space<vmem>>
      %dma_start3A_129 = arith.constant 0 : i32
      %dma_start3A_130 = arith.constant 0 : i32
      %dma_start3A_131 = tpu.memref_slice %arg9[%dma_start3A_129, %dma_start3A_130] : memref<100352x2xf32, #tpu.memory_space<vmem_shared>> -> memref<100352x2xf32, #tpu.memory_space<vmem_shared>>
      tpu.enqueue_indirect_dma source(%dma_start3A_131 : memref<100352x2xf32, #tpu.memory_space<vmem_shared>>) target(%dma_start3A_125 : memref<128x2xf32, #tpu.memory_space<vmem>>) offsets(%dma_start3A_128 : memref<128xi32, #tpu.memory_space<vmem>>) semaphore(%arg19 : memref<!tpu.dma_semaphore, #tpu.memory_space<semaphore_mem>>)
      %dma_start3A_132 = arith.constant 6 : i32
      %dma_start3A_133 = arith.constant 6 : i32
      %dma_start3A_134 = arith.constant 0 : i32
      %dma_start3A_135 = arith.constant 0 : i32
      %dma_start3A_136 = tpu.memref_slice %arg13[%dma_start3A_133, %dma_start3A_134, %dma_start3A_135] : memref<8x128x2xf32, #tpu.memory_space<vmem>> -> memref<1x128x2xf32, #tpu.memory_space<vmem>>
      %dma_start3A_137 = tpu.memref_squeeze %dma_start3A_136 : memref<1x128x2xf32, #tpu.memory_space<vmem>> -> memref<128x2xf32, #tpu.memory_space<vmem>>
      %dma_start3A_138 = arith.constant 0 : i32
      %dma_start3A_139 = tpu.memref_slice %arg11[%dma_start3A_132, %dma_start3A_138] : memref<8x128xi32, #tpu.memory_space<vmem>> -> memref<1x128xi32, #tpu.memory_space<vmem>>
      %dma_start3A_140 = tpu.memref_squeeze %dma_start3A_139 : memref<1x128xi32, #tpu.memory_space<vmem>> -> memref<128xi32, #tpu.memory_space<vmem>>
      %dma_start3A_141 = arith.constant 0 : i32
      %dma_start3A_142 = arith.constant 0 : i32
      %dma_start3A_143 = tpu.memref_slice %arg9[%dma_start3A_141, %dma_start3A_142] : memref<100352x2xf32, #tpu.memory_space<vmem_shared>> -> memref<100352x2xf32, #tpu.memory_space<vmem_shared>>
      tpu.enqueue_indirect_dma source(%dma_start3A_143 : memref<100352x2xf32, #tpu.memory_space<vmem_shared>>) target(%dma_start3A_137 : memref<128x2xf32, #tpu.memory_space<vmem>>) offsets(%dma_start3A_140 : memref<128xi32, #tpu.memory_space<vmem>>) semaphore(%arg19 : memref<!tpu.dma_semaphore, #tpu.memory_space<semaphore_mem>>)
      %dma_start3A_144 = arith.constant 7 : i32
      %dma_start3A_145 = arith.constant 7 : i32
      %dma_start3A_146 = arith.constant 0 : i32
      %dma_start3A_147 = arith.constant 0 : i32
      %dma_start3A_148 = tpu.memref_slice %arg13[%dma_start3A_145, %dma_start3A_146, %dma_start3A_147] : memref<8x128x2xf32, #tpu.memory_space<vmem>> -> memref<1x128x2xf32, #tpu.memory_space<vmem>>
      %dma_start3A_149 = tpu.memref_squeeze %dma_start3A_148 : memref<1x128x2xf32, #tpu.memory_space<vmem>> -> memref<128x2xf32, #tpu.memory_space<vmem>>
      %dma_start3A_150 = arith.constant 0 : i32
      %dma_start3A_151 = tpu.memref_slice %arg11[%dma_start3A_144, %dma_start3A_150] : memref<8x128xi32, #tpu.memory_space<vmem>> -> memref<1x128xi32, #tpu.memory_space<vmem>>
      %dma_start3A_152 = tpu.memref_squeeze %dma_start3A_151 : memref<1x128xi32, #tpu.memory_space<vmem>> -> memref<128xi32, #tpu.memory_space<vmem>>
      %dma_start3A_153 = arith.constant 0 : i32
      %dma_start3A_154 = arith.constant 0 : i32
      %dma_start3A_155 = tpu.memref_slice %arg9[%dma_start3A_153, %dma_start3A_154] : memref<100352x2xf32, #tpu.memory_space<vmem_shared>> -> memref<100352x2xf32, #tpu.memory_space<vmem_shared>>
      tpu.enqueue_indirect_dma source(%dma_start3A_155 : memref<100352x2xf32, #tpu.memory_space<vmem_shared>>) target(%dma_start3A_149 : memref<128x2xf32, #tpu.memory_space<vmem>>) offsets(%dma_start3A_152 : memref<128xi32, #tpu.memory_space<vmem>>) semaphore(%arg19 : memref<!tpu.dma_semaphore, #tpu.memory_space<semaphore_mem>>)
      %dma_wait3A_156 = arith.constant 0 : i32
      %dma_wait3A_157 = tpu.memref_slice %arg4[%add3A, %dma_wait3A_156] : memref<50048x128xi32, #tpu.memory_space<hbm>> -> memref<8x128xi32, #tpu.memory_space<hbm>>
      %dma_wait3A_158 = arith.constant 0 : i32
      %dma_wait3A_159 = tpu.memref_slice %arg4[%add3A, %dma_wait3A_158] : memref<50048x128xi32, #tpu.memory_space<hbm>> -> memref<8x128xi32, #tpu.memory_space<hbm>>
      tpu.wait_dma2 semaphore(%arg18 : memref<!tpu.dma_semaphore, #tpu.memory_space<semaphore_mem>>) src(%dma_wait3A_159 : memref<8x128xi32, #tpu.memory_space<hbm>>) dst(%arg12 : memref<8x128xi32, #tpu.memory_space<vmem>>)
      %dma_wait3A_160 = arith.constant 0 : i32
      %dma_wait3A_161 = arith.constant 0 : i32
      %dma_wait3A_162 = arith.constant 0 : i32
      %dma_wait3A_163 = arith.constant 0 : i32
      %dma_wait3A_164 = tpu.memref_slice %arg13[%dma_wait3A_161, %dma_wait3A_162, %dma_wait3A_163] : memref<8x128x2xf32, #tpu.memory_space<vmem>> -> memref<1x128x2xf32, #tpu.memory_space<vmem>>
      %dma_wait3A_165 = tpu.memref_squeeze %dma_wait3A_164 : memref<1x128x2xf32, #tpu.memory_space<vmem>> -> memref<128x2xf32, #tpu.memory_space<vmem>>
      %dma_wait3A_166 = arith.constant 0 : i32
      %dma_wait3A_167 = tpu.memref_slice %arg11[%dma_wait3A_160, %dma_wait3A_166] : memref<8x128xi32, #tpu.memory_space<vmem>> -> memref<1x128xi32, #tpu.memory_space<vmem>>
      %dma_wait3A_168 = tpu.memref_squeeze %dma_wait3A_167 : memref<1x128xi32, #tpu.memory_space<vmem>> -> memref<128xi32, #tpu.memory_space<vmem>>
      %dma_wait3A_169 = arith.constant 0 : i32
      %dma_wait3A_170 = arith.constant 0 : i32
      %dma_wait3A_171 = tpu.memref_slice %arg9[%dma_wait3A_169, %dma_wait3A_170] : memref<100352x2xf32, #tpu.memory_space<vmem_shared>> -> memref<100352x2xf32, #tpu.memory_space<vmem_shared>>
      tpu.wait_indirect_dma semaphore(%arg19 : memref<!tpu.dma_semaphore, #tpu.memory_space<semaphore_mem>>) src(%dma_wait3A_171 : memref<100352x2xf32, #tpu.memory_space<vmem_shared>>) dst(%dma_wait3A_165 : memref<128x2xf32, #tpu.memory_space<vmem>>)
      %dma_wait3A_172 = arith.constant 1 : i32
      %dma_wait3A_173 = arith.constant 1 : i32
      %dma_wait3A_174 = arith.constant 0 : i32
      %dma_wait3A_175 = arith.constant 0 : i32
      %dma_wait3A_176 = tpu.memref_slice %arg13[%dma_wait3A_173, %dma_wait3A_174, %dma_wait3A_175] : memref<8x128x2xf32, #tpu.memory_space<vmem>> -> memref<1x128x2xf32, #tpu.memory_space<vmem>>
      %dma_wait3A_177 = tpu.memref_squeeze %dma_wait3A_176 : memref<1x128x2xf32, #tpu.memory_space<vmem>> -> memref<128x2xf32, #tpu.memory_space<vmem>>
      %dma_wait3A_178 = arith.constant 0 : i32
      %dma_wait3A_179 = tpu.memref_slice %arg11[%dma_wait3A_172, %dma_wait3A_178] : memref<8x128xi32, #tpu.memory_space<vmem>> -> memref<1x128xi32, #tpu.memory_space<vmem>>
      %dma_wait3A_180 = tpu.memref_squeeze %dma_wait3A_179 : memref<1x128xi32, #tpu.memory_space<vmem>> -> memref<128xi32, #tpu.memory_space<vmem>>
      %dma_wait3A_181 = arith.constant 0 : i32
      %dma_wait3A_182 = arith.constant 0 : i32
      %dma_wait3A_183 = tpu.memref_slice %arg9[%dma_wait3A_181, %dma_wait3A_182] : memref<100352x2xf32, #tpu.memory_space<vmem_shared>> -> memref<100352x2xf32, #tpu.memory_space<vmem_shared>>
      tpu.wait_indirect_dma semaphore(%arg19 : memref<!tpu.dma_semaphore, #tpu.memory_space<semaphore_mem>>) src(%dma_wait3A_183 : memref<100352x2xf32, #tpu.memory_space<vmem_shared>>) dst(%dma_wait3A_177 : memref<128x2xf32, #tpu.memory_space<vmem>>)
      %dma_wait3A_184 = arith.constant 2 : i32
      %dma_wait3A_185 = arith.constant 2 : i32
      %dma_wait3A_186 = arith.constant 0 : i32
      %dma_wait3A_187 = arith.constant 0 : i32
      %dma_wait3A_188 = tpu.memref_slice %arg13[%dma_wait3A_185, %dma_wait3A_186, %dma_wait3A_187] : memref<8x128x2xf32, #tpu.memory_space<vmem>> -> memref<1x128x2xf32, #tpu.memory_space<vmem>>
      %dma_wait3A_189 = tpu.memref_squeeze %dma_wait3A_188 : memref<1x128x2xf32, #tpu.memory_space<vmem>> -> memref<128x2xf32, #tpu.memory_space<vmem>>
      %dma_wait3A_190 = arith.constant 0 : i32
      %dma_wait3A_191 = tpu.memref_slice %arg11[%dma_wait3A_184, %dma_wait3A_190] : memref<8x128xi32, #tpu.memory_space<vmem>> -> memref<1x128xi32, #tpu.memory_space<vmem>>
      %dma_wait3A_192 = tpu.memref_squeeze %dma_wait3A_191 : memref<1x128xi32, #tpu.memory_space<vmem>> -> memref<128xi32, #tpu.memory_space<vmem>>
      %dma_wait3A_193 = arith.constant 0 : i32
      %dma_wait3A_194 = arith.constant 0 : i32
      %dma_wait3A_195 = tpu.memref_slice %arg9[%dma_wait3A_193, %dma_wait3A_194] : memref<100352x2xf32, #tpu.memory_space<vmem_shared>> -> memref<100352x2xf32, #tpu.memory_space<vmem_shared>>
      tpu.wait_indirect_dma semaphore(%arg19 : memref<!tpu.dma_semaphore, #tpu.memory_space<semaphore_mem>>) src(%dma_wait3A_195 : memref<100352x2xf32, #tpu.memory_space<vmem_shared>>) dst(%dma_wait3A_189 : memref<128x2xf32, #tpu.memory_space<vmem>>)
      %dma_wait3A_196 = arith.constant 3 : i32
      %dma_wait3A_197 = arith.constant 3 : i32
      %dma_wait3A_198 = arith.constant 0 : i32
      %dma_wait3A_199 = arith.constant 0 : i32
      %dma_wait3A_200 = tpu.memref_slice %arg13[%dma_wait3A_197, %dma_wait3A_198, %dma_wait3A_199] : memref<8x128x2xf32, #tpu.memory_space<vmem>> -> memref<1x128x2xf32, #tpu.memory_space<vmem>>
      %dma_wait3A_201 = tpu.memref_squeeze %dma_wait3A_200 : memref<1x128x2xf32, #tpu.memory_space<vmem>> -> memref<128x2xf32, #tpu.memory_space<vmem>>
      %dma_wait3A_202 = arith.constant 0 : i32
      %dma_wait3A_203 = tpu.memref_slice %arg11[%dma_wait3A_196, %dma_wait3A_202] : memref<8x128xi32, #tpu.memory_space<vmem>> -> memref<1x128xi32, #tpu.memory_space<vmem>>
      %dma_wait3A_204 = tpu.memref_squeeze %dma_wait3A_203 : memref<1x128xi32, #tpu.memory_space<vmem>> -> memref<128xi32, #tpu.memory_space<vmem>>
      %dma_wait3A_205 = arith.constant 0 : i32
      %dma_wait3A_206 = arith.constant 0 : i32
      %dma_wait3A_207 = tpu.memref_slice %arg9[%dma_wait3A_205, %dma_wait3A_206] : memref<100352x2xf32, #tpu.memory_space<vmem_shared>> -> memref<100352x2xf32, #tpu.memory_space<vmem_shared>>
      tpu.wait_indirect_dma semaphore(%arg19 : memref<!tpu.dma_semaphore, #tpu.memory_space<semaphore_mem>>) src(%dma_wait3A_207 : memref<100352x2xf32, #tpu.memory_space<vmem_shared>>) dst(%dma_wait3A_201 : memref<128x2xf32, #tpu.memory_space<vmem>>)
      %dma_wait3A_208 = arith.constant 4 : i32
      %dma_wait3A_209 = arith.constant 4 : i32
      %dma_wait3A_210 = arith.constant 0 : i32
      %dma_wait3A_211 = arith.constant 0 : i32
      %dma_wait3A_212 = tpu.memref_slice %arg13[%dma_wait3A_209, %dma_wait3A_210, %dma_wait3A_211] : memref<8x128x2xf32, #tpu.memory_space<vmem>> -> memref<1x128x2xf32, #tpu.memory_space<vmem>>
      %dma_wait3A_213 = tpu.memref_squeeze %dma_wait3A_212 : memref<1x128x2xf32, #tpu.memory_space<vmem>> -> memref<128x2xf32, #tpu.memory_space<vmem>>
      %dma_wait3A_214 = arith.constant 0 : i32
      %dma_wait3A_215 = tpu.memref_slice %arg11[%dma_wait3A_208, %dma_wait3A_214] : memref<8x128xi32, #tpu.memory_space<vmem>> -> memref<1x128xi32, #tpu.memory_space<vmem>>
      %dma_wait3A_216 = tpu.memref_squeeze %dma_wait3A_215 : memref<1x128xi32, #tpu.memory_space<vmem>> -> memref<128xi32, #tpu.memory_space<vmem>>
      %dma_wait3A_217 = arith.constant 0 : i32
      %dma_wait3A_218 = arith.constant 0 : i32
      %dma_wait3A_219 = tpu.memref_slice %arg9[%dma_wait3A_217, %dma_wait3A_218] : memref<100352x2xf32, #tpu.memory_space<vmem_shared>> -> memref<100352x2xf32, #tpu.memory_space<vmem_shared>>
      tpu.wait_indirect_dma semaphore(%arg19 : memref<!tpu.dma_semaphore, #tpu.memory_space<semaphore_mem>>) src(%dma_wait3A_219 : memref<100352x2xf32, #tpu.memory_space<vmem_shared>>) dst(%dma_wait3A_213 : memref<128x2xf32, #tpu.memory_space<vmem>>)
      %dma_wait3A_220 = arith.constant 5 : i32
      %dma_wait3A_221 = arith.constant 5 : i32
      %dma_wait3A_222 = arith.constant 0 : i32
      %dma_wait3A_223 = arith.constant 0 : i32
      %dma_wait3A_224 = tpu.memref_slice %arg13[%dma_wait3A_221, %dma_wait3A_222, %dma_wait3A_223] : memref<8x128x2xf32, #tpu.memory_space<vmem>> -> memref<1x128x2xf32, #tpu.memory_space<vmem>>
      %dma_wait3A_225 = tpu.memref_squeeze %dma_wait3A_224 : memref<1x128x2xf32, #tpu.memory_space<vmem>> -> memref<128x2xf32, #tpu.memory_space<vmem>>
      %dma_wait3A_226 = arith.constant 0 : i32
      %dma_wait3A_227 = tpu.memref_slice %arg11[%dma_wait3A_220, %dma_wait3A_226] : memref<8x128xi32, #tpu.memory_space<vmem>> -> memref<1x128xi32, #tpu.memory_space<vmem>>
      %dma_wait3A_228 = tpu.memref_squeeze %dma_wait3A_227 : memref<1x128xi32, #tpu.memory_space<vmem>> -> memref<128xi32, #tpu.memory_space<vmem>>
      %dma_wait3A_229 = arith.constant 0 : i32
      %dma_wait3A_230 = arith.constant 0 : i32
      %dma_wait3A_231 = tpu.memref_slice %arg9[%dma_wait3A_229, %dma_wait3A_230] : memref<100352x2xf32, #tpu.memory_space<vmem_shared>> -> memref<100352x2xf32, #tpu.memory_space<vmem_shared>>
      tpu.wait_indirect_dma semaphore(%arg19 : memref<!tpu.dma_semaphore, #tpu.memory_space<semaphore_mem>>) src(%dma_wait3A_231 : memref<100352x2xf32, #tpu.memory_space<vmem_shared>>) dst(%dma_wait3A_225 : memref<128x2xf32, #tpu.memory_space<vmem>>)
      %dma_wait3A_232 = arith.constant 6 : i32
      %dma_wait3A_233 = arith.constant 6 : i32
      %dma_wait3A_234 = arith.constant 0 : i32
      %dma_wait3A_235 = arith.constant 0 : i32
      %dma_wait3A_236 = tpu.memref_slice %arg13[%dma_wait3A_233, %dma_wait3A_234, %dma_wait3A_235] : memref<8x128x2xf32, #tpu.memory_space<vmem>> -> memref<1x128x2xf32, #tpu.memory_space<vmem>>
      %dma_wait3A_237 = tpu.memref_squeeze %dma_wait3A_236 : memref<1x128x2xf32, #tpu.memory_space<vmem>> -> memref<128x2xf32, #tpu.memory_space<vmem>>
      %dma_wait3A_238 = arith.constant 0 : i32
      %dma_wait3A_239 = tpu.memref_slice %arg11[%dma_wait3A_232, %dma_wait3A_238] : memref<8x128xi32, #tpu.memory_space<vmem>> -> memref<1x128xi32, #tpu.memory_space<vmem>>
      %dma_wait3A_240 = tpu.memref_squeeze %dma_wait3A_239 : memref<1x128xi32, #tpu.memory_space<vmem>> -> memref<128xi32, #tpu.memory_space<vmem>>
      %dma_wait3A_241 = arith.constant 0 : i32
      %dma_wait3A_242 = arith.constant 0 : i32
      %dma_wait3A_243 = tpu.memref_slice %arg9[%dma_wait3A_241, %dma_wait3A_242] : memref<100352x2xf32, #tpu.memory_space<vmem_shared>> -> memref<100352x2xf32, #tpu.memory_space<vmem_shared>>
      tpu.wait_indirect_dma semaphore(%arg19 : memref<!tpu.dma_semaphore, #tpu.memory_space<semaphore_mem>>) src(%dma_wait3A_243 : memref<100352x2xf32, #tpu.memory_space<vmem_shared>>) dst(%dma_wait3A_237 : memref<128x2xf32, #tpu.memory_space<vmem>>)
      %dma_wait3A_244 = arith.constant 7 : i32
      %dma_wait3A_245 = arith.constant 7 : i32
      %dma_wait3A_246 = arith.constant 0 : i32
      %dma_wait3A_247 = arith.constant 0 : i32
      %dma_wait3A_248 = tpu.memref_slice %arg13[%dma_wait3A_245, %dma_wait3A_246, %dma_wait3A_247] : memref<8x128x2xf32, #tpu.memory_space<vmem>> -> memref<1x128x2xf32, #tpu.memory_space<vmem>>
      %dma_wait3A_249 = tpu.memref_squeeze %dma_wait3A_248 : memref<1x128x2xf32, #tpu.memory_space<vmem>> -> memref<128x2xf32, #tpu.memory_space<vmem>>
      %dma_wait3A_250 = arith.constant 0 : i32
      %dma_wait3A_251 = tpu.memref_slice %arg11[%dma_wait3A_244, %dma_wait3A_250] : memref<8x128xi32, #tpu.memory_space<vmem>> -> memref<1x128xi32, #tpu.memory_space<vmem>>
      %dma_wait3A_252 = tpu.memref_squeeze %dma_wait3A_251 : memref<1x128xi32, #tpu.memory_space<vmem>> -> memref<128xi32, #tpu.memory_space<vmem>>
      %dma_wait3A_253 = arith.constant 0 : i32
      %dma_wait3A_254 = arith.constant 0 : i32
      %dma_wait3A_255 = tpu.memref_slice %arg9[%dma_wait3A_253, %dma_wait3A_254] : memref<100352x2xf32, #tpu.memory_space<vmem_shared>> -> memref<100352x2xf32, #tpu.memory_space<vmem_shared>>
      tpu.wait_indirect_dma semaphore(%arg19 : memref<!tpu.dma_semaphore, #tpu.memory_space<semaphore_mem>>) src(%dma_wait3A_255 : memref<100352x2xf32, #tpu.memory_space<vmem_shared>>) dst(%dma_wait3A_249 : memref<128x2xf32, #tpu.memory_space<vmem>>)
      %dma_start3A_256 = arith.constant 0 : i32
      %dma_start3A_257 = arith.constant 0 : i32
      %dma_start3A_258 = arith.constant 0 : i32
      %dma_start3A_259 = arith.constant 0 : i32
      %dma_start3A_260 = tpu.memref_slice %arg13[%dma_start3A_256, %dma_start3A_258, %dma_start3A_259] : memref<8x128x2xf32, #tpu.memory_space<vmem>> -> memref<1x128x2xf32, #tpu.memory_space<vmem>>
      %dma_start3A_261 = tpu.memref_squeeze %dma_start3A_260 : memref<1x128x2xf32, #tpu.memory_space<vmem>> -> memref<128x2xf32, #tpu.memory_space<vmem>>
      %dma_start3A_262 = arith.constant 0 : i32
      %dma_start3A_263 = tpu.memref_slice %arg12[%dma_start3A_257, %dma_start3A_262] : memref<8x128xi32, #tpu.memory_space<vmem>> -> memref<1x128xi32, #tpu.memory_space<vmem>>
      %dma_start3A_264 = tpu.memref_squeeze %dma_start3A_263 : memref<1x128xi32, #tpu.memory_space<vmem>> -> memref<128xi32, #tpu.memory_space<vmem>>
      %dma_start3A_265 = arith.constant 0 : i32
      %dma_start3A_266 = arith.constant 0 : i32
      %dma_start3A_267 = tpu.memref_slice %arg10[%dma_start3A_265, %dma_start3A_266] : memref<100352x2xf32, #tpu.memory_space<vmem_shared>> -> memref<100352x2xf32, #tpu.memory_space<vmem_shared>>
      tpu.enqueue_indirect_dma source(%dma_start3A_261 : memref<128x2xf32, #tpu.memory_space<vmem>>) target(%dma_start3A_267 : memref<100352x2xf32, #tpu.memory_space<vmem_shared>>) offsets(%dma_start3A_264 : memref<128xi32, #tpu.memory_space<vmem>>) semaphore(%arg20 : memref<!tpu.dma_semaphore, #tpu.memory_space<semaphore_mem>>) {add = true}
      %dma_start3A_268 = arith.constant 1 : i32
      %dma_start3A_269 = arith.constant 1 : i32
      %dma_start3A_270 = arith.constant 0 : i32
      %dma_start3A_271 = arith.constant 0 : i32
      %dma_start3A_272 = tpu.memref_slice %arg13[%dma_start3A_268, %dma_start3A_270, %dma_start3A_271] : memref<8x128x2xf32, #tpu.memory_space<vmem>> -> memref<1x128x2xf32, #tpu.memory_space<vmem>>
      %dma_start3A_273 = tpu.memref_squeeze %dma_start3A_272 : memref<1x128x2xf32, #tpu.memory_space<vmem>> -> memref<128x2xf32, #tpu.memory_space<vmem>>
      %dma_start3A_274 = arith.constant 0 : i32
      %dma_start3A_275 = tpu.memref_slice %arg12[%dma_start3A_269, %dma_start3A_274] : memref<8x128xi32, #tpu.memory_space<vmem>> -> memref<1x128xi32, #tpu.memory_space<vmem>>
      %dma_start3A_276 = tpu.memref_squeeze %dma_start3A_275 : memref<1x128xi32, #tpu.memory_space<vmem>> -> memref<128xi32, #tpu.memory_space<vmem>>
      %dma_start3A_277 = arith.constant 0 : i32
      %dma_start3A_278 = arith.constant 0 : i32
      %dma_start3A_279 = tpu.memref_slice %arg10[%dma_start3A_277, %dma_start3A_278] : memref<100352x2xf32, #tpu.memory_space<vmem_shared>> -> memref<100352x2xf32, #tpu.memory_space<vmem_shared>>
      tpu.enqueue_indirect_dma source(%dma_start3A_273 : memref<128x2xf32, #tpu.memory_space<vmem>>) target(%dma_start3A_279 : memref<100352x2xf32, #tpu.memory_space<vmem_shared>>) offsets(%dma_start3A_276 : memref<128xi32, #tpu.memory_space<vmem>>) semaphore(%arg20 : memref<!tpu.dma_semaphore, #tpu.memory_space<semaphore_mem>>) {add = true}
      %dma_start3A_280 = arith.constant 2 : i32
      %dma_start3A_281 = arith.constant 2 : i32
      %dma_start3A_282 = arith.constant 0 : i32
      %dma_start3A_283 = arith.constant 0 : i32
      %dma_start3A_284 = tpu.memref_slice %arg13[%dma_start3A_280, %dma_start3A_282, %dma_start3A_283] : memref<8x128x2xf32, #tpu.memory_space<vmem>> -> memref<1x128x2xf32, #tpu.memory_space<vmem>>
      %dma_start3A_285 = tpu.memref_squeeze %dma_start3A_284 : memref<1x128x2xf32, #tpu.memory_space<vmem>> -> memref<128x2xf32, #tpu.memory_space<vmem>>
      %dma_start3A_286 = arith.constant 0 : i32
      %dma_start3A_287 = tpu.memref_slice %arg12[%dma_start3A_281, %dma_start3A_286] : memref<8x128xi32, #tpu.memory_space<vmem>> -> memref<1x128xi32, #tpu.memory_space<vmem>>
      %dma_start3A_288 = tpu.memref_squeeze %dma_start3A_287 : memref<1x128xi32, #tpu.memory_space<vmem>> -> memref<128xi32, #tpu.memory_space<vmem>>
      %dma_start3A_289 = arith.constant 0 : i32
      %dma_start3A_290 = arith.constant 0 : i32
      %dma_start3A_291 = tpu.memref_slice %arg10[%dma_start3A_289, %dma_start3A_290] : memref<100352x2xf32, #tpu.memory_space<vmem_shared>> -> memref<100352x2xf32, #tpu.memory_space<vmem_shared>>
      tpu.enqueue_indirect_dma source(%dma_start3A_285 : memref<128x2xf32, #tpu.memory_space<vmem>>) target(%dma_start3A_291 : memref<100352x2xf32, #tpu.memory_space<vmem_shared>>) offsets(%dma_start3A_288 : memref<128xi32, #tpu.memory_space<vmem>>) semaphore(%arg20 : memref<!tpu.dma_semaphore, #tpu.memory_space<semaphore_mem>>) {add = true}
      %dma_start3A_292 = arith.constant 3 : i32
      %dma_start3A_293 = arith.constant 3 : i32
      %dma_start3A_294 = arith.constant 0 : i32
      %dma_start3A_295 = arith.constant 0 : i32
      %dma_start3A_296 = tpu.memref_slice %arg13[%dma_start3A_292, %dma_start3A_294, %dma_start3A_295] : memref<8x128x2xf32, #tpu.memory_space<vmem>> -> memref<1x128x2xf32, #tpu.memory_space<vmem>>
      %dma_start3A_297 = tpu.memref_squeeze %dma_start3A_296 : memref<1x128x2xf32, #tpu.memory_space<vmem>> -> memref<128x2xf32, #tpu.memory_space<vmem>>
      %dma_start3A_298 = arith.constant 0 : i32
      %dma_start3A_299 = tpu.memref_slice %arg12[%dma_start3A_293, %dma_start3A_298] : memref<8x128xi32, #tpu.memory_space<vmem>> -> memref<1x128xi32, #tpu.memory_space<vmem>>
      %dma_start3A_300 = tpu.memref_squeeze %dma_start3A_299 : memref<1x128xi32, #tpu.memory_space<vmem>> -> memref<128xi32, #tpu.memory_space<vmem>>
      %dma_start3A_301 = arith.constant 0 : i32
      %dma_start3A_302 = arith.constant 0 : i32
      %dma_start3A_303 = tpu.memref_slice %arg10[%dma_start3A_301, %dma_start3A_302] : memref<100352x2xf32, #tpu.memory_space<vmem_shared>> -> memref<100352x2xf32, #tpu.memory_space<vmem_shared>>
      tpu.enqueue_indirect_dma source(%dma_start3A_297 : memref<128x2xf32, #tpu.memory_space<vmem>>) target(%dma_start3A_303 : memref<100352x2xf32, #tpu.memory_space<vmem_shared>>) offsets(%dma_start3A_300 : memref<128xi32, #tpu.memory_space<vmem>>) semaphore(%arg20 : memref<!tpu.dma_semaphore, #tpu.memory_space<semaphore_mem>>) {add = true}
      %dma_start3A_304 = arith.constant 4 : i32
      %dma_start3A_305 = arith.constant 4 : i32
      %dma_start3A_306 = arith.constant 0 : i32
      %dma_start3A_307 = arith.constant 0 : i32
      %dma_start3A_308 = tpu.memref_slice %arg13[%dma_start3A_304, %dma_start3A_306, %dma_start3A_307] : memref<8x128x2xf32, #tpu.memory_space<vmem>> -> memref<1x128x2xf32, #tpu.memory_space<vmem>>
      %dma_start3A_309 = tpu.memref_squeeze %dma_start3A_308 : memref<1x128x2xf32, #tpu.memory_space<vmem>> -> memref<128x2xf32, #tpu.memory_space<vmem>>
      %dma_start3A_310 = arith.constant 0 : i32
      %dma_start3A_311 = tpu.memref_slice %arg12[%dma_start3A_305, %dma_start3A_310] : memref<8x128xi32, #tpu.memory_space<vmem>> -> memref<1x128xi32, #tpu.memory_space<vmem>>
      %dma_start3A_312 = tpu.memref_squeeze %dma_start3A_311 : memref<1x128xi32, #tpu.memory_space<vmem>> -> memref<128xi32, #tpu.memory_space<vmem>>
      %dma_start3A_313 = arith.constant 0 : i32
      %dma_start3A_314 = arith.constant 0 : i32
      %dma_start3A_315 = tpu.memref_slice %arg10[%dma_start3A_313, %dma_start3A_314] : memref<100352x2xf32, #tpu.memory_space<vmem_shared>> -> memref<100352x2xf32, #tpu.memory_space<vmem_shared>>
      tpu.enqueue_indirect_dma source(%dma_start3A_309 : memref<128x2xf32, #tpu.memory_space<vmem>>) target(%dma_start3A_315 : memref<100352x2xf32, #tpu.memory_space<vmem_shared>>) offsets(%dma_start3A_312 : memref<128xi32, #tpu.memory_space<vmem>>) semaphore(%arg20 : memref<!tpu.dma_semaphore, #tpu.memory_space<semaphore_mem>>) {add = true}
      %dma_start3A_316 = arith.constant 5 : i32
      %dma_start3A_317 = arith.constant 5 : i32
      %dma_start3A_318 = arith.constant 0 : i32
      %dma_start3A_319 = arith.constant 0 : i32
      %dma_start3A_320 = tpu.memref_slice %arg13[%dma_start3A_316, %dma_start3A_318, %dma_start3A_319] : memref<8x128x2xf32, #tpu.memory_space<vmem>> -> memref<1x128x2xf32, #tpu.memory_space<vmem>>
      %dma_start3A_321 = tpu.memref_squeeze %dma_start3A_320 : memref<1x128x2xf32, #tpu.memory_space<vmem>> -> memref<128x2xf32, #tpu.memory_space<vmem>>
      %dma_start3A_322 = arith.constant 0 : i32
      %dma_start3A_323 = tpu.memref_slice %arg12[%dma_start3A_317, %dma_start3A_322] : memref<8x128xi32, #tpu.memory_space<vmem>> -> memref<1x128xi32, #tpu.memory_space<vmem>>
      %dma_start3A_324 = tpu.memref_squeeze %dma_start3A_323 : memref<1x128xi32, #tpu.memory_space<vmem>> -> memref<128xi32, #tpu.memory_space<vmem>>
      %dma_start3A_325 = arith.constant 0 : i32
      %dma_start3A_326 = arith.constant 0 : i32
      %dma_start3A_327 = tpu.memref_slice %arg10[%dma_start3A_325, %dma_start3A_326] : memref<100352x2xf32, #tpu.memory_space<vmem_shared>> -> memref<100352x2xf32, #tpu.memory_space<vmem_shared>>
      tpu.enqueue_indirect_dma source(%dma_start3A_321 : memref<128x2xf32, #tpu.memory_space<vmem>>) target(%dma_start3A_327 : memref<100352x2xf32, #tpu.memory_space<vmem_shared>>) offsets(%dma_start3A_324 : memref<128xi32, #tpu.memory_space<vmem>>) semaphore(%arg20 : memref<!tpu.dma_semaphore, #tpu.memory_space<semaphore_mem>>) {add = true}
      %dma_start3A_328 = arith.constant 6 : i32
      %dma_start3A_329 = arith.constant 6 : i32
      %dma_start3A_330 = arith.constant 0 : i32
      %dma_start3A_331 = arith.constant 0 : i32
      %dma_start3A_332 = tpu.memref_slice %arg13[%dma_start3A_328, %dma_start3A_330, %dma_start3A_331] : memref<8x128x2xf32, #tpu.memory_space<vmem>> -> memref<1x128x2xf32, #tpu.memory_space<vmem>>
      %dma_start3A_333 = tpu.memref_squeeze %dma_start3A_332 : memref<1x128x2xf32, #tpu.memory_space<vmem>> -> memref<128x2xf32, #tpu.memory_space<vmem>>
      %dma_start3A_334 = arith.constant 0 : i32
      %dma_start3A_335 = tpu.memref_slice %arg12[%dma_start3A_329, %dma_start3A_334] : memref<8x128xi32, #tpu.memory_space<vmem>> -> memref<1x128xi32, #tpu.memory_space<vmem>>
      %dma_start3A_336 = tpu.memref_squeeze %dma_start3A_335 : memref<1x128xi32, #tpu.memory_space<vmem>> -> memref<128xi32, #tpu.memory_space<vmem>>
      %dma_start3A_337 = arith.constant 0 : i32
      %dma_start3A_338 = arith.constant 0 : i32
      %dma_start3A_339 = tpu.memref_slice %arg10[%dma_start3A_337, %dma_start3A_338] : memref<100352x2xf32, #tpu.memory_space<vmem_shared>> -> memref<100352x2xf32, #tpu.memory_space<vmem_shared>>
      tpu.enqueue_indirect_dma source(%dma_start3A_333 : memref<128x2xf32, #tpu.memory_space<vmem>>) target(%dma_start3A_339 : memref<100352x2xf32, #tpu.memory_space<vmem_shared>>) offsets(%dma_start3A_336 : memref<128xi32, #tpu.memory_space<vmem>>) semaphore(%arg20 : memref<!tpu.dma_semaphore, #tpu.memory_space<semaphore_mem>>) {add = true}
      %dma_start3A_340 = arith.constant 7 : i32
      %dma_start3A_341 = arith.constant 7 : i32
      %dma_start3A_342 = arith.constant 0 : i32
      %dma_start3A_343 = arith.constant 0 : i32
      %dma_start3A_344 = tpu.memref_slice %arg13[%dma_start3A_340, %dma_start3A_342, %dma_start3A_343] : memref<8x128x2xf32, #tpu.memory_space<vmem>> -> memref<1x128x2xf32, #tpu.memory_space<vmem>>
      %dma_start3A_345 = tpu.memref_squeeze %dma_start3A_344 : memref<1x128x2xf32, #tpu.memory_space<vmem>> -> memref<128x2xf32, #tpu.memory_space<vmem>>
      %dma_start3A_346 = arith.constant 0 : i32
      %dma_start3A_347 = tpu.memref_slice %arg12[%dma_start3A_341, %dma_start3A_346] : memref<8x128xi32, #tpu.memory_space<vmem>> -> memref<1x128xi32, #tpu.memory_space<vmem>>
      %dma_start3A_348 = tpu.memref_squeeze %dma_start3A_347 : memref<1x128xi32, #tpu.memory_space<vmem>> -> memref<128xi32, #tpu.memory_space<vmem>>
      %dma_start3A_349 = arith.constant 0 : i32
      %dma_start3A_350 = arith.constant 0 : i32
      %dma_start3A_351 = tpu.memref_slice %arg10[%dma_start3A_349, %dma_start3A_350] : memref<100352x2xf32, #tpu.memory_space<vmem_shared>> -> memref<100352x2xf32, #tpu.memory_space<vmem_shared>>
      tpu.enqueue_indirect_dma source(%dma_start3A_345 : memref<128x2xf32, #tpu.memory_space<vmem>>) target(%dma_start3A_351 : memref<100352x2xf32, #tpu.memory_space<vmem_shared>>) offsets(%dma_start3A_348 : memref<128xi32, #tpu.memory_space<vmem>>) semaphore(%arg20 : memref<!tpu.dma_semaphore, #tpu.memory_space<semaphore_mem>>) {add = true}
      %dma_wait3A_352 = arith.constant 0 : i32
      %dma_wait3A_353 = arith.constant 0 : i32
      %dma_wait3A_354 = arith.constant 0 : i32
      %dma_wait3A_355 = arith.constant 0 : i32
      %dma_wait3A_356 = tpu.memref_slice %arg13[%dma_wait3A_352, %dma_wait3A_354, %dma_wait3A_355] : memref<8x128x2xf32, #tpu.memory_space<vmem>> -> memref<1x128x2xf32, #tpu.memory_space<vmem>>
      %dma_wait3A_357 = tpu.memref_squeeze %dma_wait3A_356 : memref<1x128x2xf32, #tpu.memory_space<vmem>> -> memref<128x2xf32, #tpu.memory_space<vmem>>
      %dma_wait3A_358 = arith.constant 0 : i32
      %dma_wait3A_359 = tpu.memref_slice %arg12[%dma_wait3A_353, %dma_wait3A_358] : memref<8x128xi32, #tpu.memory_space<vmem>> -> memref<1x128xi32, #tpu.memory_space<vmem>>
      %dma_wait3A_360 = tpu.memref_squeeze %dma_wait3A_359 : memref<1x128xi32, #tpu.memory_space<vmem>> -> memref<128xi32, #tpu.memory_space<vmem>>
      %dma_wait3A_361 = arith.constant 0 : i32
      %dma_wait3A_362 = arith.constant 0 : i32
      %dma_wait3A_363 = tpu.memref_slice %arg10[%dma_wait3A_361, %dma_wait3A_362] : memref<100352x2xf32, #tpu.memory_space<vmem_shared>> -> memref<100352x2xf32, #tpu.memory_space<vmem_shared>>
      tpu.wait_indirect_dma semaphore(%arg20 : memref<!tpu.dma_semaphore, #tpu.memory_space<semaphore_mem>>) src(%dma_wait3A_357 : memref<128x2xf32, #tpu.memory_space<vmem>>) dst(%dma_wait3A_363 : memref<100352x2xf32, #tpu.memory_space<vmem_shared>>)
      %dma_wait3A_364 = arith.constant 1 : i32
      %dma_wait3A_365 = arith.constant 1 : i32
      %dma_wait3A_366 = arith.constant 0 : i32
      %dma_wait3A_367 = arith.constant 0 : i32
      %dma_wait3A_368 = tpu.memref_slice %arg13[%dma_wait3A_364, %dma_wait3A_366, %dma_wait3A_367] : memref<8x128x2xf32, #tpu.memory_space<vmem>> -> memref<1x128x2xf32, #tpu.memory_space<vmem>>
      %dma_wait3A_369 = tpu.memref_squeeze %dma_wait3A_368 : memref<1x128x2xf32, #tpu.memory_space<vmem>> -> memref<128x2xf32, #tpu.memory_space<vmem>>
      %dma_wait3A_370 = arith.constant 0 : i32
      %dma_wait3A_371 = tpu.memref_slice %arg12[%dma_wait3A_365, %dma_wait3A_370] : memref<8x128xi32, #tpu.memory_space<vmem>> -> memref<1x128xi32, #tpu.memory_space<vmem>>
      %dma_wait3A_372 = tpu.memref_squeeze %dma_wait3A_371 : memref<1x128xi32, #tpu.memory_space<vmem>> -> memref<128xi32, #tpu.memory_space<vmem>>
      %dma_wait3A_373 = arith.constant 0 : i32
      %dma_wait3A_374 = arith.constant 0 : i32
      %dma_wait3A_375 = tpu.memref_slice %arg10[%dma_wait3A_373, %dma_wait3A_374] : memref<100352x2xf32, #tpu.memory_space<vmem_shared>> -> memref<100352x2xf32, #tpu.memory_space<vmem_shared>>
      tpu.wait_indirect_dma semaphore(%arg20 : memref<!tpu.dma_semaphore, #tpu.memory_space<semaphore_mem>>) src(%dma_wait3A_369 : memref<128x2xf32, #tpu.memory_space<vmem>>) dst(%dma_wait3A_375 : memref<100352x2xf32, #tpu.memory_space<vmem_shared>>)
      %dma_wait3A_376 = arith.constant 2 : i32
      %dma_wait3A_377 = arith.constant 2 : i32
      %dma_wait3A_378 = arith.constant 0 : i32
      %dma_wait3A_379 = arith.constant 0 : i32
      %dma_wait3A_380 = tpu.memref_slice %arg13[%dma_wait3A_376, %dma_wait3A_378, %dma_wait3A_379] : memref<8x128x2xf32, #tpu.memory_space<vmem>> -> memref<1x128x2xf32, #tpu.memory_space<vmem>>
      %dma_wait3A_381 = tpu.memref_squeeze %dma_wait3A_380 : memref<1x128x2xf32, #tpu.memory_space<vmem>> -> memref<128x2xf32, #tpu.memory_space<vmem>>
      %dma_wait3A_382 = arith.constant 0 : i32
      %dma_wait3A_383 = tpu.memref_slice %arg12[%dma_wait3A_377, %dma_wait3A_382] : memref<8x128xi32, #tpu.memory_space<vmem>> -> memref<1x128xi32, #tpu.memory_space<vmem>>
      %dma_wait3A_384 = tpu.memref_squeeze %dma_wait3A_383 : memref<1x128xi32, #tpu.memory_space<vmem>> -> memref<128xi32, #tpu.memory_space<vmem>>
      %dma_wait3A_385 = arith.constant 0 : i32
      %dma_wait3A_386 = arith.constant 0 : i32
      %dma_wait3A_387 = tpu.memref_slice %arg10[%dma_wait3A_385, %dma_wait3A_386] : memref<100352x2xf32, #tpu.memory_space<vmem_shared>> -> memref<100352x2xf32, #tpu.memory_space<vmem_shared>>
      tpu.wait_indirect_dma semaphore(%arg20 : memref<!tpu.dma_semaphore, #tpu.memory_space<semaphore_mem>>) src(%dma_wait3A_381 : memref<128x2xf32, #tpu.memory_space<vmem>>) dst(%dma_wait3A_387 : memref<100352x2xf32, #tpu.memory_space<vmem_shared>>)
      %dma_wait3A_388 = arith.constant 3 : i32
      %dma_wait3A_389 = arith.constant 3 : i32
      %dma_wait3A_390 = arith.constant 0 : i32
      %dma_wait3A_391 = arith.constant 0 : i32
      %dma_wait3A_392 = tpu.memref_slice %arg13[%dma_wait3A_388, %dma_wait3A_390, %dma_wait3A_391] : memref<8x128x2xf32, #tpu.memory_space<vmem>> -> memref<1x128x2xf32, #tpu.memory_space<vmem>>
      %dma_wait3A_393 = tpu.memref_squeeze %dma_wait3A_392 : memref<1x128x2xf32, #tpu.memory_space<vmem>> -> memref<128x2xf32, #tpu.memory_space<vmem>>
      %dma_wait3A_394 = arith.constant 0 : i32
      %dma_wait3A_395 = tpu.memref_slice %arg12[%dma_wait3A_389, %dma_wait3A_394] : memref<8x128xi32, #tpu.memory_space<vmem>> -> memref<1x128xi32, #tpu.memory_space<vmem>>
      %dma_wait3A_396 = tpu.memref_squeeze %dma_wait3A_395 : memref<1x128xi32, #tpu.memory_space<vmem>> -> memref<128xi32, #tpu.memory_space<vmem>>
      %dma_wait3A_397 = arith.constant 0 : i32
      %dma_wait3A_398 = arith.constant 0 : i32
      %dma_wait3A_399 = tpu.memref_slice %arg10[%dma_wait3A_397, %dma_wait3A_398] : memref<100352x2xf32, #tpu.memory_space<vmem_shared>> -> memref<100352x2xf32, #tpu.memory_space<vmem_shared>>
      tpu.wait_indirect_dma semaphore(%arg20 : memref<!tpu.dma_semaphore, #tpu.memory_space<semaphore_mem>>) src(%dma_wait3A_393 : memref<128x2xf32, #tpu.memory_space<vmem>>) dst(%dma_wait3A_399 : memref<100352x2xf32, #tpu.memory_space<vmem_shared>>)
      %dma_wait3A_400 = arith.constant 4 : i32
      %dma_wait3A_401 = arith.constant 4 : i32
      %dma_wait3A_402 = arith.constant 0 : i32
      %dma_wait3A_403 = arith.constant 0 : i32
      %dma_wait3A_404 = tpu.memref_slice %arg13[%dma_wait3A_400, %dma_wait3A_402, %dma_wait3A_403] : memref<8x128x2xf32, #tpu.memory_space<vmem>> -> memref<1x128x2xf32, #tpu.memory_space<vmem>>
      %dma_wait3A_405 = tpu.memref_squeeze %dma_wait3A_404 : memref<1x128x2xf32, #tpu.memory_space<vmem>> -> memref<128x2xf32, #tpu.memory_space<vmem>>
      %dma_wait3A_406 = arith.constant 0 : i32
      %dma_wait3A_407 = tpu.memref_slice %arg12[%dma_wait3A_401, %dma_wait3A_406] : memref<8x128xi32, #tpu.memory_space<vmem>> -> memref<1x128xi32, #tpu.memory_space<vmem>>
      %dma_wait3A_408 = tpu.memref_squeeze %dma_wait3A_407 : memref<1x128xi32, #tpu.memory_space<vmem>> -> memref<128xi32, #tpu.memory_space<vmem>>
      %dma_wait3A_409 = arith.constant 0 : i32
      %dma_wait3A_410 = arith.constant 0 : i32
      %dma_wait3A_411 = tpu.memref_slice %arg10[%dma_wait3A_409, %dma_wait3A_410] : memref<100352x2xf32, #tpu.memory_space<vmem_shared>> -> memref<100352x2xf32, #tpu.memory_space<vmem_shared>>
      tpu.wait_indirect_dma semaphore(%arg20 : memref<!tpu.dma_semaphore, #tpu.memory_space<semaphore_mem>>) src(%dma_wait3A_405 : memref<128x2xf32, #tpu.memory_space<vmem>>) dst(%dma_wait3A_411 : memref<100352x2xf32, #tpu.memory_space<vmem_shared>>)
      %dma_wait3A_412 = arith.constant 5 : i32
      %dma_wait3A_413 = arith.constant 5 : i32
      %dma_wait3A_414 = arith.constant 0 : i32
      %dma_wait3A_415 = arith.constant 0 : i32
      %dma_wait3A_416 = tpu.memref_slice %arg13[%dma_wait3A_412, %dma_wait3A_414, %dma_wait3A_415] : memref<8x128x2xf32, #tpu.memory_space<vmem>> -> memref<1x128x2xf32, #tpu.memory_space<vmem>>
      %dma_wait3A_417 = tpu.memref_squeeze %dma_wait3A_416 : memref<1x128x2xf32, #tpu.memory_space<vmem>> -> memref<128x2xf32, #tpu.memory_space<vmem>>
      %dma_wait3A_418 = arith.constant 0 : i32
      %dma_wait3A_419 = tpu.memref_slice %arg12[%dma_wait3A_413, %dma_wait3A_418] : memref<8x128xi32, #tpu.memory_space<vmem>> -> memref<1x128xi32, #tpu.memory_space<vmem>>
      %dma_wait3A_420 = tpu.memref_squeeze %dma_wait3A_419 : memref<1x128xi32, #tpu.memory_space<vmem>> -> memref<128xi32, #tpu.memory_space<vmem>>
      %dma_wait3A_421 = arith.constant 0 : i32
      %dma_wait3A_422 = arith.constant 0 : i32
      %dma_wait3A_423 = tpu.memref_slice %arg10[%dma_wait3A_421, %dma_wait3A_422] : memref<100352x2xf32, #tpu.memory_space<vmem_shared>> -> memref<100352x2xf32, #tpu.memory_space<vmem_shared>>
      tpu.wait_indirect_dma semaphore(%arg20 : memref<!tpu.dma_semaphore, #tpu.memory_space<semaphore_mem>>) src(%dma_wait3A_417 : memref<128x2xf32, #tpu.memory_space<vmem>>) dst(%dma_wait3A_423 : memref<100352x2xf32, #tpu.memory_space<vmem_shared>>)
      %dma_wait3A_424 = arith.constant 6 : i32
      %dma_wait3A_425 = arith.constant 6 : i32
      %dma_wait3A_426 = arith.constant 0 : i32
      %dma_wait3A_427 = arith.constant 0 : i32
      %dma_wait3A_428 = tpu.memref_slice %arg13[%dma_wait3A_424, %dma_wait3A_426, %dma_wait3A_427] : memref<8x128x2xf32, #tpu.memory_space<vmem>> -> memref<1x128x2xf32, #tpu.memory_space<vmem>>
      %dma_wait3A_429 = tpu.memref_squeeze %dma_wait3A_428 : memref<1x128x2xf32, #tpu.memory_space<vmem>> -> memref<128x2xf32, #tpu.memory_space<vmem>>
      %dma_wait3A_430 = arith.constant 0 : i32
      %dma_wait3A_431 = tpu.memref_slice %arg12[%dma_wait3A_425, %dma_wait3A_430] : memref<8x128xi32, #tpu.memory_space<vmem>> -> memref<1x128xi32, #tpu.memory_space<vmem>>
      %dma_wait3A_432 = tpu.memref_squeeze %dma_wait3A_431 : memref<1x128xi32, #tpu.memory_space<vmem>> -> memref<128xi32, #tpu.memory_space<vmem>>
      %dma_wait3A_433 = arith.constant 0 : i32
      %dma_wait3A_434 = arith.constant 0 : i32
      %dma_wait3A_435 = tpu.memref_slice %arg10[%dma_wait3A_433, %dma_wait3A_434] : memref<100352x2xf32, #tpu.memory_space<vmem_shared>> -> memref<100352x2xf32, #tpu.memory_space<vmem_shared>>
      tpu.wait_indirect_dma semaphore(%arg20 : memref<!tpu.dma_semaphore, #tpu.memory_space<semaphore_mem>>) src(%dma_wait3A_429 : memref<128x2xf32, #tpu.memory_space<vmem>>) dst(%dma_wait3A_435 : memref<100352x2xf32, #tpu.memory_space<vmem_shared>>)
      %dma_wait3A_436 = arith.constant 7 : i32
      %dma_wait3A_437 = arith.constant 7 : i32
      %dma_wait3A_438 = arith.constant 0 : i32
      %dma_wait3A_439 = arith.constant 0 : i32
      %dma_wait3A_440 = tpu.memref_slice %arg13[%dma_wait3A_436, %dma_wait3A_438, %dma_wait3A_439] : memref<8x128x2xf32, #tpu.memory_space<vmem>> -> memref<1x128x2xf32, #tpu.memory_space<vmem>>
      %dma_wait3A_441 = tpu.memref_squeeze %dma_wait3A_440 : memref<1x128x2xf32, #tpu.memory_space<vmem>> -> memref<128x2xf32, #tpu.memory_space<vmem>>
      %dma_wait3A_442 = arith.constant 0 : i32
      %dma_wait3A_443 = tpu.memref_slice %arg12[%dma_wait3A_437, %dma_wait3A_442] : memref<8x128xi32, #tpu.memory_space<vmem>> -> memref<1x128xi32, #tpu.memory_space<vmem>>
      %dma_wait3A_444 = tpu.memref_squeeze %dma_wait3A_443 : memref<1x128xi32, #tpu.memory_space<vmem>> -> memref<128xi32, #tpu.memory_space<vmem>>
      %dma_wait3A_445 = arith.constant 0 : i32
      %dma_wait3A_446 = arith.constant 0 : i32
      %dma_wait3A_447 = tpu.memref_slice %arg10[%dma_wait3A_445, %dma_wait3A_446] : memref<100352x2xf32, #tpu.memory_space<vmem_shared>> -> memref<100352x2xf32, #tpu.memory_space<vmem_shared>>
      tpu.wait_indirect_dma semaphore(%arg20 : memref<!tpu.dma_semaphore, #tpu.memory_space<semaphore_mem>>) src(%dma_wait3A_441 : memref<128x2xf32, #tpu.memory_space<vmem>>) dst(%dma_wait3A_447 : memref<100352x2xf32, #tpu.memory_space<vmem_shared>>)
    }
    %scan3A_33 = arith.constant 391 : i32
    %barrier3A_34 = arith.constant 0 : index
    tpu.barrier barrier_id(%barrier3A_34)
    %scan3A_35 = arith.constant 0 : i32
    %scan3A_36 = arith.constant 1 : i32
    %scan3A_37 = arith.constant 9 : i32
    %scan3A_38 = arith.addi %scan3A_36, %scan3A_37 : i32
    %scan3A_39 = arith.constant 1 : i32
    scf.for %scan3A_47 = %scan3A_36 to %scan3A_38 step %scan3A_39  : i32 {
      "tpu.region"() ({
        %run_scoped3A_62 = tpu.sem_alloc : memref<!tpu.dma_semaphore, #tpu.memory_space<semaphore_mem>>
        %dma_start3A = arith.constant 0 : i32
        %dma_start3A_63 = tpu.memref_slice %arg10[%mul3A_0, %dma_start3A] : memref<100352x2xf32, #tpu.memory_space<vmem_shared>> -> memref<6272x2xf32, #tpu.memory_space<vmem_shared>>
        %dma_start3A_64 = arith.constant 0 : i32
        %dma_start3A_65 = tpu.memref_slice %arg10[%mul3A_0, %dma_start3A_64] : memref<100352x2xf32, #tpu.memory_space<vmem_shared>> -> memref<6272x2xf32, #tpu.memory_space<vmem_shared>>
        tpu.enqueue_dma source(%dma_start3A_65 : memref<6272x2xf32, #tpu.memory_space<vmem_shared>>) target(%arg16 : memref<6272x2xf32, #tpu.memory_space<vmem>>) target_semaphore(%run_scoped3A_62 : memref<!tpu.dma_semaphore, #tpu.memory_space<semaphore_mem>>)
        %dma_wait3A = arith.constant 0 : i32
        %dma_wait3A_66 = tpu.memref_slice %arg10[%mul3A_0, %dma_wait3A] : memref<100352x2xf32, #tpu.memory_space<vmem_shared>> -> memref<6272x2xf32, #tpu.memory_space<vmem_shared>>
        %dma_wait3A_67 = arith.constant 0 : i32
        %dma_wait3A_68 = tpu.memref_slice %arg10[%mul3A_0, %dma_wait3A_67] : memref<100352x2xf32, #tpu.memory_space<vmem_shared>> -> memref<6272x2xf32, #tpu.memory_space<vmem_shared>>
        tpu.wait_dma2 semaphore(%run_scoped3A_62 : memref<!tpu.dma_semaphore, #tpu.memory_space<semaphore_mem>>) src(%dma_wait3A_68 : memref<6272x2xf32, #tpu.memory_space<vmem_shared>>) dst(%arg16 : memref<6272x2xf32, #tpu.memory_space<vmem>>)
        tpu.yield
      }) : () -> ()
      "tpu.region"() ({
        %run_scoped3A_62 = tpu.sem_alloc : memref<!tpu.dma_semaphore, #tpu.memory_space<semaphore_mem>>
        %dma_start3A = arith.constant 0 : i32
        %dma_start3A_63 = tpu.memref_slice %arg5[%scan3A_47, %dma_start3A] : memref<10x96xf32, #tpu.memory_space<hbm>> -> memref<1x96xf32, #tpu.memory_space<hbm>>
        %dma_start3A_64 = tpu.memref_squeeze %dma_start3A_63 : memref<1x96xf32, #tpu.memory_space<hbm>> -> memref<96xf32, #tpu.memory_space<hbm>>
        %dma_start3A_65 = arith.constant 0 : i32
        %dma_start3A_66 = tpu.memref_slice %arg5[%scan3A_47, %dma_start3A_65] : memref<10x96xf32, #tpu.memory_space<hbm>> -> memref<1x96xf32, #tpu.memory_space<hbm>>
        %dma_start3A_67 = tpu.memref_squeeze %dma_start3A_66 : memref<1x96xf32, #tpu.memory_space<hbm>> -> memref<96xf32, #tpu.memory_space<hbm>>
        tpu.enqueue_dma source(%dma_start3A_67 : memref<96xf32, #tpu.memory_space<hbm>>) target(%arg17 : memref<96xf32, #tpu.memory_space<vmem>>) target_semaphore(%run_scoped3A_62 : memref<!tpu.dma_semaphore, #tpu.memory_space<semaphore_mem>>)
        %dma_wait3A = arith.constant 0 : i32
        %dma_wait3A_68 = tpu.memref_slice %arg5[%scan3A_47, %dma_wait3A] : memref<10x96xf32, #tpu.memory_space<hbm>> -> memref<1x96xf32, #tpu.memory_space<hbm>>
        %dma_wait3A_69 = tpu.memref_squeeze %dma_wait3A_68 : memref<1x96xf32, #tpu.memory_space<hbm>> -> memref<96xf32, #tpu.memory_space<hbm>>
        %dma_wait3A_70 = arith.constant 0 : i32
        %dma_wait3A_71 = tpu.memref_slice %arg5[%scan3A_47, %dma_wait3A_70] : memref<10x96xf32, #tpu.memory_space<hbm>> -> memref<1x96xf32, #tpu.memory_space<hbm>>
        %dma_wait3A_72 = tpu.memref_squeeze %dma_wait3A_71 : memref<1x96xf32, #tpu.memory_space<hbm>> -> memref<96xf32, #tpu.memory_space<hbm>>
        tpu.wait_dma2 semaphore(%run_scoped3A_62 : memref<!tpu.dma_semaphore, #tpu.memory_space<semaphore_mem>>) src(%dma_wait3A_72 : memref<96xf32, #tpu.memory_space<hbm>>) dst(%arg17 : memref<96xf32, #tpu.memory_space<vmem>>)
        tpu.yield
      }) : () -> ()
      %scan3A_48 = arith.constant 0 : i32
      %scan3A_49 = arith.constant 0 : i32
      %scan3A_50 = arith.constant 392 : i32
      %scan3A_51 = arith.addi %scan3A_49, %scan3A_50 : i32
      %scan3A_52 = arith.constant 1 : i32
      scf.for %scan3A_62 = %scan3A_49 to %scan3A_51 step %scan3A_52  : i32 {
        %mul3A_63 = arith.constant 16 : i32
        %mul3A_64 = arith.muli %scan3A_62, %mul3A_63 : i32
        %iota3A = tpu.iota {dimensions = array<i32: 0>} : vector<16xi32>
        %mul3A_65 = arith.constant 16 : i32
        %mul3A_66 = arith.muli %scan3A_62, %mul3A_65 : i32
        %add3A = vector.broadcast %mul3A_66 : i32 to vector<16xi32>
        %add3A_67 = arith.addi %iota3A, %add3A : vector<16xi32>
        %broadcast_in_dim3A = arith.constant 0 : i32
        %broadcast_in_dim3A_68 = vector.broadcast %broadcast_in_dim3A : i32 to vector<16xi32>
        %broadcast_in_dim3A_69 = arith.constant 1 : i32
        %broadcast_in_dim3A_70 = vector.broadcast %broadcast_in_dim3A_69 : i32 to vector<16xi32>
        %get3A = arith.index_cast %mul3A_64 : i32 to index
        %get3A_71 = tpu.vector_load %arg15[%get3A] {strides = array<i32>} : memref<6272xf32, #tpu.memory_space<vmem>>, vector<16xf32>,
        %gather3A = tpu.vector_load_idx %arg16[%add3A_67, %broadcast_in_dim3A_68] : memref<6272x2xf32, #tpu.memory_space<vmem>>[vector<16xi32>, vector<16xi32>], vector<16xf32>,
        %gather3A_72 = tpu.vector_load_idx %arg16[%add3A_67, %broadcast_in_dim3A_70] : memref<6272x2xf32, #tpu.memory_space<vmem>>[vector<16xi32>, vector<16xi32>], vector<16xf32>,
        %mul3A_73 = arith.mulf %get3A_71, %gather3A : vector<16xf32>
        %mul3A_74 = arith.mulf %get3A_71, %gather3A_72 : vector<16xf32>
        %get3A_75 = arith.constant 0 : index
        %get3A_76 = tpu.vector_load %arg17[%get3A_75] {strides = array<i32>} : memref<96xf32, #tpu.memory_space<vmem>>, vector<16xf32>,
        %mul3A_77 = arith.mulf %mul3A_73, %get3A_76 : vector<16xf32>
        %get3A_78 = arith.constant 16 : index
        %get3A_79 = tpu.vector_load %arg17[%get3A_78] {strides = array<i32>} : memref<96xf32, #tpu.memory_space<vmem>>, vector<16xf32>,
        %mul3A_80 = arith.mulf %mul3A_74, %get3A_79 : vector<16xf32>
        %add3A_81 = arith.addf %mul3A_77, %mul3A_80 : vector<16xf32>
        %get3A_82 = arith.constant 64 : index
        %get3A_83 = tpu.vector_load %arg17[%get3A_82] {strides = array<i32>} : memref<96xf32, #tpu.memory_space<vmem>>, vector<16xf32>,
        %add3A_84 = arith.addf %add3A_81, %get3A_83 : vector<16xf32>
        %get3A_85 = arith.constant 32 : index
        %get3A_86 = tpu.vector_load %arg17[%get3A_85] {strides = array<i32>} : memref<96xf32, #tpu.memory_space<vmem>>, vector<16xf32>,
        %mul3A_87 = arith.mulf %mul3A_73, %get3A_86 : vector<16xf32>
        %get3A_88 = arith.constant 48 : index
        %get3A_89 = tpu.vector_load %arg17[%get3A_88] {strides = array<i32>} : memref<96xf32, #tpu.memory_space<vmem>>, vector<16xf32>,
        %mul3A_90 = arith.mulf %mul3A_74, %get3A_89 : vector<16xf32>
        %add3A_91 = arith.addf %mul3A_87, %mul3A_90 : vector<16xf32>
        %get3A_92 = arith.constant 80 : index
        %get3A_93 = tpu.vector_load %arg17[%get3A_92] {strides = array<i32>} : memref<96xf32, #tpu.memory_space<vmem>>, vector<16xf32>,
        %add3A_94 = arith.addf %add3A_91, %get3A_93 : vector<16xf32>
        %mul3A_95 = arith.mulf %get3A_71, %add3A_84 : vector<16xf32>
        tpu.vector_store_idx %arg16[%add3A_67, %broadcast_in_dim3A_68], %mul3A_95 : memref<6272x2xf32, #tpu.memory_space<vmem>>[vector<16xi32>, vector<16xi32>], vector<16xf32>,
        %mul3A_96 = arith.mulf %get3A_71, %add3A_94 : vector<16xf32>
        tpu.vector_store_idx %arg16[%add3A_67, %broadcast_in_dim3A_70], %mul3A_96 : memref<6272x2xf32, #tpu.memory_space<vmem>>[vector<16xi32>, vector<16xi32>], vector<16xf32>,
      }
      %scan3A_53 = arith.constant 392 : i32
      "tpu.region"() ({
        %run_scoped3A_62 = tpu.sem_alloc : memref<!tpu.dma_semaphore, #tpu.memory_space<semaphore_mem>>
        %dma_start3A = arith.constant 0 : i32
        %dma_start3A_63 = tpu.memref_slice %arg9[%mul3A_0, %dma_start3A] : memref<100352x2xf32, #tpu.memory_space<vmem_shared>> -> memref<6272x2xf32, #tpu.memory_space<vmem_shared>>
        %dma_start3A_64 = arith.constant 0 : i32
        %dma_start3A_65 = tpu.memref_slice %arg9[%mul3A_0, %dma_start3A_64] : memref<100352x2xf32, #tpu.memory_space<vmem_shared>> -> memref<6272x2xf32, #tpu.memory_space<vmem_shared>>
        tpu.enqueue_dma source(%arg16 : memref<6272x2xf32, #tpu.memory_space<vmem>>) target(%dma_start3A_65 : memref<6272x2xf32, #tpu.memory_space<vmem_shared>>) target_semaphore(%run_scoped3A_62 : memref<!tpu.dma_semaphore, #tpu.memory_space<semaphore_mem>>)
        %dma_wait3A = arith.constant 0 : i32
        %dma_wait3A_66 = tpu.memref_slice %arg9[%mul3A_0, %dma_wait3A] : memref<100352x2xf32, #tpu.memory_space<vmem_shared>> -> memref<6272x2xf32, #tpu.memory_space<vmem_shared>>
        %dma_wait3A_67 = arith.constant 0 : i32
        %dma_wait3A_68 = tpu.memref_slice %arg9[%mul3A_0, %dma_wait3A_67] : memref<100352x2xf32, #tpu.memory_space<vmem_shared>> -> memref<6272x2xf32, #tpu.memory_space<vmem_shared>>
        tpu.wait_dma2 semaphore(%run_scoped3A_62 : memref<!tpu.dma_semaphore, #tpu.memory_space<semaphore_mem>>) src(%arg16 : memref<6272x2xf32, #tpu.memory_space<vmem>>) dst(%dma_wait3A_68 : memref<6272x2xf32, #tpu.memory_space<vmem_shared>>)
        tpu.yield
      }) : () -> ()
      "tpu.region"() ({
        %run_scoped3A_62 = tpu.sem_alloc : memref<!tpu.dma_semaphore, #tpu.memory_space<semaphore_mem>>
        %dma_start3A = arith.constant 0 : i32
        %dma_start3A_63 = tpu.memref_slice %arg10[%mul3A_0, %dma_start3A] : memref<100352x2xf32, #tpu.memory_space<vmem_shared>> -> memref<6272x2xf32, #tpu.memory_space<vmem_shared>>
        %dma_start3A_64 = arith.constant 0 : i32
        %dma_start3A_65 = tpu.memref_slice %arg10[%mul3A_0, %dma_start3A_64] : memref<100352x2xf32, #tpu.memory_space<vmem_shared>> -> memref<6272x2xf32, #tpu.memory_space<vmem_shared>>
        tpu.enqueue_dma source(%arg16 : memref<6272x2xf32, #tpu.memory_space<vmem>>) target(%dma_start3A_65 : memref<6272x2xf32, #tpu.memory_space<vmem_shared>>) target_semaphore(%run_scoped3A_62 : memref<!tpu.dma_semaphore, #tpu.memory_space<semaphore_mem>>)
        %dma_wait3A = arith.constant 0 : i32
        %dma_wait3A_66 = tpu.memref_slice %arg10[%mul3A_0, %dma_wait3A] : memref<100352x2xf32, #tpu.memory_space<vmem_shared>> -> memref<6272x2xf32, #tpu.memory_space<vmem_shared>>
        %dma_wait3A_67 = arith.constant 0 : i32
        %dma_wait3A_68 = tpu.memref_slice %arg10[%mul3A_0, %dma_wait3A_67] : memref<100352x2xf32, #tpu.memory_space<vmem_shared>> -> memref<6272x2xf32, #tpu.memory_space<vmem_shared>>
        tpu.wait_dma2 semaphore(%run_scoped3A_62 : memref<!tpu.dma_semaphore, #tpu.memory_space<semaphore_mem>>) src(%arg16 : memref<6272x2xf32, #tpu.memory_space<vmem>>) dst(%dma_wait3A_68 : memref<6272x2xf32, #tpu.memory_space<vmem_shared>>)
        tpu.yield
      }) : () -> ()
      %barrier3A_54 = arith.constant 0 : index
      tpu.barrier barrier_id(%barrier3A_54)
      %scan3A_55 = arith.constant 0 : i32
      %scan3A_56 = arith.constant 0 : i32
      %scan3A_57 = arith.constant 391 : i32
      %scan3A_58 = arith.addi %scan3A_56, %scan3A_57 : i32
      %scan3A_59 = arith.constant 1 : i32
      scf.for %scan3A_62 = %scan3A_56 to %scan3A_58 step %scan3A_59  : i32 {
        %mul3A_63 = arith.constant 8 : i32
        %mul3A_64 = arith.muli %scan3A_62, %mul3A_63 : i32
        %add3A = arith.addi %mul3A_2, %mul3A_64 : i32
        %dma_start3A = arith.constant 0 : i32
        %dma_start3A_65 = tpu.memref_slice %arg3[%add3A, %dma_start3A] : memref<50048x128xi32, #tpu.memory_space<hbm>> -> memref<8x128xi32, #tpu.memory_space<hbm>>
        %dma_start3A_66 = arith.constant 0 : i32
        %dma_start3A_67 = tpu.memref_slice %arg3[%add3A, %dma_start3A_66] : memref<50048x128xi32, #tpu.memory_space<hbm>> -> memref<8x128xi32, #tpu.memory_space<hbm>>
        tpu.enqueue_dma source(%dma_start3A_67 : memref<8x128xi32, #tpu.memory_space<hbm>>) target(%arg11 : memref<8x128xi32, #tpu.memory_space<vmem>>) target_semaphore(%arg18 : memref<!tpu.dma_semaphore, #tpu.memory_space<semaphore_mem>>)
        %dma_start3A_68 = arith.constant 0 : i32
        %dma_start3A_69 = tpu.memref_slice %arg4[%add3A, %dma_start3A_68] : memref<50048x128xi32, #tpu.memory_space<hbm>> -> memref<8x128xi32, #tpu.memory_space<hbm>>
        %dma_start3A_70 = arith.constant 0 : i32
        %dma_start3A_71 = tpu.memref_slice %arg4[%add3A, %dma_start3A_70] : memref<50048x128xi32, #tpu.memory_space<hbm>> -> memref<8x128xi32, #tpu.memory_space<hbm>>
        tpu.enqueue_dma source(%dma_start3A_71 : memref<8x128xi32, #tpu.memory_space<hbm>>) target(%arg12 : memref<8x128xi32, #tpu.memory_space<vmem>>) target_semaphore(%arg18 : memref<!tpu.dma_semaphore, #tpu.memory_space<semaphore_mem>>)
        %dma_wait3A = arith.constant 0 : i32
        %dma_wait3A_72 = tpu.memref_slice %arg3[%add3A, %dma_wait3A] : memref<50048x128xi32, #tpu.memory_space<hbm>> -> memref<8x128xi32, #tpu.memory_space<hbm>>
        %dma_wait3A_73 = arith.constant 0 : i32
        %dma_wait3A_74 = tpu.memref_slice %arg3[%add3A, %dma_wait3A_73] : memref<50048x128xi32, #tpu.memory_space<hbm>> -> memref<8x128xi32, #tpu.memory_space<hbm>>
        tpu.wait_dma2 semaphore(%arg18 : memref<!tpu.dma_semaphore, #tpu.memory_space<semaphore_mem>>) src(%dma_wait3A_74 : memref<8x128xi32, #tpu.memory_space<hbm>>) dst(%arg11 : memref<8x128xi32, #tpu.memory_space<vmem>>)
        %dma_start3A_75 = arith.constant 0 : i32
        %dma_start3A_76 = arith.constant 0 : i32
        %dma_start3A_77 = arith.constant 0 : i32
        %dma_start3A_78 = arith.constant 0 : i32
        %dma_start3A_79 = tpu.memref_slice %arg13[%dma_start3A_76, %dma_start3A_77, %dma_start3A_78] : memref<8x128x2xf32, #tpu.memory_space<vmem>> -> memref<1x128x2xf32, #tpu.memory_space<vmem>>
        %dma_start3A_80 = tpu.memref_squeeze %dma_start3A_79 : memref<1x128x2xf32, #tpu.memory_space<vmem>> -> memref<128x2xf32, #tpu.memory_space<vmem>>
        %dma_start3A_81 = arith.constant 0 : i32
        %dma_start3A_82 = tpu.memref_slice %arg11[%dma_start3A_75, %dma_start3A_81] : memref<8x128xi32, #tpu.memory_space<vmem>> -> memref<1x128xi32, #tpu.memory_space<vmem>>
        %dma_start3A_83 = tpu.memref_squeeze %dma_start3A_82 : memref<1x128xi32, #tpu.memory_space<vmem>> -> memref<128xi32, #tpu.memory_space<vmem>>
        %dma_start3A_84 = arith.constant 0 : i32
        %dma_start3A_85 = arith.constant 0 : i32
        %dma_start3A_86 = tpu.memref_slice %arg9[%dma_start3A_84, %dma_start3A_85] : memref<100352x2xf32, #tpu.memory_space<vmem_shared>> -> memref<100352x2xf32, #tpu.memory_space<vmem_shared>>
        tpu.enqueue_indirect_dma source(%dma_start3A_86 : memref<100352x2xf32, #tpu.memory_space<vmem_shared>>) target(%dma_start3A_80 : memref<128x2xf32, #tpu.memory_space<vmem>>) offsets(%dma_start3A_83 : memref<128xi32, #tpu.memory_space<vmem>>) semaphore(%arg19 : memref<!tpu.dma_semaphore, #tpu.memory_space<semaphore_mem>>)
        %dma_start3A_87 = arith.constant 1 : i32
        %dma_start3A_88 = arith.constant 1 : i32
        %dma_start3A_89 = arith.constant 0 : i32
        %dma_start3A_90 = arith.constant 0 : i32
        %dma_start3A_91 = tpu.memref_slice %arg13[%dma_start3A_88, %dma_start3A_89, %dma_start3A_90] : memref<8x128x2xf32, #tpu.memory_space<vmem>> -> memref<1x128x2xf32, #tpu.memory_space<vmem>>
        %dma_start3A_92 = tpu.memref_squeeze %dma_start3A_91 : memref<1x128x2xf32, #tpu.memory_space<vmem>> -> memref<128x2xf32, #tpu.memory_space<vmem>>
        %dma_start3A_93 = arith.constant 0 : i32
        %dma_start3A_94 = tpu.memref_slice %arg11[%dma_start3A_87, %dma_start3A_93] : memref<8x128xi32, #tpu.memory_space<vmem>> -> memref<1x128xi32, #tpu.memory_space<vmem>>
        %dma_start3A_95 = tpu.memref_squeeze %dma_start3A_94 : memref<1x128xi32, #tpu.memory_space<vmem>> -> memref<128xi32, #tpu.memory_space<vmem>>
        %dma_start3A_96 = arith.constant 0 : i32
        %dma_start3A_97 = arith.constant 0 : i32
        %dma_start3A_98 = tpu.memref_slice %arg9[%dma_start3A_96, %dma_start3A_97] : memref<100352x2xf32, #tpu.memory_space<vmem_shared>> -> memref<100352x2xf32, #tpu.memory_space<vmem_shared>>
        tpu.enqueue_indirect_dma source(%dma_start3A_98 : memref<100352x2xf32, #tpu.memory_space<vmem_shared>>) target(%dma_start3A_92 : memref<128x2xf32, #tpu.memory_space<vmem>>) offsets(%dma_start3A_95 : memref<128xi32, #tpu.memory_space<vmem>>) semaphore(%arg19 : memref<!tpu.dma_semaphore, #tpu.memory_space<semaphore_mem>>)
        %dma_start3A_99 = arith.constant 2 : i32
        %dma_start3A_100 = arith.constant 2 : i32
        %dma_start3A_101 = arith.constant 0 : i32
        %dma_start3A_102 = arith.constant 0 : i32
        %dma_start3A_103 = tpu.memref_slice %arg13[%dma_start3A_100, %dma_start3A_101, %dma_start3A_102] : memref<8x128x2xf32, #tpu.memory_space<vmem>> -> memref<1x128x2xf32, #tpu.memory_space<vmem>>
        %dma_start3A_104 = tpu.memref_squeeze %dma_start3A_103 : memref<1x128x2xf32, #tpu.memory_space<vmem>> -> memref<128x2xf32, #tpu.memory_space<vmem>>
        %dma_start3A_105 = arith.constant 0 : i32
        %dma_start3A_106 = tpu.memref_slice %arg11[%dma_start3A_99, %dma_start3A_105] : memref<8x128xi32, #tpu.memory_space<vmem>> -> memref<1x128xi32, #tpu.memory_space<vmem>>
        %dma_start3A_107 = tpu.memref_squeeze %dma_start3A_106 : memref<1x128xi32, #tpu.memory_space<vmem>> -> memref<128xi32, #tpu.memory_space<vmem>>
        %dma_start3A_108 = arith.constant 0 : i32
        %dma_start3A_109 = arith.constant 0 : i32
        %dma_start3A_110 = tpu.memref_slice %arg9[%dma_start3A_108, %dma_start3A_109] : memref<100352x2xf32, #tpu.memory_space<vmem_shared>> -> memref<100352x2xf32, #tpu.memory_space<vmem_shared>>
        tpu.enqueue_indirect_dma source(%dma_start3A_110 : memref<100352x2xf32, #tpu.memory_space<vmem_shared>>) target(%dma_start3A_104 : memref<128x2xf32, #tpu.memory_space<vmem>>) offsets(%dma_start3A_107 : memref<128xi32, #tpu.memory_space<vmem>>) semaphore(%arg19 : memref<!tpu.dma_semaphore, #tpu.memory_space<semaphore_mem>>)
        %dma_start3A_111 = arith.constant 3 : i32
        %dma_start3A_112 = arith.constant 3 : i32
        %dma_start3A_113 = arith.constant 0 : i32
        %dma_start3A_114 = arith.constant 0 : i32
        %dma_start3A_115 = tpu.memref_slice %arg13[%dma_start3A_112, %dma_start3A_113, %dma_start3A_114] : memref<8x128x2xf32, #tpu.memory_space<vmem>> -> memref<1x128x2xf32, #tpu.memory_space<vmem>>
        %dma_start3A_116 = tpu.memref_squeeze %dma_start3A_115 : memref<1x128x2xf32, #tpu.memory_space<vmem>> -> memref<128x2xf32, #tpu.memory_space<vmem>>
        %dma_start3A_117 = arith.constant 0 : i32
        %dma_start3A_118 = tpu.memref_slice %arg11[%dma_start3A_111, %dma_start3A_117] : memref<8x128xi32, #tpu.memory_space<vmem>> -> memref<1x128xi32, #tpu.memory_space<vmem>>
        %dma_start3A_119 = tpu.memref_squeeze %dma_start3A_118 : memref<1x128xi32, #tpu.memory_space<vmem>> -> memref<128xi32, #tpu.memory_space<vmem>>
        %dma_start3A_120 = arith.constant 0 : i32
        %dma_start3A_121 = arith.constant 0 : i32
        %dma_start3A_122 = tpu.memref_slice %arg9[%dma_start3A_120, %dma_start3A_121] : memref<100352x2xf32, #tpu.memory_space<vmem_shared>> -> memref<100352x2xf32, #tpu.memory_space<vmem_shared>>
        tpu.enqueue_indirect_dma source(%dma_start3A_122 : memref<100352x2xf32, #tpu.memory_space<vmem_shared>>) target(%dma_start3A_116 : memref<128x2xf32, #tpu.memory_space<vmem>>) offsets(%dma_start3A_119 : memref<128xi32, #tpu.memory_space<vmem>>) semaphore(%arg19 : memref<!tpu.dma_semaphore, #tpu.memory_space<semaphore_mem>>)
        %dma_start3A_123 = arith.constant 4 : i32
        %dma_start3A_124 = arith.constant 4 : i32
        %dma_start3A_125 = arith.constant 0 : i32
        %dma_start3A_126 = arith.constant 0 : i32
        %dma_start3A_127 = tpu.memref_slice %arg13[%dma_start3A_124, %dma_start3A_125, %dma_start3A_126] : memref<8x128x2xf32, #tpu.memory_space<vmem>> -> memref<1x128x2xf32, #tpu.memory_space<vmem>>
        %dma_start3A_128 = tpu.memref_squeeze %dma_start3A_127 : memref<1x128x2xf32, #tpu.memory_space<vmem>> -> memref<128x2xf32, #tpu.memory_space<vmem>>
        %dma_start3A_129 = arith.constant 0 : i32
        %dma_start3A_130 = tpu.memref_slice %arg11[%dma_start3A_123, %dma_start3A_129] : memref<8x128xi32, #tpu.memory_space<vmem>> -> memref<1x128xi32, #tpu.memory_space<vmem>>
        %dma_start3A_131 = tpu.memref_squeeze %dma_start3A_130 : memref<1x128xi32, #tpu.memory_space<vmem>> -> memref<128xi32, #tpu.memory_space<vmem>>
        %dma_start3A_132 = arith.constant 0 : i32
        %dma_start3A_133 = arith.constant 0 : i32
        %dma_start3A_134 = tpu.memref_slice %arg9[%dma_start3A_132, %dma_start3A_133] : memref<100352x2xf32, #tpu.memory_space<vmem_shared>> -> memref<100352x2xf32, #tpu.memory_space<vmem_shared>>
        tpu.enqueue_indirect_dma source(%dma_start3A_134 : memref<100352x2xf32, #tpu.memory_space<vmem_shared>>) target(%dma_start3A_128 : memref<128x2xf32, #tpu.memory_space<vmem>>) offsets(%dma_start3A_131 : memref<128xi32, #tpu.memory_space<vmem>>) semaphore(%arg19 : memref<!tpu.dma_semaphore, #tpu.memory_space<semaphore_mem>>)
        %dma_start3A_135 = arith.constant 5 : i32
        %dma_start3A_136 = arith.constant 5 : i32
        %dma_start3A_137 = arith.constant 0 : i32
        %dma_start3A_138 = arith.constant 0 : i32
        %dma_start3A_139 = tpu.memref_slice %arg13[%dma_start3A_136, %dma_start3A_137, %dma_start3A_138] : memref<8x128x2xf32, #tpu.memory_space<vmem>> -> memref<1x128x2xf32, #tpu.memory_space<vmem>>
        %dma_start3A_140 = tpu.memref_squeeze %dma_start3A_139 : memref<1x128x2xf32, #tpu.memory_space<vmem>> -> memref<128x2xf32, #tpu.memory_space<vmem>>
        %dma_start3A_141 = arith.constant 0 : i32
        %dma_start3A_142 = tpu.memref_slice %arg11[%dma_start3A_135, %dma_start3A_141] : memref<8x128xi32, #tpu.memory_space<vmem>> -> memref<1x128xi32, #tpu.memory_space<vmem>>
        %dma_start3A_143 = tpu.memref_squeeze %dma_start3A_142 : memref<1x128xi32, #tpu.memory_space<vmem>> -> memref<128xi32, #tpu.memory_space<vmem>>
        %dma_start3A_144 = arith.constant 0 : i32
        %dma_start3A_145 = arith.constant 0 : i32
        %dma_start3A_146 = tpu.memref_slice %arg9[%dma_start3A_144, %dma_start3A_145] : memref<100352x2xf32, #tpu.memory_space<vmem_shared>> -> memref<100352x2xf32, #tpu.memory_space<vmem_shared>>
        tpu.enqueue_indirect_dma source(%dma_start3A_146 : memref<100352x2xf32, #tpu.memory_space<vmem_shared>>) target(%dma_start3A_140 : memref<128x2xf32, #tpu.memory_space<vmem>>) offsets(%dma_start3A_143 : memref<128xi32, #tpu.memory_space<vmem>>) semaphore(%arg19 : memref<!tpu.dma_semaphore, #tpu.memory_space<semaphore_mem>>)
        %dma_start3A_147 = arith.constant 6 : i32
        %dma_start3A_148 = arith.constant 6 : i32
        %dma_start3A_149 = arith.constant 0 : i32
        %dma_start3A_150 = arith.constant 0 : i32
        %dma_start3A_151 = tpu.memref_slice %arg13[%dma_start3A_148, %dma_start3A_149, %dma_start3A_150] : memref<8x128x2xf32, #tpu.memory_space<vmem>> -> memref<1x128x2xf32, #tpu.memory_space<vmem>>
        %dma_start3A_152 = tpu.memref_squeeze %dma_start3A_151 : memref<1x128x2xf32, #tpu.memory_space<vmem>> -> memref<128x2xf32, #tpu.memory_space<vmem>>
        %dma_start3A_153 = arith.constant 0 : i32
        %dma_start3A_154 = tpu.memref_slice %arg11[%dma_start3A_147, %dma_start3A_153] : memref<8x128xi32, #tpu.memory_space<vmem>> -> memref<1x128xi32, #tpu.memory_space<vmem>>
        %dma_start3A_155 = tpu.memref_squeeze %dma_start3A_154 : memref<1x128xi32, #tpu.memory_space<vmem>> -> memref<128xi32, #tpu.memory_space<vmem>>
        %dma_start3A_156 = arith.constant 0 : i32
        %dma_start3A_157 = arith.constant 0 : i32
        %dma_start3A_158 = tpu.memref_slice %arg9[%dma_start3A_156, %dma_start3A_157] : memref<100352x2xf32, #tpu.memory_space<vmem_shared>> -> memref<100352x2xf32, #tpu.memory_space<vmem_shared>>
        tpu.enqueue_indirect_dma source(%dma_start3A_158 : memref<100352x2xf32, #tpu.memory_space<vmem_shared>>) target(%dma_start3A_152 : memref<128x2xf32, #tpu.memory_space<vmem>>) offsets(%dma_start3A_155 : memref<128xi32, #tpu.memory_space<vmem>>) semaphore(%arg19 : memref<!tpu.dma_semaphore, #tpu.memory_space<semaphore_mem>>)
        %dma_start3A_159 = arith.constant 7 : i32
        %dma_start3A_160 = arith.constant 7 : i32
        %dma_start3A_161 = arith.constant 0 : i32
        %dma_start3A_162 = arith.constant 0 : i32
        %dma_start3A_163 = tpu.memref_slice %arg13[%dma_start3A_160, %dma_start3A_161, %dma_start3A_162] : memref<8x128x2xf32, #tpu.memory_space<vmem>> -> memref<1x128x2xf32, #tpu.memory_space<vmem>>
        %dma_start3A_164 = tpu.memref_squeeze %dma_start3A_163 : memref<1x128x2xf32, #tpu.memory_space<vmem>> -> memref<128x2xf32, #tpu.memory_space<vmem>>
        %dma_start3A_165 = arith.constant 0 : i32
        %dma_start3A_166 = tpu.memref_slice %arg11[%dma_start3A_159, %dma_start3A_165] : memref<8x128xi32, #tpu.memory_space<vmem>> -> memref<1x128xi32, #tpu.memory_space<vmem>>
        %dma_start3A_167 = tpu.memref_squeeze %dma_start3A_166 : memref<1x128xi32, #tpu.memory_space<vmem>> -> memref<128xi32, #tpu.memory_space<vmem>>
        %dma_start3A_168 = arith.constant 0 : i32
        %dma_start3A_169 = arith.constant 0 : i32
        %dma_start3A_170 = tpu.memref_slice %arg9[%dma_start3A_168, %dma_start3A_169] : memref<100352x2xf32, #tpu.memory_space<vmem_shared>> -> memref<100352x2xf32, #tpu.memory_space<vmem_shared>>
        tpu.enqueue_indirect_dma source(%dma_start3A_170 : memref<100352x2xf32, #tpu.memory_space<vmem_shared>>) target(%dma_start3A_164 : memref<128x2xf32, #tpu.memory_space<vmem>>) offsets(%dma_start3A_167 : memref<128xi32, #tpu.memory_space<vmem>>) semaphore(%arg19 : memref<!tpu.dma_semaphore, #tpu.memory_space<semaphore_mem>>)
        %dma_wait3A_171 = arith.constant 0 : i32
        %dma_wait3A_172 = tpu.memref_slice %arg4[%add3A, %dma_wait3A_171] : memref<50048x128xi32, #tpu.memory_space<hbm>> -> memref<8x128xi32, #tpu.memory_space<hbm>>
        %dma_wait3A_173 = arith.constant 0 : i32
        %dma_wait3A_174 = tpu.memref_slice %arg4[%add3A, %dma_wait3A_173] : memref<50048x128xi32, #tpu.memory_space<hbm>> -> memref<8x128xi32, #tpu.memory_space<hbm>>
        tpu.wait_dma2 semaphore(%arg18 : memref<!tpu.dma_semaphore, #tpu.memory_space<semaphore_mem>>) src(%dma_wait3A_174 : memref<8x128xi32, #tpu.memory_space<hbm>>) dst(%arg12 : memref<8x128xi32, #tpu.memory_space<vmem>>)
        %dma_wait3A_175 = arith.constant 0 : i32
        %dma_wait3A_176 = arith.constant 0 : i32
        %dma_wait3A_177 = arith.constant 0 : i32
        %dma_wait3A_178 = arith.constant 0 : i32
        %dma_wait3A_179 = tpu.memref_slice %arg13[%dma_wait3A_176, %dma_wait3A_177, %dma_wait3A_178] : memref<8x128x2xf32, #tpu.memory_space<vmem>> -> memref<1x128x2xf32, #tpu.memory_space<vmem>>
        %dma_wait3A_180 = tpu.memref_squeeze %dma_wait3A_179 : memref<1x128x2xf32, #tpu.memory_space<vmem>> -> memref<128x2xf32, #tpu.memory_space<vmem>>
        %dma_wait3A_181 = arith.constant 0 : i32
        %dma_wait3A_182 = tpu.memref_slice %arg11[%dma_wait3A_175, %dma_wait3A_181] : memref<8x128xi32, #tpu.memory_space<vmem>> -> memref<1x128xi32, #tpu.memory_space<vmem>>
        %dma_wait3A_183 = tpu.memref_squeeze %dma_wait3A_182 : memref<1x128xi32, #tpu.memory_space<vmem>> -> memref<128xi32, #tpu.memory_space<vmem>>
        %dma_wait3A_184 = arith.constant 0 : i32
        %dma_wait3A_185 = arith.constant 0 : i32
        %dma_wait3A_186 = tpu.memref_slice %arg9[%dma_wait3A_184, %dma_wait3A_185] : memref<100352x2xf32, #tpu.memory_space<vmem_shared>> -> memref<100352x2xf32, #tpu.memory_space<vmem_shared>>
        tpu.wait_indirect_dma semaphore(%arg19 : memref<!tpu.dma_semaphore, #tpu.memory_space<semaphore_mem>>) src(%dma_wait3A_186 : memref<100352x2xf32, #tpu.memory_space<vmem_shared>>) dst(%dma_wait3A_180 : memref<128x2xf32, #tpu.memory_space<vmem>>)
        %dma_wait3A_187 = arith.constant 1 : i32
        %dma_wait3A_188 = arith.constant 1 : i32
        %dma_wait3A_189 = arith.constant 0 : i32
        %dma_wait3A_190 = arith.constant 0 : i32
        %dma_wait3A_191 = tpu.memref_slice %arg13[%dma_wait3A_188, %dma_wait3A_189, %dma_wait3A_190] : memref<8x128x2xf32, #tpu.memory_space<vmem>> -> memref<1x128x2xf32, #tpu.memory_space<vmem>>
        %dma_wait3A_192 = tpu.memref_squeeze %dma_wait3A_191 : memref<1x128x2xf32, #tpu.memory_space<vmem>> -> memref<128x2xf32, #tpu.memory_space<vmem>>
        %dma_wait3A_193 = arith.constant 0 : i32
        %dma_wait3A_194 = tpu.memref_slice %arg11[%dma_wait3A_187, %dma_wait3A_193] : memref<8x128xi32, #tpu.memory_space<vmem>> -> memref<1x128xi32, #tpu.memory_space<vmem>>
        %dma_wait3A_195 = tpu.memref_squeeze %dma_wait3A_194 : memref<1x128xi32, #tpu.memory_space<vmem>> -> memref<128xi32, #tpu.memory_space<vmem>>
        %dma_wait3A_196 = arith.constant 0 : i32
        %dma_wait3A_197 = arith.constant 0 : i32
        %dma_wait3A_198 = tpu.memref_slice %arg9[%dma_wait3A_196, %dma_wait3A_197] : memref<100352x2xf32, #tpu.memory_space<vmem_shared>> -> memref<100352x2xf32, #tpu.memory_space<vmem_shared>>
        tpu.wait_indirect_dma semaphore(%arg19 : memref<!tpu.dma_semaphore, #tpu.memory_space<semaphore_mem>>) src(%dma_wait3A_198 : memref<100352x2xf32, #tpu.memory_space<vmem_shared>>) dst(%dma_wait3A_192 : memref<128x2xf32, #tpu.memory_space<vmem>>)
        %dma_wait3A_199 = arith.constant 2 : i32
        %dma_wait3A_200 = arith.constant 2 : i32
        %dma_wait3A_201 = arith.constant 0 : i32
        %dma_wait3A_202 = arith.constant 0 : i32
        %dma_wait3A_203 = tpu.memref_slice %arg13[%dma_wait3A_200, %dma_wait3A_201, %dma_wait3A_202] : memref<8x128x2xf32, #tpu.memory_space<vmem>> -> memref<1x128x2xf32, #tpu.memory_space<vmem>>
        %dma_wait3A_204 = tpu.memref_squeeze %dma_wait3A_203 : memref<1x128x2xf32, #tpu.memory_space<vmem>> -> memref<128x2xf32, #tpu.memory_space<vmem>>
        %dma_wait3A_205 = arith.constant 0 : i32
        %dma_wait3A_206 = tpu.memref_slice %arg11[%dma_wait3A_199, %dma_wait3A_205] : memref<8x128xi32, #tpu.memory_space<vmem>> -> memref<1x128xi32, #tpu.memory_space<vmem>>
        %dma_wait3A_207 = tpu.memref_squeeze %dma_wait3A_206 : memref<1x128xi32, #tpu.memory_space<vmem>> -> memref<128xi32, #tpu.memory_space<vmem>>
        %dma_wait3A_208 = arith.constant 0 : i32
        %dma_wait3A_209 = arith.constant 0 : i32
        %dma_wait3A_210 = tpu.memref_slice %arg9[%dma_wait3A_208, %dma_wait3A_209] : memref<100352x2xf32, #tpu.memory_space<vmem_shared>> -> memref<100352x2xf32, #tpu.memory_space<vmem_shared>>
        tpu.wait_indirect_dma semaphore(%arg19 : memref<!tpu.dma_semaphore, #tpu.memory_space<semaphore_mem>>) src(%dma_wait3A_210 : memref<100352x2xf32, #tpu.memory_space<vmem_shared>>) dst(%dma_wait3A_204 : memref<128x2xf32, #tpu.memory_space<vmem>>)
        %dma_wait3A_211 = arith.constant 3 : i32
        %dma_wait3A_212 = arith.constant 3 : i32
        %dma_wait3A_213 = arith.constant 0 : i32
        %dma_wait3A_214 = arith.constant 0 : i32
        %dma_wait3A_215 = tpu.memref_slice %arg13[%dma_wait3A_212, %dma_wait3A_213, %dma_wait3A_214] : memref<8x128x2xf32, #tpu.memory_space<vmem>> -> memref<1x128x2xf32, #tpu.memory_space<vmem>>
        %dma_wait3A_216 = tpu.memref_squeeze %dma_wait3A_215 : memref<1x128x2xf32, #tpu.memory_space<vmem>> -> memref<128x2xf32, #tpu.memory_space<vmem>>
        %dma_wait3A_217 = arith.constant 0 : i32
        %dma_wait3A_218 = tpu.memref_slice %arg11[%dma_wait3A_211, %dma_wait3A_217] : memref<8x128xi32, #tpu.memory_space<vmem>> -> memref<1x128xi32, #tpu.memory_space<vmem>>
        %dma_wait3A_219 = tpu.memref_squeeze %dma_wait3A_218 : memref<1x128xi32, #tpu.memory_space<vmem>> -> memref<128xi32, #tpu.memory_space<vmem>>
        %dma_wait3A_220 = arith.constant 0 : i32
        %dma_wait3A_221 = arith.constant 0 : i32
        %dma_wait3A_222 = tpu.memref_slice %arg9[%dma_wait3A_220, %dma_wait3A_221] : memref<100352x2xf32, #tpu.memory_space<vmem_shared>> -> memref<100352x2xf32, #tpu.memory_space<vmem_shared>>
        tpu.wait_indirect_dma semaphore(%arg19 : memref<!tpu.dma_semaphore, #tpu.memory_space<semaphore_mem>>) src(%dma_wait3A_222 : memref<100352x2xf32, #tpu.memory_space<vmem_shared>>) dst(%dma_wait3A_216 : memref<128x2xf32, #tpu.memory_space<vmem>>)
        %dma_wait3A_223 = arith.constant 4 : i32
        %dma_wait3A_224 = arith.constant 4 : i32
        %dma_wait3A_225 = arith.constant 0 : i32
        %dma_wait3A_226 = arith.constant 0 : i32
        %dma_wait3A_227 = tpu.memref_slice %arg13[%dma_wait3A_224, %dma_wait3A_225, %dma_wait3A_226] : memref<8x128x2xf32, #tpu.memory_space<vmem>> -> memref<1x128x2xf32, #tpu.memory_space<vmem>>
        %dma_wait3A_228 = tpu.memref_squeeze %dma_wait3A_227 : memref<1x128x2xf32, #tpu.memory_space<vmem>> -> memref<128x2xf32, #tpu.memory_space<vmem>>
        %dma_wait3A_229 = arith.constant 0 : i32
        %dma_wait3A_230 = tpu.memref_slice %arg11[%dma_wait3A_223, %dma_wait3A_229] : memref<8x128xi32, #tpu.memory_space<vmem>> -> memref<1x128xi32, #tpu.memory_space<vmem>>
        %dma_wait3A_231 = tpu.memref_squeeze %dma_wait3A_230 : memref<1x128xi32, #tpu.memory_space<vmem>> -> memref<128xi32, #tpu.memory_space<vmem>>
        %dma_wait3A_232 = arith.constant 0 : i32
        %dma_wait3A_233 = arith.constant 0 : i32
        %dma_wait3A_234 = tpu.memref_slice %arg9[%dma_wait3A_232, %dma_wait3A_233] : memref<100352x2xf32, #tpu.memory_space<vmem_shared>> -> memref<100352x2xf32, #tpu.memory_space<vmem_shared>>
        tpu.wait_indirect_dma semaphore(%arg19 : memref<!tpu.dma_semaphore, #tpu.memory_space<semaphore_mem>>) src(%dma_wait3A_234 : memref<100352x2xf32, #tpu.memory_space<vmem_shared>>) dst(%dma_wait3A_228 : memref<128x2xf32, #tpu.memory_space<vmem>>)
        %dma_wait3A_235 = arith.constant 5 : i32
        %dma_wait3A_236 = arith.constant 5 : i32
        %dma_wait3A_237 = arith.constant 0 : i32
        %dma_wait3A_238 = arith.constant 0 : i32
        %dma_wait3A_239 = tpu.memref_slice %arg13[%dma_wait3A_236, %dma_wait3A_237, %dma_wait3A_238] : memref<8x128x2xf32, #tpu.memory_space<vmem>> -> memref<1x128x2xf32, #tpu.memory_space<vmem>>
        %dma_wait3A_240 = tpu.memref_squeeze %dma_wait3A_239 : memref<1x128x2xf32, #tpu.memory_space<vmem>> -> memref<128x2xf32, #tpu.memory_space<vmem>>
        %dma_wait3A_241 = arith.constant 0 : i32
        %dma_wait3A_242 = tpu.memref_slice %arg11[%dma_wait3A_235, %dma_wait3A_241] : memref<8x128xi32, #tpu.memory_space<vmem>> -> memref<1x128xi32, #tpu.memory_space<vmem>>
        %dma_wait3A_243 = tpu.memref_squeeze %dma_wait3A_242 : memref<1x128xi32, #tpu.memory_space<vmem>> -> memref<128xi32, #tpu.memory_space<vmem>>
        %dma_wait3A_244 = arith.constant 0 : i32
        %dma_wait3A_245 = arith.constant 0 : i32
        %dma_wait3A_246 = tpu.memref_slice %arg9[%dma_wait3A_244, %dma_wait3A_245] : memref<100352x2xf32, #tpu.memory_space<vmem_shared>> -> memref<100352x2xf32, #tpu.memory_space<vmem_shared>>
        tpu.wait_indirect_dma semaphore(%arg19 : memref<!tpu.dma_semaphore, #tpu.memory_space<semaphore_mem>>) src(%dma_wait3A_246 : memref<100352x2xf32, #tpu.memory_space<vmem_shared>>) dst(%dma_wait3A_240 : memref<128x2xf32, #tpu.memory_space<vmem>>)
        %dma_wait3A_247 = arith.constant 6 : i32
        %dma_wait3A_248 = arith.constant 6 : i32
        %dma_wait3A_249 = arith.constant 0 : i32
        %dma_wait3A_250 = arith.constant 0 : i32
        %dma_wait3A_251 = tpu.memref_slice %arg13[%dma_wait3A_248, %dma_wait3A_249, %dma_wait3A_250] : memref<8x128x2xf32, #tpu.memory_space<vmem>> -> memref<1x128x2xf32, #tpu.memory_space<vmem>>
        %dma_wait3A_252 = tpu.memref_squeeze %dma_wait3A_251 : memref<1x128x2xf32, #tpu.memory_space<vmem>> -> memref<128x2xf32, #tpu.memory_space<vmem>>
        %dma_wait3A_253 = arith.constant 0 : i32
        %dma_wait3A_254 = tpu.memref_slice %arg11[%dma_wait3A_247, %dma_wait3A_253] : memref<8x128xi32, #tpu.memory_space<vmem>> -> memref<1x128xi32, #tpu.memory_space<vmem>>
        %dma_wait3A_255 = tpu.memref_squeeze %dma_wait3A_254 : memref<1x128xi32, #tpu.memory_space<vmem>> -> memref<128xi32, #tpu.memory_space<vmem>>
        %dma_wait3A_256 = arith.constant 0 : i32
        %dma_wait3A_257 = arith.constant 0 : i32
        %dma_wait3A_258 = tpu.memref_slice %arg9[%dma_wait3A_256, %dma_wait3A_257] : memref<100352x2xf32, #tpu.memory_space<vmem_shared>> -> memref<100352x2xf32, #tpu.memory_space<vmem_shared>>
        tpu.wait_indirect_dma semaphore(%arg19 : memref<!tpu.dma_semaphore, #tpu.memory_space<semaphore_mem>>) src(%dma_wait3A_258 : memref<100352x2xf32, #tpu.memory_space<vmem_shared>>) dst(%dma_wait3A_252 : memref<128x2xf32, #tpu.memory_space<vmem>>)
        %dma_wait3A_259 = arith.constant 7 : i32
        %dma_wait3A_260 = arith.constant 7 : i32
        %dma_wait3A_261 = arith.constant 0 : i32
        %dma_wait3A_262 = arith.constant 0 : i32
        %dma_wait3A_263 = tpu.memref_slice %arg13[%dma_wait3A_260, %dma_wait3A_261, %dma_wait3A_262] : memref<8x128x2xf32, #tpu.memory_space<vmem>> -> memref<1x128x2xf32, #tpu.memory_space<vmem>>
        %dma_wait3A_264 = tpu.memref_squeeze %dma_wait3A_263 : memref<1x128x2xf32, #tpu.memory_space<vmem>> -> memref<128x2xf32, #tpu.memory_space<vmem>>
        %dma_wait3A_265 = arith.constant 0 : i32
        %dma_wait3A_266 = tpu.memref_slice %arg11[%dma_wait3A_259, %dma_wait3A_265] : memref<8x128xi32, #tpu.memory_space<vmem>> -> memref<1x128xi32, #tpu.memory_space<vmem>>
        %dma_wait3A_267 = tpu.memref_squeeze %dma_wait3A_266 : memref<1x128xi32, #tpu.memory_space<vmem>> -> memref<128xi32, #tpu.memory_space<vmem>>
        %dma_wait3A_268 = arith.constant 0 : i32
        %dma_wait3A_269 = arith.constant 0 : i32
        %dma_wait3A_270 = tpu.memref_slice %arg9[%dma_wait3A_268, %dma_wait3A_269] : memref<100352x2xf32, #tpu.memory_space<vmem_shared>> -> memref<100352x2xf32, #tpu.memory_space<vmem_shared>>
        tpu.wait_indirect_dma semaphore(%arg19 : memref<!tpu.dma_semaphore, #tpu.memory_space<semaphore_mem>>) src(%dma_wait3A_270 : memref<100352x2xf32, #tpu.memory_space<vmem_shared>>) dst(%dma_wait3A_264 : memref<128x2xf32, #tpu.memory_space<vmem>>)
        %dma_start3A_271 = arith.constant 0 : i32
        %dma_start3A_272 = arith.constant 0 : i32
        %dma_start3A_273 = arith.constant 0 : i32
        %dma_start3A_274 = arith.constant 0 : i32
        %dma_start3A_275 = tpu.memref_slice %arg13[%dma_start3A_271, %dma_start3A_273, %dma_start3A_274] : memref<8x128x2xf32, #tpu.memory_space<vmem>> -> memref<1x128x2xf32, #tpu.memory_space<vmem>>
        %dma_start3A_276 = tpu.memref_squeeze %dma_start3A_275 : memref<1x128x2xf32, #tpu.memory_space<vmem>> -> memref<128x2xf32, #tpu.memory_space<vmem>>
        %dma_start3A_277 = arith.constant 0 : i32
        %dma_start3A_278 = tpu.memref_slice %arg12[%dma_start3A_272, %dma_start3A_277] : memref<8x128xi32, #tpu.memory_space<vmem>> -> memref<1x128xi32, #tpu.memory_space<vmem>>
        %dma_start3A_279 = tpu.memref_squeeze %dma_start3A_278 : memref<1x128xi32, #tpu.memory_space<vmem>> -> memref<128xi32, #tpu.memory_space<vmem>>
        %dma_start3A_280 = arith.constant 0 : i32
        %dma_start3A_281 = arith.constant 0 : i32
        %dma_start3A_282 = tpu.memref_slice %arg10[%dma_start3A_280, %dma_start3A_281] : memref<100352x2xf32, #tpu.memory_space<vmem_shared>> -> memref<100352x2xf32, #tpu.memory_space<vmem_shared>>
        tpu.enqueue_indirect_dma source(%dma_start3A_276 : memref<128x2xf32, #tpu.memory_space<vmem>>) target(%dma_start3A_282 : memref<100352x2xf32, #tpu.memory_space<vmem_shared>>) offsets(%dma_start3A_279 : memref<128xi32, #tpu.memory_space<vmem>>) semaphore(%arg20 : memref<!tpu.dma_semaphore, #tpu.memory_space<semaphore_mem>>) {add = true}
        %dma_start3A_283 = arith.constant 1 : i32
        %dma_start3A_284 = arith.constant 1 : i32
        %dma_start3A_285 = arith.constant 0 : i32
        %dma_start3A_286 = arith.constant 0 : i32
        %dma_start3A_287 = tpu.memref_slice %arg13[%dma_start3A_283, %dma_start3A_285, %dma_start3A_286] : memref<8x128x2xf32, #tpu.memory_space<vmem>> -> memref<1x128x2xf32, #tpu.memory_space<vmem>>
        %dma_start3A_288 = tpu.memref_squeeze %dma_start3A_287 : memref<1x128x2xf32, #tpu.memory_space<vmem>> -> memref<128x2xf32, #tpu.memory_space<vmem>>
        %dma_start3A_289 = arith.constant 0 : i32
        %dma_start3A_290 = tpu.memref_slice %arg12[%dma_start3A_284, %dma_start3A_289] : memref<8x128xi32, #tpu.memory_space<vmem>> -> memref<1x128xi32, #tpu.memory_space<vmem>>
        %dma_start3A_291 = tpu.memref_squeeze %dma_start3A_290 : memref<1x128xi32, #tpu.memory_space<vmem>> -> memref<128xi32, #tpu.memory_space<vmem>>
        %dma_start3A_292 = arith.constant 0 : i32
        %dma_start3A_293 = arith.constant 0 : i32
        %dma_start3A_294 = tpu.memref_slice %arg10[%dma_start3A_292, %dma_start3A_293] : memref<100352x2xf32, #tpu.memory_space<vmem_shared>> -> memref<100352x2xf32, #tpu.memory_space<vmem_shared>>
        tpu.enqueue_indirect_dma source(%dma_start3A_288 : memref<128x2xf32, #tpu.memory_space<vmem>>) target(%dma_start3A_294 : memref<100352x2xf32, #tpu.memory_space<vmem_shared>>) offsets(%dma_start3A_291 : memref<128xi32, #tpu.memory_space<vmem>>) semaphore(%arg20 : memref<!tpu.dma_semaphore, #tpu.memory_space<semaphore_mem>>) {add = true}
        %dma_start3A_295 = arith.constant 2 : i32
        %dma_start3A_296 = arith.constant 2 : i32
        %dma_start3A_297 = arith.constant 0 : i32
        %dma_start3A_298 = arith.constant 0 : i32
        %dma_start3A_299 = tpu.memref_slice %arg13[%dma_start3A_295, %dma_start3A_297, %dma_start3A_298] : memref<8x128x2xf32, #tpu.memory_space<vmem>> -> memref<1x128x2xf32, #tpu.memory_space<vmem>>
        %dma_start3A_300 = tpu.memref_squeeze %dma_start3A_299 : memref<1x128x2xf32, #tpu.memory_space<vmem>> -> memref<128x2xf32, #tpu.memory_space<vmem>>
        %dma_start3A_301 = arith.constant 0 : i32
        %dma_start3A_302 = tpu.memref_slice %arg12[%dma_start3A_296, %dma_start3A_301] : memref<8x128xi32, #tpu.memory_space<vmem>> -> memref<1x128xi32, #tpu.memory_space<vmem>>
        %dma_start3A_303 = tpu.memref_squeeze %dma_start3A_302 : memref<1x128xi32, #tpu.memory_space<vmem>> -> memref<128xi32, #tpu.memory_space<vmem>>
        %dma_start3A_304 = arith.constant 0 : i32
        %dma_start3A_305 = arith.constant 0 : i32
        %dma_start3A_306 = tpu.memref_slice %arg10[%dma_start3A_304, %dma_start3A_305] : memref<100352x2xf32, #tpu.memory_space<vmem_shared>> -> memref<100352x2xf32, #tpu.memory_space<vmem_shared>>
        tpu.enqueue_indirect_dma source(%dma_start3A_300 : memref<128x2xf32, #tpu.memory_space<vmem>>) target(%dma_start3A_306 : memref<100352x2xf32, #tpu.memory_space<vmem_shared>>) offsets(%dma_start3A_303 : memref<128xi32, #tpu.memory_space<vmem>>) semaphore(%arg20 : memref<!tpu.dma_semaphore, #tpu.memory_space<semaphore_mem>>) {add = true}
        %dma_start3A_307 = arith.constant 3 : i32
        %dma_start3A_308 = arith.constant 3 : i32
        %dma_start3A_309 = arith.constant 0 : i32
        %dma_start3A_310 = arith.constant 0 : i32
        %dma_start3A_311 = tpu.memref_slice %arg13[%dma_start3A_307, %dma_start3A_309, %dma_start3A_310] : memref<8x128x2xf32, #tpu.memory_space<vmem>> -> memref<1x128x2xf32, #tpu.memory_space<vmem>>
        %dma_start3A_312 = tpu.memref_squeeze %dma_start3A_311 : memref<1x128x2xf32, #tpu.memory_space<vmem>> -> memref<128x2xf32, #tpu.memory_space<vmem>>
        %dma_start3A_313 = arith.constant 0 : i32
        %dma_start3A_314 = tpu.memref_slice %arg12[%dma_start3A_308, %dma_start3A_313] : memref<8x128xi32, #tpu.memory_space<vmem>> -> memref<1x128xi32, #tpu.memory_space<vmem>>
        %dma_start3A_315 = tpu.memref_squeeze %dma_start3A_314 : memref<1x128xi32, #tpu.memory_space<vmem>> -> memref<128xi32, #tpu.memory_space<vmem>>
        %dma_start3A_316 = arith.constant 0 : i32
        %dma_start3A_317 = arith.constant 0 : i32
        %dma_start3A_318 = tpu.memref_slice %arg10[%dma_start3A_316, %dma_start3A_317] : memref<100352x2xf32, #tpu.memory_space<vmem_shared>> -> memref<100352x2xf32, #tpu.memory_space<vmem_shared>>
        tpu.enqueue_indirect_dma source(%dma_start3A_312 : memref<128x2xf32, #tpu.memory_space<vmem>>) target(%dma_start3A_318 : memref<100352x2xf32, #tpu.memory_space<vmem_shared>>) offsets(%dma_start3A_315 : memref<128xi32, #tpu.memory_space<vmem>>) semaphore(%arg20 : memref<!tpu.dma_semaphore, #tpu.memory_space<semaphore_mem>>) {add = true}
        %dma_start3A_319 = arith.constant 4 : i32
        %dma_start3A_320 = arith.constant 4 : i32
        %dma_start3A_321 = arith.constant 0 : i32
        %dma_start3A_322 = arith.constant 0 : i32
        %dma_start3A_323 = tpu.memref_slice %arg13[%dma_start3A_319, %dma_start3A_321, %dma_start3A_322] : memref<8x128x2xf32, #tpu.memory_space<vmem>> -> memref<1x128x2xf32, #tpu.memory_space<vmem>>
        %dma_start3A_324 = tpu.memref_squeeze %dma_start3A_323 : memref<1x128x2xf32, #tpu.memory_space<vmem>> -> memref<128x2xf32, #tpu.memory_space<vmem>>
        %dma_start3A_325 = arith.constant 0 : i32
        %dma_start3A_326 = tpu.memref_slice %arg12[%dma_start3A_320, %dma_start3A_325] : memref<8x128xi32, #tpu.memory_space<vmem>> -> memref<1x128xi32, #tpu.memory_space<vmem>>
        %dma_start3A_327 = tpu.memref_squeeze %dma_start3A_326 : memref<1x128xi32, #tpu.memory_space<vmem>> -> memref<128xi32, #tpu.memory_space<vmem>>
        %dma_start3A_328 = arith.constant 0 : i32
        %dma_start3A_329 = arith.constant 0 : i32
        %dma_start3A_330 = tpu.memref_slice %arg10[%dma_start3A_328, %dma_start3A_329] : memref<100352x2xf32, #tpu.memory_space<vmem_shared>> -> memref<100352x2xf32, #tpu.memory_space<vmem_shared>>
        tpu.enqueue_indirect_dma source(%dma_start3A_324 : memref<128x2xf32, #tpu.memory_space<vmem>>) target(%dma_start3A_330 : memref<100352x2xf32, #tpu.memory_space<vmem_shared>>) offsets(%dma_start3A_327 : memref<128xi32, #tpu.memory_space<vmem>>) semaphore(%arg20 : memref<!tpu.dma_semaphore, #tpu.memory_space<semaphore_mem>>) {add = true}
        %dma_start3A_331 = arith.constant 5 : i32
        %dma_start3A_332 = arith.constant 5 : i32
        %dma_start3A_333 = arith.constant 0 : i32
        %dma_start3A_334 = arith.constant 0 : i32
        %dma_start3A_335 = tpu.memref_slice %arg13[%dma_start3A_331, %dma_start3A_333, %dma_start3A_334] : memref<8x128x2xf32, #tpu.memory_space<vmem>> -> memref<1x128x2xf32, #tpu.memory_space<vmem>>
        %dma_start3A_336 = tpu.memref_squeeze %dma_start3A_335 : memref<1x128x2xf32, #tpu.memory_space<vmem>> -> memref<128x2xf32, #tpu.memory_space<vmem>>
        %dma_start3A_337 = arith.constant 0 : i32
        %dma_start3A_338 = tpu.memref_slice %arg12[%dma_start3A_332, %dma_start3A_337] : memref<8x128xi32, #tpu.memory_space<vmem>> -> memref<1x128xi32, #tpu.memory_space<vmem>>
        %dma_start3A_339 = tpu.memref_squeeze %dma_start3A_338 : memref<1x128xi32, #tpu.memory_space<vmem>> -> memref<128xi32, #tpu.memory_space<vmem>>
        %dma_start3A_340 = arith.constant 0 : i32
        %dma_start3A_341 = arith.constant 0 : i32
        %dma_start3A_342 = tpu.memref_slice %arg10[%dma_start3A_340, %dma_start3A_341] : memref<100352x2xf32, #tpu.memory_space<vmem_shared>> -> memref<100352x2xf32, #tpu.memory_space<vmem_shared>>
        tpu.enqueue_indirect_dma source(%dma_start3A_336 : memref<128x2xf32, #tpu.memory_space<vmem>>) target(%dma_start3A_342 : memref<100352x2xf32, #tpu.memory_space<vmem_shared>>) offsets(%dma_start3A_339 : memref<128xi32, #tpu.memory_space<vmem>>) semaphore(%arg20 : memref<!tpu.dma_semaphore, #tpu.memory_space<semaphore_mem>>) {add = true}
        %dma_start3A_343 = arith.constant 6 : i32
        %dma_start3A_344 = arith.constant 6 : i32
        %dma_start3A_345 = arith.constant 0 : i32
        %dma_start3A_346 = arith.constant 0 : i32
        %dma_start3A_347 = tpu.memref_slice %arg13[%dma_start3A_343, %dma_start3A_345, %dma_start3A_346] : memref<8x128x2xf32, #tpu.memory_space<vmem>> -> memref<1x128x2xf32, #tpu.memory_space<vmem>>
        %dma_start3A_348 = tpu.memref_squeeze %dma_start3A_347 : memref<1x128x2xf32, #tpu.memory_space<vmem>> -> memref<128x2xf32, #tpu.memory_space<vmem>>
        %dma_start3A_349 = arith.constant 0 : i32
        %dma_start3A_350 = tpu.memref_slice %arg12[%dma_start3A_344, %dma_start3A_349] : memref<8x128xi32, #tpu.memory_space<vmem>> -> memref<1x128xi32, #tpu.memory_space<vmem>>
        %dma_start3A_351 = tpu.memref_squeeze %dma_start3A_350 : memref<1x128xi32, #tpu.memory_space<vmem>> -> memref<128xi32, #tpu.memory_space<vmem>>
        %dma_start3A_352 = arith.constant 0 : i32
        %dma_start3A_353 = arith.constant 0 : i32
        %dma_start3A_354 = tpu.memref_slice %arg10[%dma_start3A_352, %dma_start3A_353] : memref<100352x2xf32, #tpu.memory_space<vmem_shared>> -> memref<100352x2xf32, #tpu.memory_space<vmem_shared>>
        tpu.enqueue_indirect_dma source(%dma_start3A_348 : memref<128x2xf32, #tpu.memory_space<vmem>>) target(%dma_start3A_354 : memref<100352x2xf32, #tpu.memory_space<vmem_shared>>) offsets(%dma_start3A_351 : memref<128xi32, #tpu.memory_space<vmem>>) semaphore(%arg20 : memref<!tpu.dma_semaphore, #tpu.memory_space<semaphore_mem>>) {add = true}
        %dma_start3A_355 = arith.constant 7 : i32
        %dma_start3A_356 = arith.constant 7 : i32
        %dma_start3A_357 = arith.constant 0 : i32
        %dma_start3A_358 = arith.constant 0 : i32
        %dma_start3A_359 = tpu.memref_slice %arg13[%dma_start3A_355, %dma_start3A_357, %dma_start3A_358] : memref<8x128x2xf32, #tpu.memory_space<vmem>> -> memref<1x128x2xf32, #tpu.memory_space<vmem>>
        %dma_start3A_360 = tpu.memref_squeeze %dma_start3A_359 : memref<1x128x2xf32, #tpu.memory_space<vmem>> -> memref<128x2xf32, #tpu.memory_space<vmem>>
        %dma_start3A_361 = arith.constant 0 : i32
        %dma_start3A_362 = tpu.memref_slice %arg12[%dma_start3A_356, %dma_start3A_361] : memref<8x128xi32, #tpu.memory_space<vmem>> -> memref<1x128xi32, #tpu.memory_space<vmem>>
        %dma_start3A_363 = tpu.memref_squeeze %dma_start3A_362 : memref<1x128xi32, #tpu.memory_space<vmem>> -> memref<128xi32, #tpu.memory_space<vmem>>
        %dma_start3A_364 = arith.constant 0 : i32
        %dma_start3A_365 = arith.constant 0 : i32
        %dma_start3A_366 = tpu.memref_slice %arg10[%dma_start3A_364, %dma_start3A_365] : memref<100352x2xf32, #tpu.memory_space<vmem_shared>> -> memref<100352x2xf32, #tpu.memory_space<vmem_shared>>
        tpu.enqueue_indirect_dma source(%dma_start3A_360 : memref<128x2xf32, #tpu.memory_space<vmem>>) target(%dma_start3A_366 : memref<100352x2xf32, #tpu.memory_space<vmem_shared>>) offsets(%dma_start3A_363 : memref<128xi32, #tpu.memory_space<vmem>>) semaphore(%arg20 : memref<!tpu.dma_semaphore, #tpu.memory_space<semaphore_mem>>) {add = true}
        %dma_wait3A_367 = arith.constant 0 : i32
        %dma_wait3A_368 = arith.constant 0 : i32
        %dma_wait3A_369 = arith.constant 0 : i32
        %dma_wait3A_370 = arith.constant 0 : i32
        %dma_wait3A_371 = tpu.memref_slice %arg13[%dma_wait3A_367, %dma_wait3A_369, %dma_wait3A_370] : memref<8x128x2xf32, #tpu.memory_space<vmem>> -> memref<1x128x2xf32, #tpu.memory_space<vmem>>
        %dma_wait3A_372 = tpu.memref_squeeze %dma_wait3A_371 : memref<1x128x2xf32, #tpu.memory_space<vmem>> -> memref<128x2xf32, #tpu.memory_space<vmem>>
        %dma_wait3A_373 = arith.constant 0 : i32
        %dma_wait3A_374 = tpu.memref_slice %arg12[%dma_wait3A_368, %dma_wait3A_373] : memref<8x128xi32, #tpu.memory_space<vmem>> -> memref<1x128xi32, #tpu.memory_space<vmem>>
        %dma_wait3A_375 = tpu.memref_squeeze %dma_wait3A_374 : memref<1x128xi32, #tpu.memory_space<vmem>> -> memref<128xi32, #tpu.memory_space<vmem>>
        %dma_wait3A_376 = arith.constant 0 : i32
        %dma_wait3A_377 = arith.constant 0 : i32
        %dma_wait3A_378 = tpu.memref_slice %arg10[%dma_wait3A_376, %dma_wait3A_377] : memref<100352x2xf32, #tpu.memory_space<vmem_shared>> -> memref<100352x2xf32, #tpu.memory_space<vmem_shared>>
        tpu.wait_indirect_dma semaphore(%arg20 : memref<!tpu.dma_semaphore, #tpu.memory_space<semaphore_mem>>) src(%dma_wait3A_372 : memref<128x2xf32, #tpu.memory_space<vmem>>) dst(%dma_wait3A_378 : memref<100352x2xf32, #tpu.memory_space<vmem_shared>>)
        %dma_wait3A_379 = arith.constant 1 : i32
        %dma_wait3A_380 = arith.constant 1 : i32
        %dma_wait3A_381 = arith.constant 0 : i32
        %dma_wait3A_382 = arith.constant 0 : i32
        %dma_wait3A_383 = tpu.memref_slice %arg13[%dma_wait3A_379, %dma_wait3A_381, %dma_wait3A_382] : memref<8x128x2xf32, #tpu.memory_space<vmem>> -> memref<1x128x2xf32, #tpu.memory_space<vmem>>
        %dma_wait3A_384 = tpu.memref_squeeze %dma_wait3A_383 : memref<1x128x2xf32, #tpu.memory_space<vmem>> -> memref<128x2xf32, #tpu.memory_space<vmem>>
        %dma_wait3A_385 = arith.constant 0 : i32
        %dma_wait3A_386 = tpu.memref_slice %arg12[%dma_wait3A_380, %dma_wait3A_385] : memref<8x128xi32, #tpu.memory_space<vmem>> -> memref<1x128xi32, #tpu.memory_space<vmem>>
        %dma_wait3A_387 = tpu.memref_squeeze %dma_wait3A_386 : memref<1x128xi32, #tpu.memory_space<vmem>> -> memref<128xi32, #tpu.memory_space<vmem>>
        %dma_wait3A_388 = arith.constant 0 : i32
        %dma_wait3A_389 = arith.constant 0 : i32
        %dma_wait3A_390 = tpu.memref_slice %arg10[%dma_wait3A_388, %dma_wait3A_389] : memref<100352x2xf32, #tpu.memory_space<vmem_shared>> -> memref<100352x2xf32, #tpu.memory_space<vmem_shared>>
        tpu.wait_indirect_dma semaphore(%arg20 : memref<!tpu.dma_semaphore, #tpu.memory_space<semaphore_mem>>) src(%dma_wait3A_384 : memref<128x2xf32, #tpu.memory_space<vmem>>) dst(%dma_wait3A_390 : memref<100352x2xf32, #tpu.memory_space<vmem_shared>>)
        %dma_wait3A_391 = arith.constant 2 : i32
        %dma_wait3A_392 = arith.constant 2 : i32
        %dma_wait3A_393 = arith.constant 0 : i32
        %dma_wait3A_394 = arith.constant 0 : i32
        %dma_wait3A_395 = tpu.memref_slice %arg13[%dma_wait3A_391, %dma_wait3A_393, %dma_wait3A_394] : memref<8x128x2xf32, #tpu.memory_space<vmem>> -> memref<1x128x2xf32, #tpu.memory_space<vmem>>
        %dma_wait3A_396 = tpu.memref_squeeze %dma_wait3A_395 : memref<1x128x2xf32, #tpu.memory_space<vmem>> -> memref<128x2xf32, #tpu.memory_space<vmem>>
        %dma_wait3A_397 = arith.constant 0 : i32
        %dma_wait3A_398 = tpu.memref_slice %arg12[%dma_wait3A_392, %dma_wait3A_397] : memref<8x128xi32, #tpu.memory_space<vmem>> -> memref<1x128xi32, #tpu.memory_space<vmem>>
        %dma_wait3A_399 = tpu.memref_squeeze %dma_wait3A_398 : memref<1x128xi32, #tpu.memory_space<vmem>> -> memref<128xi32, #tpu.memory_space<vmem>>
        %dma_wait3A_400 = arith.constant 0 : i32
        %dma_wait3A_401 = arith.constant 0 : i32
        %dma_wait3A_402 = tpu.memref_slice %arg10[%dma_wait3A_400, %dma_wait3A_401] : memref<100352x2xf32, #tpu.memory_space<vmem_shared>> -> memref<100352x2xf32, #tpu.memory_space<vmem_shared>>
        tpu.wait_indirect_dma semaphore(%arg20 : memref<!tpu.dma_semaphore, #tpu.memory_space<semaphore_mem>>) src(%dma_wait3A_396 : memref<128x2xf32, #tpu.memory_space<vmem>>) dst(%dma_wait3A_402 : memref<100352x2xf32, #tpu.memory_space<vmem_shared>>)
        %dma_wait3A_403 = arith.constant 3 : i32
        %dma_wait3A_404 = arith.constant 3 : i32
        %dma_wait3A_405 = arith.constant 0 : i32
        %dma_wait3A_406 = arith.constant 0 : i32
        %dma_wait3A_407 = tpu.memref_slice %arg13[%dma_wait3A_403, %dma_wait3A_405, %dma_wait3A_406] : memref<8x128x2xf32, #tpu.memory_space<vmem>> -> memref<1x128x2xf32, #tpu.memory_space<vmem>>
        %dma_wait3A_408 = tpu.memref_squeeze %dma_wait3A_407 : memref<1x128x2xf32, #tpu.memory_space<vmem>> -> memref<128x2xf32, #tpu.memory_space<vmem>>
        %dma_wait3A_409 = arith.constant 0 : i32
        %dma_wait3A_410 = tpu.memref_slice %arg12[%dma_wait3A_404, %dma_wait3A_409] : memref<8x128xi32, #tpu.memory_space<vmem>> -> memref<1x128xi32, #tpu.memory_space<vmem>>
        %dma_wait3A_411 = tpu.memref_squeeze %dma_wait3A_410 : memref<1x128xi32, #tpu.memory_space<vmem>> -> memref<128xi32, #tpu.memory_space<vmem>>
        %dma_wait3A_412 = arith.constant 0 : i32
        %dma_wait3A_413 = arith.constant 0 : i32
        %dma_wait3A_414 = tpu.memref_slice %arg10[%dma_wait3A_412, %dma_wait3A_413] : memref<100352x2xf32, #tpu.memory_space<vmem_shared>> -> memref<100352x2xf32, #tpu.memory_space<vmem_shared>>
        tpu.wait_indirect_dma semaphore(%arg20 : memref<!tpu.dma_semaphore, #tpu.memory_space<semaphore_mem>>) src(%dma_wait3A_408 : memref<128x2xf32, #tpu.memory_space<vmem>>) dst(%dma_wait3A_414 : memref<100352x2xf32, #tpu.memory_space<vmem_shared>>)
        %dma_wait3A_415 = arith.constant 4 : i32
        %dma_wait3A_416 = arith.constant 4 : i32
        %dma_wait3A_417 = arith.constant 0 : i32
        %dma_wait3A_418 = arith.constant 0 : i32
        %dma_wait3A_419 = tpu.memref_slice %arg13[%dma_wait3A_415, %dma_wait3A_417, %dma_wait3A_418] : memref<8x128x2xf32, #tpu.memory_space<vmem>> -> memref<1x128x2xf32, #tpu.memory_space<vmem>>
        %dma_wait3A_420 = tpu.memref_squeeze %dma_wait3A_419 : memref<1x128x2xf32, #tpu.memory_space<vmem>> -> memref<128x2xf32, #tpu.memory_space<vmem>>
        %dma_wait3A_421 = arith.constant 0 : i32
        %dma_wait3A_422 = tpu.memref_slice %arg12[%dma_wait3A_416, %dma_wait3A_421] : memref<8x128xi32, #tpu.memory_space<vmem>> -> memref<1x128xi32, #tpu.memory_space<vmem>>
        %dma_wait3A_423 = tpu.memref_squeeze %dma_wait3A_422 : memref<1x128xi32, #tpu.memory_space<vmem>> -> memref<128xi32, #tpu.memory_space<vmem>>
        %dma_wait3A_424 = arith.constant 0 : i32
        %dma_wait3A_425 = arith.constant 0 : i32
        %dma_wait3A_426 = tpu.memref_slice %arg10[%dma_wait3A_424, %dma_wait3A_425] : memref<100352x2xf32, #tpu.memory_space<vmem_shared>> -> memref<100352x2xf32, #tpu.memory_space<vmem_shared>>
        tpu.wait_indirect_dma semaphore(%arg20 : memref<!tpu.dma_semaphore, #tpu.memory_space<semaphore_mem>>) src(%dma_wait3A_420 : memref<128x2xf32, #tpu.memory_space<vmem>>) dst(%dma_wait3A_426 : memref<100352x2xf32, #tpu.memory_space<vmem_shared>>)
        %dma_wait3A_427 = arith.constant 5 : i32
        %dma_wait3A_428 = arith.constant 5 : i32
        %dma_wait3A_429 = arith.constant 0 : i32
        %dma_wait3A_430 = arith.constant 0 : i32
        %dma_wait3A_431 = tpu.memref_slice %arg13[%dma_wait3A_427, %dma_wait3A_429, %dma_wait3A_430] : memref<8x128x2xf32, #tpu.memory_space<vmem>> -> memref<1x128x2xf32, #tpu.memory_space<vmem>>
        %dma_wait3A_432 = tpu.memref_squeeze %dma_wait3A_431 : memref<1x128x2xf32, #tpu.memory_space<vmem>> -> memref<128x2xf32, #tpu.memory_space<vmem>>
        %dma_wait3A_433 = arith.constant 0 : i32
        %dma_wait3A_434 = tpu.memref_slice %arg12[%dma_wait3A_428, %dma_wait3A_433] : memref<8x128xi32, #tpu.memory_space<vmem>> -> memref<1x128xi32, #tpu.memory_space<vmem>>
        %dma_wait3A_435 = tpu.memref_squeeze %dma_wait3A_434 : memref<1x128xi32, #tpu.memory_space<vmem>> -> memref<128xi32, #tpu.memory_space<vmem>>
        %dma_wait3A_436 = arith.constant 0 : i32
        %dma_wait3A_437 = arith.constant 0 : i32
        %dma_wait3A_438 = tpu.memref_slice %arg10[%dma_wait3A_436, %dma_wait3A_437] : memref<100352x2xf32, #tpu.memory_space<vmem_shared>> -> memref<100352x2xf32, #tpu.memory_space<vmem_shared>>
        tpu.wait_indirect_dma semaphore(%arg20 : memref<!tpu.dma_semaphore, #tpu.memory_space<semaphore_mem>>) src(%dma_wait3A_432 : memref<128x2xf32, #tpu.memory_space<vmem>>) dst(%dma_wait3A_438 : memref<100352x2xf32, #tpu.memory_space<vmem_shared>>)
        %dma_wait3A_439 = arith.constant 6 : i32
        %dma_wait3A_440 = arith.constant 6 : i32
        %dma_wait3A_441 = arith.constant 0 : i32
        %dma_wait3A_442 = arith.constant 0 : i32
        %dma_wait3A_443 = tpu.memref_slice %arg13[%dma_wait3A_439, %dma_wait3A_441, %dma_wait3A_442] : memref<8x128x2xf32, #tpu.memory_space<vmem>> -> memref<1x128x2xf32, #tpu.memory_space<vmem>>
        %dma_wait3A_444 = tpu.memref_squeeze %dma_wait3A_443 : memref<1x128x2xf32, #tpu.memory_space<vmem>> -> memref<128x2xf32, #tpu.memory_space<vmem>>
        %dma_wait3A_445 = arith.constant 0 : i32
        %dma_wait3A_446 = tpu.memref_slice %arg12[%dma_wait3A_440, %dma_wait3A_445] : memref<8x128xi32, #tpu.memory_space<vmem>> -> memref<1x128xi32, #tpu.memory_space<vmem>>
        %dma_wait3A_447 = tpu.memref_squeeze %dma_wait3A_446 : memref<1x128xi32, #tpu.memory_space<vmem>> -> memref<128xi32, #tpu.memory_space<vmem>>
        %dma_wait3A_448 = arith.constant 0 : i32
        %dma_wait3A_449 = arith.constant 0 : i32
        %dma_wait3A_450 = tpu.memref_slice %arg10[%dma_wait3A_448, %dma_wait3A_449] : memref<100352x2xf32, #tpu.memory_space<vmem_shared>> -> memref<100352x2xf32, #tpu.memory_space<vmem_shared>>
        tpu.wait_indirect_dma semaphore(%arg20 : memref<!tpu.dma_semaphore, #tpu.memory_space<semaphore_mem>>) src(%dma_wait3A_444 : memref<128x2xf32, #tpu.memory_space<vmem>>) dst(%dma_wait3A_450 : memref<100352x2xf32, #tpu.memory_space<vmem_shared>>)
        %dma_wait3A_451 = arith.constant 7 : i32
        %dma_wait3A_452 = arith.constant 7 : i32
        %dma_wait3A_453 = arith.constant 0 : i32
        %dma_wait3A_454 = arith.constant 0 : i32
        %dma_wait3A_455 = tpu.memref_slice %arg13[%dma_wait3A_451, %dma_wait3A_453, %dma_wait3A_454] : memref<8x128x2xf32, #tpu.memory_space<vmem>> -> memref<1x128x2xf32, #tpu.memory_space<vmem>>
        %dma_wait3A_456 = tpu.memref_squeeze %dma_wait3A_455 : memref<1x128x2xf32, #tpu.memory_space<vmem>> -> memref<128x2xf32, #tpu.memory_space<vmem>>
        %dma_wait3A_457 = arith.constant 0 : i32
        %dma_wait3A_458 = tpu.memref_slice %arg12[%dma_wait3A_452, %dma_wait3A_457] : memref<8x128xi32, #tpu.memory_space<vmem>> -> memref<1x128xi32, #tpu.memory_space<vmem>>
        %dma_wait3A_459 = tpu.memref_squeeze %dma_wait3A_458 : memref<1x128xi32, #tpu.memory_space<vmem>> -> memref<128xi32, #tpu.memory_space<vmem>>
        %dma_wait3A_460 = arith.constant 0 : i32
        %dma_wait3A_461 = arith.constant 0 : i32
        %dma_wait3A_462 = tpu.memref_slice %arg10[%dma_wait3A_460, %dma_wait3A_461] : memref<100352x2xf32, #tpu.memory_space<vmem_shared>> -> memref<100352x2xf32, #tpu.memory_space<vmem_shared>>
        tpu.wait_indirect_dma semaphore(%arg20 : memref<!tpu.dma_semaphore, #tpu.memory_space<semaphore_mem>>) src(%dma_wait3A_456 : memref<128x2xf32, #tpu.memory_space<vmem>>) dst(%dma_wait3A_462 : memref<100352x2xf32, #tpu.memory_space<vmem_shared>>)
      }
      %scan3A_60 = arith.constant 391 : i32
      %barrier3A_61 = arith.constant 0 : index
      tpu.barrier barrier_id(%barrier3A_61)
    }
    %scan3A_40 = arith.constant 9 : i32
    "tpu.region"() ({
      %run_scoped3A_47 = tpu.sem_alloc : memref<!tpu.dma_semaphore, #tpu.memory_space<semaphore_mem>>
      %dma_start3A = arith.constant 0 : i32
      %dma_start3A_48 = tpu.memref_slice %arg10[%mul3A_0, %dma_start3A] : memref<100352x2xf32, #tpu.memory_space<vmem_shared>> -> memref<6272x2xf32, #tpu.memory_space<vmem_shared>>
      %dma_start3A_49 = arith.constant 0 : i32
      %dma_start3A_50 = tpu.memref_slice %arg10[%mul3A_0, %dma_start3A_49] : memref<100352x2xf32, #tpu.memory_space<vmem_shared>> -> memref<6272x2xf32, #tpu.memory_space<vmem_shared>>
      tpu.enqueue_dma source(%dma_start3A_50 : memref<6272x2xf32, #tpu.memory_space<vmem_shared>>) target(%arg16 : memref<6272x2xf32, #tpu.memory_space<vmem>>) target_semaphore(%run_scoped3A_47 : memref<!tpu.dma_semaphore, #tpu.memory_space<semaphore_mem>>)
      %dma_wait3A = arith.constant 0 : i32
      %dma_wait3A_51 = tpu.memref_slice %arg10[%mul3A_0, %dma_wait3A] : memref<100352x2xf32, #tpu.memory_space<vmem_shared>> -> memref<6272x2xf32, #tpu.memory_space<vmem_shared>>
      %dma_wait3A_52 = arith.constant 0 : i32
      %dma_wait3A_53 = tpu.memref_slice %arg10[%mul3A_0, %dma_wait3A_52] : memref<100352x2xf32, #tpu.memory_space<vmem_shared>> -> memref<6272x2xf32, #tpu.memory_space<vmem_shared>>
      tpu.wait_dma2 semaphore(%run_scoped3A_47 : memref<!tpu.dma_semaphore, #tpu.memory_space<semaphore_mem>>) src(%dma_wait3A_53 : memref<6272x2xf32, #tpu.memory_space<vmem_shared>>) dst(%arg16 : memref<6272x2xf32, #tpu.memory_space<vmem>>)
      tpu.yield
    }) : () -> ()
    %scan3A_41 = arith.constant 0 : i32
    %scan3A_42 = arith.constant 0 : i32
    %scan3A_43 = arith.constant 392 : i32
    %scan3A_44 = arith.addi %scan3A_42, %scan3A_43 : i32
    %scan3A_45 = arith.constant 1 : i32
    scf.for %scan3A_47 = %scan3A_42 to %scan3A_44 step %scan3A_45  : i32 {
      %mul3A_48 = arith.constant 16 : i32
      %mul3A_49 = arith.muli %scan3A_47, %mul3A_48 : i32
      %iota3A = tpu.iota {dimensions = array<i32: 0>} : vector<16xi32>
      %mul3A_50 = arith.constant 16 : i32
      %mul3A_51 = arith.muli %scan3A_47, %mul3A_50 : i32
      %add3A = vector.broadcast %mul3A_51 : i32 to vector<16xi32>
      %add3A_52 = arith.addi %iota3A, %add3A : vector<16xi32>
      %broadcast_in_dim3A = arith.constant 0 : i32
      %broadcast_in_dim3A_53 = vector.broadcast %broadcast_in_dim3A : i32 to vector<16xi32>
      %broadcast_in_dim3A_54 = arith.constant 1 : i32
      %broadcast_in_dim3A_55 = vector.broadcast %broadcast_in_dim3A_54 : i32 to vector<16xi32>
      %get3A = arith.index_cast %mul3A_49 : i32 to index
      %get3A_56 = tpu.vector_load %arg15[%get3A] {strides = array<i32>} : memref<6272xf32, #tpu.memory_space<vmem>>, vector<16xf32>,
      %gather3A = tpu.vector_load_idx %arg16[%add3A_52, %broadcast_in_dim3A_53] : memref<6272x2xf32, #tpu.memory_space<vmem>>[vector<16xi32>, vector<16xi32>], vector<16xf32>,
      %gather3A_57 = tpu.vector_load_idx %arg16[%add3A_52, %broadcast_in_dim3A_55] : memref<6272x2xf32, #tpu.memory_space<vmem>>[vector<16xi32>, vector<16xi32>], vector<16xf32>,
      %mul3A_58 = arith.mulf %get3A_56, %gather3A : vector<16xf32>
      tpu.vector_store_idx %arg16[%add3A_52, %broadcast_in_dim3A_53], %mul3A_58 : memref<6272x2xf32, #tpu.memory_space<vmem>>[vector<16xi32>, vector<16xi32>], vector<16xf32>,
      %mul3A_59 = arith.mulf %get3A_56, %gather3A_57 : vector<16xf32>
      tpu.vector_store_idx %arg16[%add3A_52, %broadcast_in_dim3A_55], %mul3A_59 : memref<6272x2xf32, #tpu.memory_space<vmem>>[vector<16xi32>, vector<16xi32>], vector<16xf32>,
    }
    %scan3A_46 = arith.constant 392 : i32
    "tpu.region"() ({
      %run_scoped3A_47 = tpu.sem_alloc : memref<!tpu.dma_semaphore, #tpu.memory_space<semaphore_mem>>
      %dma_start3A = arith.constant 0 : i32
      %dma_start3A_48 = tpu.memref_slice %arg7[%mul3A_0, %dma_start3A] : memref<100352x2xf32, #tpu.memory_space<hbm>> -> memref<6272x2xf32, #tpu.memory_space<hbm>>
      %dma_start3A_49 = arith.constant 0 : i32
      %dma_start3A_50 = tpu.memref_slice %arg7[%mul3A_0, %dma_start3A_49] : memref<100352x2xf32, #tpu.memory_space<hbm>> -> memref<6272x2xf32, #tpu.memory_space<hbm>>
      tpu.enqueue_dma source(%arg16 : memref<6272x2xf32, #tpu.memory_space<vmem>>) target(%dma_start3A_50 : memref<6272x2xf32, #tpu.memory_space<hbm>>) target_semaphore(%run_scoped3A_47 : memref<!tpu.dma_semaphore, #tpu.memory_space<semaphore_mem>>)
      %dma_wait3A = arith.constant 0 : i32
      %dma_wait3A_51 = tpu.memref_slice %arg7[%mul3A_0, %dma_wait3A] : memref<100352x2xf32, #tpu.memory_space<hbm>> -> memref<6272x2xf32, #tpu.memory_space<hbm>>
      %dma_wait3A_52 = arith.constant 0 : i32
      %dma_wait3A_53 = tpu.memref_slice %arg7[%mul3A_0, %dma_wait3A_52] : memref<100352x2xf32, #tpu.memory_space<hbm>> -> memref<6272x2xf32, #tpu.memory_space<hbm>>
      tpu.wait_dma2 semaphore(%run_scoped3A_47 : memref<!tpu.dma_semaphore, #tpu.memory_space<semaphore_mem>>) src(%arg16 : memref<6272x2xf32, #tpu.memory_space<vmem>>) dst(%dma_wait3A_53 : memref<6272x2xf32, #tpu.memory_space<hbm>>)
      tpu.yield
    }) : () -> ()
    return
  }
}

</mosaic_0001>

<sc_bundles>
// kernel: kernel.3.cloned.1.call-start
scs
__scs_entry_jumppad:
0x0: {  	(pc) =	sbr.rel $0x88, $3  }
0x1: {  	(tag) =	ssettag $0x0;
	lr =	simm.s32 $0x1  }
0x2: {  	[smem:$0x3F9D] =	sst lr;
	_ =	strace $0xD0000000  }
0x3: {  	_ = 	snop  }
0x4: {  	_ = 	snop  }
0x5: {  	_ = 	snop  }
0x6: {  	_ = 	snop  }
0x7: {  	_ = 	snop  }
__scs_overlays_trampoline_lowered:
0x8: {  	[smem:$0x3FAC] =	sst s0  }
0x9: {  	[smem:$0x3FAD] =	sst s1  }
0xa: {  	[smem:$0x3FAE] =	sst s2  }
0xb: {  	[smem:$0x3FAF] =	sst s3  }
0xc: {  	[smem:$0x3FB0] =	sst s4  }
0xd: {  	[smem:$0x3FB1] =	sst s5  }
0xe: {  	[smem:$0x3FB2] =	sst s6  }
0xf: {  	[smem:$0x3FB3] =	sst s7  }
0x10: {  	[smem:$0x3FB4] =	sst s8  }
0x11: {  	[smem:$0x3FB5] =	sst s9;
	s0 =	simm.s32 @!p0 $0x0  }
0x12: {  	s1 =	sld [smem:$0x3F9B];
	s0 =	simm.s32 @p0 $0x1  }
0x13: {  	[smem:$0x3FB6] =	sst s0;
	s0 =	simm.s32 @!p1 $0x0  }
0x14: {  	s2 =	sld [smem:$0x3F9A];
	s0 =	simm.s32 @p1 $0x1  }
0x15: {  	[smem:$0x3FB7] =	sst s0;
	s0 =	simm.s32 @!p2 $0x0  }
0x16: {  	s3 =	sld [smem:$0x3FDB];
	s0 =	simm.s32 @p2 $0x1  }
0x17: {  	s4 =	simm.s32 $0x1BF5;
	[smem:$0x3FB9] =	sst s0  }
0x18: {  	s0 =	sld [smem:$0x3F9C];
	_ =	swait.ge [sflag:s4], $0x0  }
0x19: {  	s7 =	sld [smem:$0x3F9D]  }
0x1a: {  	s8 =	sadd.s32 $0xFFFFE003, lr  }
0x1b: {  	s9 =	sadd.s32 $0xFFFFFEF7, lr;
	s5 =	simm.s32 $0xFFFFFFFF;
	p2 =	slt.u32 s8, $0xFFFFF086  }
0x1c: {  	p1 =	slt.u32 s9, $0xF7A;
	s5 =	simm.s32 @!p2 $0x0  }
0x1d: {  	s5 =	simm.s32 @p1 $0x1;
	p0 =	seq.s32 s7, s2  }
0x1e: {  	s7 =	smul.u32 @!p0 $0xF7A, s2;
	p2 =	seq.s32 @!p0 s5, $0x0  }
0x1f: {  	s9 =	smul.u32 $0xF7A, s1;
	s8 =	simm.s32 @!p0 $0x1BF5;
	p2 =	por !p2, p0  }
0x20: {  	[sflag:s8] =	ssyncset.s32 @!p0 $0xFFFFF086;
	s6 =	sadd.s32 @!p0 s3, s7;
	s7 =	simm.s32 @!p0 $0x108  }
0x21: {  	s3 =	sadd.s32 s3, s9;
	s6 =	sadd.s32 @!p0 $0x88, s6;
	s7 =	simm.s32 @p2 $0x1082  }
0x22: {  	[simem:s7], [sflag:s8] =	dma.local @!p0 [hbm:s6], $0xF7A  }
0x23: {  	s9 =	sor.u32 $0xD0000000, s2;
	s6 =	simm.s32 $0x108;
	_ =	swait.ge @!p0 [sflag:s8], $0x0  }
0x24: {  	s3 =	sadd.s32 $0x88, s3;
	s6 =	simm.s32 @!p1 $0x1082;
	[sflag:s4] =	ssyncset.s32 $0xFFFFF086  }
0x25: {  	[simem:s6], [sflag:s4] =	dma.local [hbm:s3], $0xF7A  }
0x26: {  	[smem:$0x3F9D] =	sst s1;
	(tag) =	ssettag s2;
	_ =	strace s9  }
0x27: {  	s1 =	sld [smem:$0x3FAD]  }
0x28: {  	s2 =	sld [smem:$0x3FAE]  }
0x29: {  	s4 =	sld [smem:$0x3FB0]  }
0x2a: {  	p0 =	seq.s32 s5, $0x0;
	s5 =	sld [smem:$0x3FB1]  }
0x2b: {  	s6 =	sld [smem:$0x3FB2]  }
0x2c: {  	s7 =	sld [smem:$0x3FB3]  }
0x2d: {  	s3 =	simm.s32 $0x108;
	s8 =	sld [smem:$0x3FB4]  }
0x2e: {  	s3 =	simm.s32 @!p0 $0x1082;
	s9 =	sld [smem:$0x3FB5]  }
0x2f: {  	lr =	sadd.s32 s0, s3;
	s0 =	sld [smem:$0x3FAC]  }
0x30: {  	s3 =	sld [smem:$0x3FAF]  }
0x31: {  	[smem:$0x3FB8] =	sst s10  }
0x32: {  	s10 =	sld [smem:$0x3FB6];
	_ =	sdelay $0x3  }
0x33: {  	p0 =	seq.s32 s10, $0x1;
	s10 =	sld [smem:$0x3FB8];
	_ =	sdelay $0x3  }
0x34: {  	[smem:$0x3FB8] =	sst s10  }
0x35: {  	s10 =	sld [smem:$0x3FB7];
	_ =	sdelay $0x3  }
0x36: {  	p1 =	seq.s32 s10, $0x1;
	s10 =	sld [smem:$0x3FB8];
	_ =	sdelay $0x3  }
0x37: {  	[smem:$0x3FB8] =	sst s10  }
0x38: {  	s10 =	sld [smem:$0x3FB9]  }
0x39: {  	_ = 	snop;
	(pc) =	sbr.ind lr, $3  }
0x3a: {  	_ = 	snop  }
0x3b: {  	_ = 	snop  }
0x3c: {  	p2 =	seq.s32 s10, $0x1;
	s10 =	sld [smem:$0x3FB8]  }
0x3d: {  	_ =	shalt  }
0x3e: {  	_ =	shalt  }
0x3f: {  	_ =	shalt  }
0x40: {  	_ =	shalt  }
0x41: {  	_ =	shalt  }
0x42: {  	_ =	shalt  }
0x43: {  	_ =	shalt  }
0x44: {  	_ =	shalt  }
0x45: {  	_ =	shalt  }
0x46: {  	_ =	shalt  }
0x47: {  	_ =	shalt  }
0x48: {  	_ =	shalt  }
0x49: {  	_ =	shalt  }
0x4a: {  	_ =	shalt  }
0x4b: {  	_ =	shalt  }
0x4c: {  	_ =	shalt  }
0x4d: {  	_ =	shalt  }
0x4e: {  	_ =	shalt  }
0x4f: {  	_ =	shalt  }
0x50: {  	_ =	shalt  }
0x51: {  	_ =	shalt  }
0x52: {  	_ =	shalt  }
0x53: {  	_ =	shalt  }
0x54: {  	_ =	shalt  }
0x55: {  	_ =	shalt  }
0x56: {  	_ =	shalt  }
0x57: {  	_ =	shalt  }
0x58: {  	_ =	shalt  }
0x59: {  	_ =	shalt  }
0x5a: {  	_ =	shalt  }
0x5b: {  	_ =	shalt  }
0x5c: {  	_ =	shalt  }
0x5d: {  	_ =	shalt  }
0x5e: {  	_ =	shalt  }
0x5f: {  	_ =	shalt  }
0x60: {  	_ =	shalt  }
0x61: {  	_ =	shalt  }
0x62: {  	_ =	shalt  }
0x63: {  	_ =	shalt  }
0x64: {  	_ =	shalt  }
0x65: {  	_ =	shalt  }
0x66: {  	_ =	shalt  }
0x67: {  	_ =	shalt  }
0x68: {  	_ =	shalt  }
0x69: {  	_ =	shalt  }
0x6a: {  	_ =	shalt  }
0x6b: {  	_ =	shalt  }
0x6c: {  	_ =	shalt  }
0x6d: {  	_ =	shalt  }
0x6e: {  	_ =	shalt  }
0x6f: {  	_ =	shalt  }
0x70: {  	_ =	shalt  }
0x71: {  	_ =	shalt  }
0x72: {  	_ =	shalt  }
0x73: {  	_ =	shalt  }
0x74: {  	_ =	shalt  }
0x75: {  	_ =	shalt  }
0x76: {  	_ =	shalt  }
0x77: {  	_ =	shalt  }
0x78: {  	_ =	shalt  }
0x79: {  	_ =	shalt  }
0x7a: {  	_ =	shalt  }
0x7b: {  	_ =	shalt  }
0x7c: {  	_ =	shalt  }
0x7d: {  	_ =	shalt  }
0x7e: {  	_ =	shalt  }
0x7f: {  	_ =	shalt  }
0x80: {  	_ =	shalt  }
0x81: {  	_ =	shalt  }
0x82: {  	_ =	shalt  }
0x83: {  	_ =	shalt  }
0x84: {  	_ =	shalt  }
0x85: {  	_ =	shalt  }
0x86: {  	_ =	shalt  }
0x87: {  	_ =	shalt  }
.Lfunc_end0:
.L_simem_size_0:
called_computation_lowered:
.L_overlay_start_0:
0x88: {  	s0 =	sld [smem:$0x3FD9]  }
0x89: {  	s1 =	sld [smem:$0x3FFE];
	_ =	sdelay $0x3  }
0x8a: {  	s0 =	sadd.s32 s1, s0  }
0x8b: {  	[smem:$0x3FC4] =	sst s0  }
0x8c: {  	_ = 	snop  }
0x8d: {  	s0 =	sld [smem:$0x3FD0];
	(tm) =	ssettm $0x1  }
0x8e: {  	s16 =	sld [smem:$0x3FFB];
	_ =	sdelay $0x3  }
0x8f: {  	_ =	strace s16  }
0x90: {  	s1 =	sld [smem:$0x3FFC];
	_ =	sdelay $0x3  }
0x91: {  	_ =	strace s1  }
0x92: {  	s1 =	sld [smem:$0x3FFD];
	_ =	sdelay $0x3  }
0x93: {  	_ =	strace s1  }
0x94: {  	_ =	strace $0x8FFFFFFF  }
0x95: {  	s17 =	sld [smem:$0x3FDB];
	_ =	sdelay $0x1  }
0x96: {  	s2 =	simm.s32 $_scs_section_size  }
0x97: {  	s3 =	simm.s32 $_size__tile_overlayer_lowered;
	s4 =	simm.s32 $_tile_overlayer_lowered  }
0x98: {  	s20 =	simm.s32 $0x1BFF;
	s19 =	sshll.u32 s4, $0x1;
	s1 =	sadd.s32 s2, s17  }
0x99: {  	s5 =	simm.s32 $0x0;
	s18 =	sshll.u32 s3, $0x1;
	s3 =	sadd.s32 s19, s1  }
0x9a: {  	[timem:s5], [sflag:s20] =	dma.local [hbm:s3], s18  }
0x9b: {  	_ =	swait.ge [sflag:s20], s18  }
0x9c: {  	s2 =	ssub.s32 $0x0, s18;
	[sflag:s20] =	ssyncset.done $0x0  }
0x9d: {  	[sflag:s20] =	ssyncadd.s32 s2;
	_ =	sdelay $0x1  }
0x9e: {  	s21 =	simm.s32 $0x1B8B  }
0x9f: {  	_ =	swait.ge [sflag:s21], $0x1  }
0xa0: {  	[sflag:s21] =	ssyncset.done $0x0  }
0xa1: {  	s23 =	simm.s32 $0x1B8E;
	s22 =	sld [smem:$0x3FFE];
	[sflag:s21] =	ssyncadd.s32 $0xFFFFFFFF  }
0xa2: {  	s24 =	simm.s32 $execute0_lowered;
	[smem:$0x3FD2] =	sst s23  }
0xa3: {  	s3 =	sshll.u32 s24, $0x1;
	_ =	strace $0x80000046;
	[dreg:$0x1] =	wrdreg $0xFFFFFFFF  }
0xa4: {  	s25 =	simm.s32 $_size_execute0_lowered;
	s1 =	sadd.s32 s1, s3;
	[dreg:$0x0] =	wrdreg $0x0  }
0xa5: {  	s3 =	sshll.u32 s25, $0x1;
	[dreg:$0x2] =	wrdreg s1  }
0xa6: {  	[dreg:$0x3] =	wrdreg s3  }
0xa7: {  	[dreg:$0x4] =	wrdreg $0xC0  }
0xa8: {  	_ =	task [dreg:s5], $0x5FFFF  }
0xa9: {  	[dreg:$0x1] =	wrdreg $0xFFFFFFFF  }
0xaa: {  	[dreg:$0x0] =	wrdreg $0x60  }
0xab: {  	[dreg:$0x2] =	wrdreg s22  }
0xac: {  	[dreg:$0x3] =	wrdreg s0  }
0xad: {  	[dreg:$0x4] =	wrdreg $0x0  }
0xae: {  	[dreg:$0x5] =	wrdreg $0x18800  }
0xaf: {  	[dreg:$0x6] =	wrdreg $0x49800  }
0xb0: {  	[dreg:$0x7] =	wrdreg $0x9  }
0xb1: {  	_ =	task.clear_ibuf [dreg:s5], $0x8FFFF;
	_ =	strace $0x90000046  }
0xb2: {  	s26 =	simm.s32 $0x9;
	_ =	strace $0x80000048  }
0xb3: {  	_ =	swait.ge [sflag:s26], $0x1  }
0xb4: {  	[sflag:s26] =	ssyncadd.s32 $0xFFFFFFFF  }
0xb5: {  	_ =	strace $0x90000048  }
0xb6: {  	_ =	sfence  }
0xb7: {  	s28 =	sld [smem:$0x0];
	_ =	sdelay $0x1  }
0xb8: {  	s29 =	srdreg.scid  }
0xb9: {  	s30 =	sshll.u32 s29, $0xD;
	s31 =	sshrl.u32 s29, $0x2  }
0xba: {  	s2 =	sand.u32 $0x4000, s30;
	s1 =	sand.u32 $0x1, s29;
	s0 =	sadd.s32 s31, s28  }
0xbb: {  	s1 =	sor.u32 s2, s1;
	s0 =	sshll.u32 s0, $0x11  }
0xbc: {  	s0 =	sor.u32 s0, s1  }
0xbd: {  	s0 =	sadd.s32 $0x8F2B, s0  }
0xbe: {  	[sflag:s0] =	ssyncadd.remote.s32 $0x1  }
0xbf: {  	_ =	sfence.sel $0xFFFF  }
0xc0: {  	[dreg:$0x0] =	wrdreg $0xFFFFFFFF;
	(pc) =	sbr.abs _section_cstart, $3  }
0xc1: {  	[dreg:$0x1] =	wrdreg $0xFFFFFFFF  }
0xc2: {  	_ =	task.clear_ibuf [dreg:s5], $0x2FFFF;
	_ =	strace $0x9FFFFFFF  }
0xc3: {  	(tm) =	ssettm $0x7FFFFFFF  }
tec
execute0_lowered:
.L_overlay_start_1:
0x0: {  	(tag) =	ssettag $0x1  }
0x1: {  	s9 =	rddreg [dreg:$0x0]  }
0x2: {  	s7 =	rddreg [dreg:$0x2]  }
0x3: {  	s4 =	rddreg [dreg:$0x3]  }
0x4: {  	s5 =	rddreg [dreg:$0x4];
	s0 =	simm.s32 $0x0;
	s25 =	stileid.u32  }
0x5: {  	s1 =	simm.s32 $0xA280;
	s6 =	simm.s32 $0x4;
	[smem:$0x7FF] =	sst s0  }
0x6: {  	s2 =	sadd.s32 $0x19400, s9;
	s3 =	smul.u32 $0x6200, s25;
	_ =	strace $0x80000047  }
0x7: {  	[tilespmem:s1], [sflag:$0x4] =	stream.linear.gather [hbm4b:s2+s0], $0x80, $0x38;
	[tilespmem:$0x17FE0] =	vst v63  }
0x8: {  	s31 =	sshrl.u32 s3, $0x2;
	_ =	swait.ge [sflag:s6], $0x80  }
0x9: {  	s3 =	sadd.s32 s31, s7;
	[sflag:s6] =	ssyncset.done $0x0  }
0xa: {  	s8 =	sadd.s32 $0xDCA00, s9;
	s0 =	sadd.s32 $0x0, s3;
	[sflag:s6] =	ssyncadd.s32 $0xFFFFFF80  }
0xb: {  	[spmem:s0] =	stream.linear.scatter [tilespmem:s1], [sflag:$0x4], $0x80, $0x38;
	[tilespmem:$0x17FE0] =	vst v63  }
0xc: {  	s2 =	sadd.s32 $0xC00, s9;
	s0 =	sadd.s32 $0x1A0200, s9;
	s9 =	sadd.s32 $0x19600, s9  }
0xd: {  	[dreg:$0x13] =	wrdreg s9  }
0xe: {  	s9 =	simm.s32 $0x200;
	_ =	swait.ge [sflag:s6], $0x80  }
.LBB2_1:
0xf: {  	s10 =	sshra.s32 s9, $0x2;
	[sflag:s6] =	ssyncset.done $0x0;
	p0 =	sne.s32 s9, $0x6000  }
.Ltmp0:
0x10: {  	s10 =	sadd.s32 s10, s3;
	[sflag:s6] =	ssyncadd.s32 $0xFFFFFF80;
	(pc) =	sbr.rel @p0 .LBB2_1-.Ltmp0, $3  }
0x11: {  	[spmem:s10] =	stream.linear.scatter [tilespmem:s1], [sflag:$0x4], $0x80, $0x38;
	[tilespmem:$0x17FE0] =	vst v63  }
0x12: {  	s9 =	sadd.s32 $0x200, s9;
	_ =	sdelay $0x1  }
0x13: {  	_ =	swait.ge [sflag:s6], $0x80  }
0x14: {  	s1 =	smul.u32 $0xC380, s25  }
0x15: {  	[sflag:s6] =	ssyncset.done $0x0;
	s13 =	simm.s32 $0x0  }
0x16: {  	s12 =	simm.s32 $0x1;
	[sflag:s6] =	ssyncadd.s32 $0xFFFFFF80;
	s26 =	sadd.s32 s1, s8  }
0x17: {  	s6 =	simm.s32 $0x7A80;
	[bflag:$0x0] =	sbarrier.arrive $0xFFFF;
	s8 =	sadd.s32 $0x0, s26  }
0x18: {  	[tilespmem:s6], [sflag:$0x1] =	stream.linear.gather [hbm4b:s8+s13], $0x400, $0x38;
	[tilespmem:$0x17FE0] =	vst v63  }
0x19: {  	_ =	swait.ge [sflag:s12], $0x400  }
0x1a: {  	[sflag:s12] =	ssyncset.done $0x0  }
0x1b: {  	s9 =	simm.s32 $0x80;
	s11 =	simm.s32 $0xA280;
	[sflag:s12] =	ssyncadd.s32 $0xFFFFFC00  }
0x1c: {  	[spmem:s7] =	stream.indirect.scatter.add.f32 [tilespmem:s11], [sflag:$0x3], $0x1, s6, s9, $0xb8;
	[tilespmem:$0x17FE0] =	vst v63  }
0x1d: {  	s14 =	simm.s32 $0x7B00  }
0x1e: {  	[spmem:s7] =	stream.indirect.scatter.add.f32 [tilespmem:s11], [sflag:$0x3], $0x1, s14, s9, $0xb8;
	[tilespmem:$0x17FE0] =	vst v63  }
0x1f: {  	s15 =	simm.s32 $0x7B80  }
0x20: {  	[spmem:s7] =	stream.indirect.scatter.add.f32 [tilespmem:s11], [sflag:$0x3], $0x1, s15, s9, $0xb8;
	[tilespmem:$0x17FE0] =	vst v63  }
0x21: {  	s16 =	simm.s32 $0x7C00  }
0x22: {  	[spmem:s7] =	stream.indirect.scatter.add.f32 [tilespmem:s11], [sflag:$0x3], $0x1, s16, s9, $0xb8;
	[tilespmem:$0x17FE0] =	vst v63  }
0x23: {  	s17 =	simm.s32 $0x7C80  }
0x24: {  	[spmem:s7] =	stream.indirect.scatter.add.f32 [tilespmem:s11], [sflag:$0x3], $0x1, s17, s9, $0xb8;
	[tilespmem:$0x17FE0] =	vst v63  }
0x25: {  	s18 =	simm.s32 $0x7D00  }
0x26: {  	[spmem:s7] =	stream.indirect.scatter.add.f32 [tilespmem:s11], [sflag:$0x3], $0x1, s18, s9, $0xb8;
	[tilespmem:$0x17FE0] =	vst v63  }
0x27: {  	s19 =	simm.s32 $0x7D80  }
0x28: {  	[spmem:s7] =	stream.indirect.scatter.add.f32 [tilespmem:s11], [sflag:$0x3], $0x1, s19, s9, $0xb8;
	[tilespmem:$0x17FE0] =	vst v63  }
0x29: {  	s20 =	simm.s32 $0x7E00;
	s8 =	simm.s32 $0x3  }
0x2a: {  	[spmem:s7] =	stream.indirect.scatter.add.f32 [tilespmem:s11], [sflag:$0x3], $0x1, s20, s9, $0xb8;
	[tilespmem:$0x17FE0] =	vst v63  }
0x2b: {  	_ =	swait.ge [sflag:s8], $0x80  }
0x2c: {  	[sflag:s8] =	ssyncset.done $0x0  }
0x2d: {  	[sflag:s8] =	ssyncadd.s32 $0xFFFFFF80  }
0x2e: {  	_ =	swait.ge [sflag:s8], $0x80  }
0x2f: {  	[sflag:s8] =	ssyncset.done $0x0  }
0x30: {  	[sflag:s8] =	ssyncadd.s32 $0xFFFFFF80  }
0x31: {  	_ =	swait.ge [sflag:s8], $0x80  }
0x32: {  	[sflag:s8] =	ssyncset.done $0x0  }
0x33: {  	[sflag:s8] =	ssyncadd.s32 $0xFFFFFF80  }
0x34: {  	_ =	swait.ge [sflag:s8], $0x80  }
0x35: {  	[sflag:s8] =	ssyncset.done $0x0  }
0x36: {  	[sflag:s8] =	ssyncadd.s32 $0xFFFFFF80  }
0x37: {  	_ =	swait.ge [sflag:s8], $0x80  }
0x38: {  	[sflag:s8] =	ssyncset.done $0x0  }
0x39: {  	[sflag:s8] =	ssyncadd.s32 $0xFFFFFF80  }
0x3a: {  	_ =	swait.ge [sflag:s8], $0x80  }
0x3b: {  	[sflag:s8] =	ssyncset.done $0x0  }
0x3c: {  	[sflag:s8] =	ssyncadd.s32 $0xFFFFFF80  }
0x3d: {  	_ =	swait.ge [sflag:s8], $0x80  }
0x3e: {  	[sflag:s8] =	ssyncset.done $0x0  }
0x3f: {  	[sflag:s8] =	ssyncadd.s32 $0xFFFFFF80  }
0x40: {  	_ =	swait.ge [sflag:s8], $0x80  }
0x41: {  	s21 =	simm.s32 $0x80;
	s23 =	simm.s32 $0x100;
	[sflag:s8] =	ssyncset.done $0x0  }
.LBB2_3:
0x42: {  	s24 =	sadd.s32 s21, s26  }
0x43: {  	[sflag:s8] =	ssyncadd.s32 $0xFFFFFF80;
	s21 =	smov.u32 s23;
	s22 =	sadd.s32 $0x80, s23  }
0x44: {  	[tilespmem:s6], [sflag:$0x1] =	stream.linear.gather [hbm4b:s24+s13], $0x400, $0x38;
	[tilespmem:$0x17FE0] =	vst v63  }
0x45: {  	p0 =	sne.s32 s23, $0xC300;
	_ =	swait.ge [sflag:s12], $0x400  }
0x46: {  	[sflag:s12] =	ssyncset.done $0x0  }
0x47: {  	[sflag:s12] =	ssyncadd.s32 $0xFFFFFC00  }
0x48: {  	[spmem:s7] =	stream.indirect.scatter.add.f32 [tilespmem:s11], [sflag:$0x3], $0x1, s6, s9, $0xb8;
	[tilespmem:$0x17FE0] =	vst v63  }
0x49: {  	_ = 	snop  }
0x4a: {  	[spmem:s7] =	stream.indirect.scatter.add.f32 [tilespmem:s11], [sflag:$0x3], $0x1, s14, s9, $0xb8;
	[tilespmem:$0x17FE0] =	vst v63  }
0x4b: {  	_ = 	snop  }
0x4c: {  	[spmem:s7] =	stream.indirect.scatter.add.f32 [tilespmem:s11], [sflag:$0x3], $0x1, s15, s9, $0xb8;
	[tilespmem:$0x17FE0] =	vst v63  }
0x4d: {  	_ = 	snop  }
0x4e: {  	[spmem:s7] =	stream.indirect.scatter.add.f32 [tilespmem:s11], [sflag:$0x3], $0x1, s16, s9, $0xb8;
	[tilespmem:$0x17FE0] =	vst v63  }
0x4f: {  	_ = 	snop  }
0x50: {  	[spmem:s7] =	stream.indirect.scatter.add.f32 [tilespmem:s11], [sflag:$0x3], $0x1, s17, s9, $0xb8;
	[tilespmem:$0x17FE0] =	vst v63  }
0x51: {  	_ = 	snop  }
0x52: {  	[spmem:s7] =	stream.indirect.scatter.add.f32 [tilespmem:s11], [sflag:$0x3], $0x1, s18, s9, $0xb8;
	[tilespmem:$0x17FE0] =	vst v63  }
0x53: {  	_ = 	snop  }
0x54: {  	[spmem:s7] =	stream.indirect.scatter.add.f32 [tilespmem:s11], [sflag:$0x3], $0x1, s19, s9, $0xb8;
	[tilespmem:$0x17FE0] =	vst v63  }
0x55: {  	_ = 	snop  }
0x56: {  	[spmem:s7] =	stream.indirect.scatter.add.f32 [tilespmem:s11], [sflag:$0x3], $0x1, s20, s9, $0xb8;
	[tilespmem:$0x17FE0] =	vst v63  }
0x57: {  	_ =	swait.ge [sflag:s8], $0x80  }
0x58: {  	[sflag:s8] =	ssyncset.done $0x0  }
0x59: {  	[sflag:s8] =	ssyncadd.s32 $0xFFFFFF80  }
0x5a: {  	_ =	swait.ge [sflag:s8], $0x80  }
0x5b: {  	[sflag:s8] =	ssyncset.done $0x0  }
0x5c: {  	[sflag:s8] =	ssyncadd.s32 $0xFFFFFF80  }
0x5d: {  	_ =	swait.ge [sflag:s8], $0x80  }
0x5e: {  	[sflag:s8] =	ssyncset.done $0x0  }
0x5f: {  	[sflag:s8] =	ssyncadd.s32 $0xFFFFFF80  }
0x60: {  	_ =	swait.ge [sflag:s8], $0x80  }
0x61: {  	[sflag:s8] =	ssyncset.done $0x0  }
0x62: {  	[sflag:s8] =	ssyncadd.s32 $0xFFFFFF80  }
0x63: {  	_ =	swait.ge [sflag:s8], $0x80  }
0x64: {  	[sflag:s8] =	ssyncset.done $0x0  }
0x65: {  	[sflag:s8] =	ssyncadd.s32 $0xFFFFFF80  }
0x66: {  	_ =	swait.ge [sflag:s8], $0x80  }
0x67: {  	[sflag:s8] =	ssyncset.done $0x0  }
0x68: {  	[sflag:s8] =	ssyncadd.s32 $0xFFFFFF80  }
.Ltmp1:
0x69: {  	_ =	swait.ge [sflag:s8], $0x80;
	(pc) =	sbr.rel @p0 .LBB2_3-.Ltmp1, $4  }
0x6a: {  	[sflag:s8] =	ssyncset.done $0x0  }
0x6b: {  	[sflag:s8] =	ssyncadd.s32 $0xFFFFFF80  }
0x6c: {  	_ =	swait.ge [sflag:s8], $0x80  }
0x6d: {  	s23 =	smov.u32 s22;
	[sflag:s8] =	ssyncset.done $0x0  }
0x6e: {  	[dreg:$0x12] =	wrdreg s26;
	s21 =	sadd.s32 s21, s26;
	[sflag:s8] =	ssyncadd.s32 $0xFFFFFF80  }
0x6f: {  	[tilespmem:s6], [sflag:$0x1] =	stream.linear.gather [hbm4b:s21+s13], $0x400, $0x38;
	[tilespmem:$0x17FE0] =	vst v63  }
0x70: {  	_ =	swait.ge [sflag:s12], $0x400  }
0x71: {  	[sflag:s12] =	ssyncset.done $0x0  }
0x72: {  	[sflag:s12] =	ssyncadd.s32 $0xFFFFFC00  }
0x73: {  	[spmem:s7] =	stream.indirect.scatter.add.f32 [tilespmem:s11], [sflag:$0x3], $0x1, s6, s9, $0xb8;
	[tilespmem:$0x17FE0] =	vst v63  }
0x74: {  	_ = 	snop  }
0x75: {  	[spmem:s7] =	stream.indirect.scatter.add.f32 [tilespmem:s11], [sflag:$0x3], $0x1, s14, s9, $0xb8;
	[tilespmem:$0x17FE0] =	vst v63  }
0x76: {  	_ = 	snop  }
0x77: {  	[spmem:s7] =	stream.indirect.scatter.add.f32 [tilespmem:s11], [sflag:$0x3], $0x1, s15, s9, $0xb8;
	[tilespmem:$0x17FE0] =	vst v63  }
0x78: {  	_ = 	snop  }
0x79: {  	[spmem:s7] =	stream.indirect.scatter.add.f32 [tilespmem:s11], [sflag:$0x3], $0x1, s16, s9, $0xb8;
	[tilespmem:$0x17FE0] =	vst v63  }
0x7a: {  	_ = 	snop  }
0x7b: {  	[spmem:s7] =	stream.indirect.scatter.add.f32 [tilespmem:s11], [sflag:$0x3], $0x1, s17, s9, $0xb8;
	[tilespmem:$0x17FE0] =	vst v63  }
0x7c: {  	_ = 	snop  }
0x7d: {  	[spmem:s7] =	stream.indirect.scatter.add.f32 [tilespmem:s11], [sflag:$0x3], $0x1, s18, s9, $0xb8;
	[tilespmem:$0x17FE0] =	vst v63  }
0x7e: {  	_ = 	snop  }
0x7f: {  	[spmem:s7] =	stream.indirect.scatter.add.f32 [tilespmem:s11], [sflag:$0x3], $0x1, s19, s9, $0xb8;
	[tilespmem:$0x17FE0] =	vst v63  }
0x80: {  	_ = 	snop  }
0x81: {  	[spmem:s7] =	stream.indirect.scatter.add.f32 [tilespmem:s11], [sflag:$0x3], $0x1, s20, s9, $0xb8;
	[tilespmem:$0x17FE0] =	vst v63  }
0x82: {  	_ =	swait.ge [sflag:s8], $0x80  }
0x83: {  	[sflag:s8] =	ssyncset.done $0x0  }
0x84: {  	[sflag:s8] =	ssyncadd.s32 $0xFFFFFF80  }
0x85: {  	_ =	swait.ge [sflag:s8], $0x80  }
0x86: {  	[sflag:s8] =	ssyncset.done $0x0  }
0x87: {  	[sflag:s8] =	ssyncadd.s32 $0xFFFFFF80  }
0x88: {  	_ =	swait.ge [sflag:s8], $0x80  }
0x89: {  	[sflag:s8] =	ssyncset.done $0x0  }
0x8a: {  	[sflag:s8] =	ssyncadd.s32 $0xFFFFFF80  }
0x8b: {  	_ =	swait.ge [sflag:s8], $0x80  }
0x8c: {  	[sflag:s8] =	ssyncset.done $0x0  }
0x8d: {  	[sflag:s8] =	ssyncadd.s32 $0xFFFFFF80  }
0x8e: {  	_ =	swait.ge [sflag:s8], $0x80  }
0x8f: {  	[sflag:s8] =	ssyncset.done $0x0  }
0x90: {  	[sflag:s8] =	ssyncadd.s32 $0xFFFFFF80  }
0x91: {  	_ =	swait.ge [sflag:s8], $0x80  }
0x92: {  	[sflag:s8] =	ssyncset.done $0x0  }
0x93: {  	[sflag:s8] =	ssyncadd.s32 $0xFFFFFF80  }
0x94: {  	_ =	swait.ge [sflag:s8], $0x80  }
0x95: {  	[sflag:s8] =	ssyncset.done $0x0  }
0x96: {  	[sflag:s8] =	ssyncadd.s32 $0xFFFFFF80  }
0x97: {  	_ =	swait.ge [sflag:s8], $0x80  }
0x98: {  	[sflag:s8] =	ssyncset.done $0x0  }
0x99: {  	[sflag:s8] =	ssyncadd.s32 $0xFFFFFF80  }
0x9a: {  	s30 =	simm.s32 $0xA300;
	s31 =	simm.s32 $0x4;
	[bflag:$0x0] =	sbarrier.arrive $0xFFFF  }
0x9b: {  	[tilespmem:s30], [sflag:$0x4] =	stream.linear.gather [spmem:s3], $0x1880, $0x38;
	[tilespmem:$0x17FE0] =	vst v63  }
0x9c: {  	_ =	swait.ge [sflag:s31], $0x1880  }
0x9d: {  	[sflag:s31] =	ssyncset.done $0x0  }
0x9e: {  	s7 =	simm.s32 $0x0;
	s3 =	simm.s32 $0x40;
	[sflag:s31] =	ssyncadd.s32 $0xFFFFE780  }
.LBB2_5:
0x9f: {  	p0 =	sne.s32 s3, $0x61C0;
	v0 =	vld [tilespmem:s7+$0xA300];
	_ =	sdelay $0x4  }
0xa0: {  	v1 =	vshrl.u32 v0, $0x1;
	v0 =	vmul.f32 $5.000000000e-01, v0  }
0xa1: {  	v1 =	vsub.s32 $0x5F3759DF, v1  }
0xa2: {  	v2 =	vmul.f32 v1, v0;
	_ =	sdelay $0x1  }
0xa3: {  	v2 =	vmul.f32 v1, v2;
	_ =	sdelay $0x1  }
0xa4: {  	v2 =	vsub.f32 $1.500000000e+00, v2;
	_ =	sdelay $0x1  }
0xa5: {  	v1 =	vmul.f32 v1, v2;
	_ =	sdelay $0x1  }
0xa6: {  	v2 =	vmul.f32 v1, v0;
	_ =	sdelay $0x1  }
0xa7: {  	v2 =	vmul.f32 v2, v1;
	_ =	sdelay $0x1  }
0xa8: {  	v2 =	vsub.f32 $1.500000000e+00, v2;
	_ =	sdelay $0x1  }
0xa9: {  	v1 =	vmul.f32 v2, v1;
	_ =	sdelay $0x1  }
0xaa: {  	v0 =	vmul.f32 v1, v0;
	_ =	sdelay $0x1  }
0xab: {  	v0 =	vmul.f32 v0, v1;
	_ =	sdelay $0x1  }
.Ltmp2:
0xac: {  	v0 =	vsub.f32 $1.500000000e+00, v0;
	(pc) =	sbr.rel @p0 .LBB2_5-.Ltmp2, $3  }
0xad: {  	_ = 	snop  }
0xae: {  	v0 =	vmul.f32 v0, v1;
	_ =	sdelay $0x1  }
0xaf: {  	[tilespmem:s7+$0xA300] =	vst v0;
	s7 =	sshra.s32 s3, $0x2;
	s3 =	sadd.s32 $0x40, s3  }
0xb0: {  	v0 =	vld [tilespmem:s7+$0xA300];
	_ =	sdelay $0x4  }
0xb1: {  	v1 =	vshrl.u32 v0, $0x1;
	v0 =	vmul.f32 $5.000000000e-01, v0  }
0xb2: {  	v1 =	vsub.s32 $0x5F3759DF, v1  }
0xb3: {  	v2 =	vmul.f32 v1, v0;
	_ =	sdelay $0x1  }
0xb4: {  	v2 =	vmul.f32 v1, v2;
	_ =	sdelay $0x1  }
0xb5: {  	v2 =	vsub.f32 $1.500000000e+00, v2;
	_ =	sdelay $0x1  }
0xb6: {  	v1 =	vmul.f32 v1, v2;
	_ =	sdelay $0x1  }
0xb7: {  	v2 =	vmul.f32 v1, v0;
	_ =	sdelay $0x1  }
0xb8: {  	v2 =	vmul.f32 v2, v1;
	_ =	sdelay $0x1  }
0xb9: {  	v2 =	vsub.f32 $1.500000000e+00, v2;
	_ =	sdelay $0x1  }
0xba: {  	v1 =	vmul.f32 v2, v1;
	_ =	sdelay $0x1  }
0xbb: {  	v0 =	vmul.f32 v1, v0;
	_ =	sdelay $0x1  }
0xbc: {  	v0 =	vmul.f32 v0, v1;
	_ =	sdelay $0x1  }
0xbd: {  	v0 =	vsub.f32 $1.500000000e+00, v0  }
0xbe: {  	s3 =	smul.u32 $0xC400, s25  }
0xbf: {  	v0 =	vmul.f32 v0, v1  }
0xc0: {  	s8 =	simm.s32 $0x0;
	s29 =	simm.s32 $0x4;
	s6 =	sshrl.u32 s3, $0x3  }
0xc1: {  	[dreg:$0x14] =	wrdreg s6;
	s28 =	sadd.s32 s2, s6;
	s2 =	simm.s32 $0xBB80;
	[tilespmem:s7+$0xA300] =	vst v0  }
0xc2: {  	[tilespmem:s2], [sflag:$0x4] =	stream.linear.gather [hbm4b:s28+s8], $0xC400, $0x38;
	[tilespmem:$0x17FE0] =	vst v63  }
0xc3: {  	_ =	swait.ge [sflag:s29], $0xC400  }
0xc4: {  	[sflag:s29] =	ssyncset.done $0x0  }
0xc5: {  	v0 =	vlaneseq.u32;
	[sflag:s29] =	ssyncadd.s32 $0xFFFF3C00  }
0xc6: {  	s9 =	simm.s32 $0x17F80;
	v1 =	vmov s8;
	v0 =	vmul.u32 $0x8, v0;
	s30 =	rddreg [dreg:$0x1]  }
0xc7: {  	v1 =	vshll.u32 v1, $0x3;
	[tilespmem:s9], [sflag:$0x4] =	stream.linear.gather [hbm4b:s30+s8], $0x60, $0x38;
	[tilespmem:$0x17FE0] =	vst v63  }
0xc8: {  	v1 =	vor.u32 v0, v1;
	_ =	swait.ge [sflag:s29], $0x60  }
0xc9: {  	v2 =	vor.u32 $0x1, v1;
	[sflag:s29] =	ssyncset.done $0x0  }
0xca: {  	[sflag:s29] =	ssyncadd.s32 $0xFFFFFFA0  }
0xcb: {  	v3 =	vld [tilespmem:$0x17F80]  }
0xcc: {  	v4 =	vld [tilespmem:$0x17F90]  }
0xcd: {  	v5 =	vld.idx.msk [tilespmem:v1+s2+$0x0], $0xffff  }
0xce: {  	v6 =	vld.idx.msk [tilespmem:v2+s2+$0x0], $0xffff  }
0xcf: {  	v7 =	vld [tilespmem:$0x17FB0]  }
0xd0: {  	v8 =	vld [tilespmem:$0x17FA0];
	_ =	sdelay $0x2  }
0xd1: {  	v9 =	vld [tilespmem:$0x17FC0]  }
0xd2: {  	s7 =	simm.s32 $0xA300;
	v11 =	vld [tilespmem:$0x17FD0];
	v10 =	vmul.f32 v3, v5;
	v4 =	vmul.f32 v4, v6  }
0xd3: {  	v3 =	vld [tilespmem:s7+$0x0];
	v5 =	vmul.f32 v8, v5;
	v6 =	vmul.f32 v7, v6  }
0xd4: {  	v4 =	vadd.f32 v4, v10  }
0xd5: {  	v5 =	vadd.f32 v6, v5  }
0xd6: {  	s31 =	simm.s32 $0x10;
	v7 =	vadd.f32 v4, v9  }
0xd7: {  	v6 =	vmov s31;
	v4 =	vadd.f32 v5, v11  }
0xd8: {  	s8 =	simm.s32 $0x20;
	v6 =	vshll.u32 v6, $0x3;
	v5 =	vmul.f32 v7, v3  }
.LBB2_7:
0xd9: {  	p0 =	sne.s32 s8, $0x1870;
	v6 =	vor.u32 v0, v6;
	v3 =	vmul.f32 v4, v3  }
0xda: {  	v4 =	vor.u32 $0x1, v6;
	[tilespmem:v1+s2+$0x0] =	vst.idx.msk $0xffff, v5;
	v1 =	vmov v6  }
0xdb: {  	[tilespmem:v2+s2+$0x0] =	vst.idx.msk $0xffff, v3;
	v2 =	vmov v4  }
0xdc: {  	v3 =	vld [tilespmem:$0x17F80]  }
0xdd: {  	v5 =	vld [tilespmem:$0x17F90]  }
0xde: {  	v6 =	vld.idx.msk [tilespmem:v6+s2+$0x0], $0xffff  }
0xdf: {  	v4 =	vld.idx.msk [tilespmem:v4+s2+$0x0], $0xffff  }
0xe0: {  	v7 =	vld [tilespmem:$0x17FB0]  }
0xe1: {  	v8 =	vld [tilespmem:$0x17FA0];
	_ =	sdelay $0x2  }
0xe2: {  	v9 =	vld [tilespmem:$0x17FC0]  }
0xe3: {  	s7 =	sadd.s32 $0x10, s7;
	v10 =	vmul.f32 v3, v6;
	v5 =	vmul.f32 v5, v4;
	v11 =	vld [tilespmem:$0x17FD0]  }
0xe4: {  	v4 =	vmul.f32 v7, v4;
	v3 =	vld [tilespmem:s7+$0x0];
	v6 =	vmul.f32 v8, v6  }
.Ltmp3:
0xe5: {  	v5 =	vadd.f32 v5, v10;
	(pc) =	sbr.rel @p0 .LBB2_7-.Ltmp3, $4  }
0xe6: {  	v4 =	vadd.f32 v4, v6  }
0xe7: {  	v5 =	vadd.f32 v5, v9  }
0xe8: {  	v6 =	vmov s8;
	v4 =	vadd.f32 v4, v11  }
0xe9: {  	s8 =	sadd.s32 $0x10, s8;
	v6 =	vshll.u32 v6, $0x3;
	v5 =	vmul.f32 v5, v3  }
0xea: {  	_ =	sdelay $0x2  }
0xeb: {  	v3 =	vmul.f32 v4, v3  }
0xec: {  	v0 =	vor.u32 v0, v6;
	[tilespmem:v1+s2+$0x0] =	vst.idx.msk $0xffff, v5  }
0xed: {  	v61 =	vor.u32 $0x1, v0;
	[tilespmem:v2+s2+$0x0] =	vst.idx.msk $0xffff, v3  }
0xee: {  	v1 =	vld [tilespmem:$0x17F80]  }
0xef: {  	v2 =	vld [tilespmem:$0x17F90]  }
0xf0: {  	v62 =	vld [tilespmem:$0x17FB0]  }
0xf1: {  	v3 =	vld.idx.msk [tilespmem:v0+s2+$0x0], $0xffff  }
0xf2: {  	v5 =	vld.idx.msk [tilespmem:v61+s2+$0x0], $0xffff  }
0xf3: {  	v7 =	vld [tilespmem:$0x17FA0];
	_ =	sdelay $0x2  }
0xf4: {  	v8 =	vld [tilespmem:$0x17FC0]  }
0xf5: {  	s7 =	sadd.s32 $0x10, s7;
	v9 =	vld [tilespmem:$0x17FD0];
	v1 =	vmul.f32 v1, v3;
	v2 =	vmul.f32 v2, v5  }
0xf6: {  	v10 =	vld [tilespmem:s7+$0x0];
	v3 =	vmul.f32 v7, v3;
	v5 =	vmul.f32 v62, v5  }
0xf7: {  	v1 =	vadd.f32 v2, v1  }
0xf8: {  	v63 =	vadd.f32 v5, v3  }
0xf9: {  	v1 =	vadd.f32 v1, v8  }
0xfa: {  	v2 =	vadd.f32 v63, v9  }
0xfb: {  	v1 =	vmul.f32 v1, v10  }
0xfc: {  	v2 =	vmul.f32 v2, v10  }
0xfd: {  	s6 =	sadd.s32 s3, s4;
	[tilespmem:v0+s2+$0x0] =	vst.idx.msk $0xffff, v1  }
0xfe: {  	s10 =	simm.s32 $0xBB80;
	s11 =	simm.s32 $0x4;
	[dreg:$0x16] =	wrdreg s6;
	[tilespmem:v61+s2+$0x0] =	vst.idx.msk $0xffff, v2  }
0xff: {  	[spmem:s6] =	stream.linear.scatter [tilespmem:s10], [sflag:$0x4], $0xC400, $0x38;
	[tilespmem:$0x17FE0] =	vst v63  }
0x100: {  	_ =	swait.ge [sflag:s11], $0xC400  }
0x101: {  	s12 =	sadd.s32 s3, s5;
	[sflag:s11] =	ssyncset.done $0x0  }
0x102: {  	[dreg:$0x15] =	wrdreg s12;
	[sflag:s11] =	ssyncadd.s32 $0xFFFF3C00  }
0x103: {  	[spmem:s12] =	stream.linear.scatter [tilespmem:s10], [sflag:$0x4], $0xC400, $0x38;
	[tilespmem:$0x17FE0] =	vst v63  }
0x104: {  	_ =	swait.ge [sflag:s11], $0xC400  }
0x105: {  	[sflag:s11] =	ssyncset.done $0x0  }
0x106: {  	[sflag:s11] =	ssyncadd.s32 $0xFFFF3C00  }
0x107: {  	s13 =	simm.s32 $0x7B00;
	[bflag:$0x0] =	sbarrier.arrive $0xFFFF  }
0x108: {  	s14 =	simm.s32 $0x7B80;
	[dreg:$0x6] =	wrdreg s13  }
0x109: {  	s15 =	simm.s32 $0x7C00;
	[dreg:$0x7] =	wrdreg s14  }
0x10a: {  	s17 =	simm.s32 $0x0;
	s18 =	simm.s32 $0x7C80;
	[dreg:$0x8] =	wrdreg s15  }
0x10b: {  	s16 =	simm.s32 $0x7A80;
	s19 =	simm.s32 $0x7D00;
	[dreg:$0x9] =	wrdreg s18  }
0x10c: {  	s20 =	simm.s32 $0x7D80;
	s7 =	sadd.s32 s1, s0;
	s21 =	rddreg [dreg:$0x12]  }
0x10d: {  	s0 =	simm.s32 $0x7E80;
	[dreg:$0xa] =	wrdreg s19;
	s22 =	sadd.s32 $0x0, s21  }
0x10e: {  	[tilespmem:s16], [sflag:$0x1] =	stream.linear.gather [hbm4b:s22+s17], $0x400, $0x38;
	[tilespmem:$0x17FE0] =	vst v63  }
0x10f: {  	s23 =	sadd.s32 $0x0, s7;
	s15 =	simm.s32 $0x1;
	[dreg:$0xb] =	wrdreg s20  }
0x110: {  	[tilespmem:s0], [sflag:$0x1] =	stream.linear.gather [hbm4b:s23+s17], $0x400, $0x38;
	[tilespmem:$0x17FE0] =	vst v63  }
0x111: {  	_ =	swait.ge [sflag:s15], $0x400  }
0x112: {  	[sflag:s15] =	ssyncset.done $0x0  }
0x113: {  	s1 =	simm.s32 $0x80;
	s2 =	simm.s32 $0x8280;
	[sflag:s15] =	ssyncadd.s32 $0xFFFFFC00  }
0x114: {  	[tilespmem:s2], [sflag:$0x2] =	stream.indirect.gather [spmem:s4], $0x2, s16, s1, $0xb8;
	[tilespmem:$0x17FE0] =	vst v63  }
0x115: {  	s3 =	simm.s32 $0x8680;
	s24 =	rddreg [dreg:$0x6]  }
0x116: {  	[tilespmem:s3], [sflag:$0x2] =	stream.indirect.gather [spmem:s4], $0x2, s24, s1, $0xb8;
	[tilespmem:$0x17FE0] =	vst v63  }
0x117: {  	s6 =	simm.s32 $0x8A80;
	s8 =	rddreg [dreg:$0x7]  }
0x118: {  	[tilespmem:s6], [sflag:$0x2] =	stream.indirect.gather [spmem:s4], $0x2, s8, s1, $0xb8;
	[tilespmem:$0x17FE0] =	vst v63  }
0x119: {  	s9 =	simm.s32 $0x8E80;
	s11 =	rddreg [dreg:$0x8]  }
0x11a: {  	[tilespmem:s9], [sflag:$0x2] =	stream.indirect.gather [spmem:s4], $0x2, s11, s1, $0xb8;
	[tilespmem:$0x17FE0] =	vst v63  }
0x11b: {  	s25 =	rddreg [dreg:$0x9];
	s11 =	simm.s32 $0x9280  }
0x11c: {  	[tilespmem:s11], [sflag:$0x2] =	stream.indirect.gather [spmem:s4], $0x2, s25, s1, $0xb8;
	[tilespmem:$0x17FE0] =	vst v63  }
0x11d: {  	s12 =	simm.s32 $0x9680;
	s13 =	rddreg [dreg:$0xa]  }
0x11e: {  	[tilespmem:s12], [sflag:$0x2] =	stream.indirect.gather [spmem:s4], $0x2, s13, s1, $0xb8;
	[tilespmem:$0x17FE0] =	vst v63  }
0x11f: {  	s26 =	rddreg [dreg:$0xb];
	s13 =	simm.s32 $0x9A80  }
0x120: {  	[tilespmem:s13], [sflag:$0x2] =	stream.indirect.gather [spmem:s4], $0x2, s26, s1, $0xb8;
	[tilespmem:$0x17FE0] =	vst v63  }
0x121: {  	s29 =	simm.s32 $0x7E00;
	s14 =	simm.s32 $0x9E80  }
0x122: {  	[tilespmem:s14], [sflag:$0x2] =	stream.indirect.gather [spmem:s4], $0x2, s29, s1, $0xb8;
	[tilespmem:$0x17FE0] =	vst v63  }
0x123: {  	_ =	swait.ge [sflag:s15], $0x400  }
0x124: {  	[sflag:s15] =	ssyncset.done $0x0  }
0x125: {  	s18 =	simm.s32 $0x2;
	[sflag:s15] =	ssyncadd.s32 $0xFFFFFC00  }
0x126: {  	_ =	swait.ge [sflag:s18], $0x100  }
0x127: {  	[sflag:s18] =	ssyncset.done $0x0  }
0x128: {  	[sflag:s18] =	ssyncadd.s32 $0xFFFFFF00  }
0x129: {  	_ =	swait.ge [sflag:s18], $0x100  }
0x12a: {  	[sflag:s18] =	ssyncset.done $0x0  }
0x12b: {  	[sflag:s18] =	ssyncadd.s32 $0xFFFFFF00  }
0x12c: {  	_ =	swait.ge [sflag:s18], $0x100  }
0x12d: {  	[sflag:s18] =	ssyncset.done $0x0  }
0x12e: {  	[sflag:s18] =	ssyncadd.s32 $0xFFFFFF00  }
0x12f: {  	_ =	swait.ge [sflag:s18], $0x100  }
0x130: {  	[sflag:s18] =	ssyncset.done $0x0  }
0x131: {  	[sflag:s18] =	ssyncadd.s32 $0xFFFFFF00  }
0x132: {  	_ =	swait.ge [sflag:s18], $0x100  }
0x133: {  	[sflag:s18] =	ssyncset.done $0x0  }
0x134: {  	[sflag:s18] =	ssyncadd.s32 $0xFFFFFF00  }
0x135: {  	_ =	swait.ge [sflag:s18], $0x100  }
0x136: {  	[sflag:s18] =	ssyncset.done $0x0  }
0x137: {  	[sflag:s18] =	ssyncadd.s32 $0xFFFFFF00  }
0x138: {  	_ =	swait.ge [sflag:s18], $0x100  }
0x139: {  	[sflag:s18] =	ssyncset.done $0x0  }
0x13a: {  	[sflag:s18] =	ssyncadd.s32 $0xFFFFFF00  }
0x13b: {  	_ =	swait.ge [sflag:s18], $0x100  }
0x13c: {  	[sflag:s18] =	ssyncset.done $0x0  }
0x13d: {  	[sflag:s18] =	ssyncadd.s32 $0xFFFFFF00  }
0x13e: {  	[spmem:s5] =	stream.indirect.scatter.add.f32 [tilespmem:s2], [sflag:$0x3], $0x2, s0, s1, $0xb8;
	[tilespmem:$0x17FE0] =	vst v63  }
0x13f: {  	s31 =	simm.s32 $0x7F00  }
0x140: {  	[spmem:s5] =	stream.indirect.scatter.add.f32 [tilespmem:s3], [sflag:$0x3], $0x2, s31, s1, $0xb8;
	[tilespmem:$0x17FE0] =	vst v63  }
0x141: {  	s22 =	simm.s32 $0x7F80  }
0x142: {  	[spmem:s5] =	stream.indirect.scatter.add.f32 [tilespmem:s6], [sflag:$0x3], $0x2, s22, s1, $0xb8;
	[tilespmem:$0x17FE0] =	vst v63  }
0x143: {  	s23 =	simm.s32 $0x8000  }
0x144: {  	[spmem:s5] =	stream.indirect.scatter.add.f32 [tilespmem:s9], [sflag:$0x3], $0x2, s23, s1, $0xb8;
	[tilespmem:$0x17FE0] =	vst v63  }
0x145: {  	s24 =	simm.s32 $0x8080  }
0x146: {  	[spmem:s5] =	stream.indirect.scatter.add.f32 [tilespmem:s11], [sflag:$0x3], $0x2, s24, s1, $0xb8;
	[tilespmem:$0x17FE0] =	vst v63  }
0x147: {  	s25 =	simm.s32 $0x8100  }
0x148: {  	[spmem:s5] =	stream.indirect.scatter.add.f32 [tilespmem:s12], [sflag:$0x3], $0x2, s25, s1, $0xb8;
	[tilespmem:$0x17FE0] =	vst v63  }
0x149: {  	s26 =	simm.s32 $0x8180  }
0x14a: {  	[spmem:s5] =	stream.indirect.scatter.add.f32 [tilespmem:s13], [sflag:$0x3], $0x2, s26, s1, $0xb8;
	[tilespmem:$0x17FE0] =	vst v63  }
0x14b: {  	s28 =	simm.s32 $0x8200;
	s19 =	simm.s32 $0x3  }
0x14c: {  	[spmem:s5] =	stream.indirect.scatter.add.f32 [tilespmem:s14], [sflag:$0x3], $0x2, s28, s1, $0xb8;
	[tilespmem:$0x17FE0] =	vst v63  }
0x14d: {  	_ =	swait.ge [sflag:s19], $0x100  }
0x14e: {  	[sflag:s19] =	ssyncset.done $0x0  }
0x14f: {  	[sflag:s19] =	ssyncadd.s32 $0xFFFFFF00  }
0x150: {  	_ =	swait.ge [sflag:s19], $0x100  }
0x151: {  	[sflag:s19] =	ssyncset.done $0x0  }
0x152: {  	[sflag:s19] =	ssyncadd.s32 $0xFFFFFF00  }
0x153: {  	_ =	swait.ge [sflag:s19], $0x100  }
0x154: {  	[sflag:s19] =	ssyncset.done $0x0  }
0x155: {  	[sflag:s19] =	ssyncadd.s32 $0xFFFFFF00  }
0x156: {  	_ =	swait.ge [sflag:s19], $0x100  }
0x157: {  	[sflag:s19] =	ssyncset.done $0x0  }
0x158: {  	[sflag:s19] =	ssyncadd.s32 $0xFFFFFF00  }
0x159: {  	_ =	swait.ge [sflag:s19], $0x100  }
0x15a: {  	[sflag:s19] =	ssyncset.done $0x0  }
0x15b: {  	[sflag:s19] =	ssyncadd.s32 $0xFFFFFF00  }
0x15c: {  	_ =	swait.ge [sflag:s19], $0x100  }
0x15d: {  	[sflag:s19] =	ssyncset.done $0x0  }
0x15e: {  	[sflag:s19] =	ssyncadd.s32 $0xFFFFFF00  }
0x15f: {  	_ =	swait.ge [sflag:s19], $0x100  }
0x160: {  	[sflag:s19] =	ssyncset.done $0x0  }
0x161: {  	[sflag:s19] =	ssyncadd.s32 $0xFFFFFF00  }
0x162: {  	s30 =	simm.s32 $0x100;
	_ =	swait.ge [sflag:s19], $0x100  }
0x163: {  	s10 =	simm.s32 $0x7F00;
	s8 =	simm.s32 $0x80;
	[sflag:s19] =	ssyncset.done $0x0  }
.LBB2_9:
0x164: {  	s31 =	sadd.s32 s8, s21;
	[sflag:s19] =	ssyncadd.s32 $0xFFFFFF00;
	s20 =	smov.u32 s30  }
0x165: {  	[tilespmem:s16], [sflag:$0x1] =	stream.linear.gather [hbm4b:s31+s17], $0x400, $0x38;
	[tilespmem:$0x17FE0] =	vst v63  }
0x166: {  	s29 =	sadd.s32 $0x80, s30;
	p0 =	sne.s32 s30, $0xC300;
	s30 =	sadd.s32 s8, s7  }
0x167: {  	[tilespmem:s0], [sflag:$0x1] =	stream.linear.gather [hbm4b:s30+s17], $0x400, $0x38;
	[tilespmem:$0x17FE0] =	vst v63  }
0x168: {  	_ =	swait.ge [sflag:s15], $0x400  }
0x169: {  	[sflag:s15] =	ssyncset.done $0x0  }
0x16a: {  	[sflag:s15] =	ssyncadd.s32 $0xFFFFFC00  }
0x16b: {  	[tilespmem:s2], [sflag:$0x2] =	stream.indirect.gather [spmem:s4], $0x2, s16, s1, $0xb8;
	[tilespmem:$0x17FE0] =	vst v63  }
0x16c: {  	s31 =	rddreg [dreg:$0x6]  }
0x16d: {  	[tilespmem:s3], [sflag:$0x2] =	stream.indirect.gather [spmem:s4], $0x2, s31, s1, $0xb8;
	[tilespmem:$0x17FE0] =	vst v63  }
0x16e: {  	s30 =	rddreg [dreg:$0x7]  }
0x16f: {  	[tilespmem:s6], [sflag:$0x2] =	stream.indirect.gather [spmem:s4], $0x2, s30, s1, $0xb8;
	[tilespmem:$0x17FE0] =	vst v63  }
0x170: {  	s31 =	rddreg [dreg:$0x8]  }
0x171: {  	[tilespmem:s9], [sflag:$0x2] =	stream.indirect.gather [spmem:s4], $0x2, s31, s1, $0xb8;
	[tilespmem:$0x17FE0] =	vst v63  }
0x172: {  	s30 =	rddreg [dreg:$0x9]  }
0x173: {  	[tilespmem:s11], [sflag:$0x2] =	stream.indirect.gather [spmem:s4], $0x2, s30, s1, $0xb8;
	[tilespmem:$0x17FE0] =	vst v63  }
0x174: {  	s31 =	rddreg [dreg:$0xa]  }
0x175: {  	[tilespmem:s12], [sflag:$0x2] =	stream.indirect.gather [spmem:s4], $0x2, s31, s1, $0xb8;
	[tilespmem:$0x17FE0] =	vst v63  }
0x176: {  	s30 =	rddreg [dreg:$0xb]  }
0x177: {  	[tilespmem:s13], [sflag:$0x2] =	stream.indirect.gather [spmem:s4], $0x2, s30, s1, $0xb8;
	[tilespmem:$0x17FE0] =	vst v63  }
0x178: {  	s31 =	simm.s32 $0x7E00  }
0x179: {  	[tilespmem:s14], [sflag:$0x2] =	stream.indirect.gather [spmem:s4], $0x2, s31, s1, $0xb8;
	[tilespmem:$0x17FE0] =	vst v63  }
0x17a: {  	_ =	swait.ge [sflag:s15], $0x400  }
0x17b: {  	[sflag:s15] =	ssyncset.done $0x0  }
0x17c: {  	[sflag:s15] =	ssyncadd.s32 $0xFFFFFC00  }
0x17d: {  	_ =	swait.ge [sflag:s18], $0x100  }
0x17e: {  	[sflag:s18] =	ssyncset.done $0x0  }
0x17f: {  	[sflag:s18] =	ssyncadd.s32 $0xFFFFFF00  }
0x180: {  	_ =	swait.ge [sflag:s18], $0x100  }
0x181: {  	[sflag:s18] =	ssyncset.done $0x0  }
0x182: {  	[sflag:s18] =	ssyncadd.s32 $0xFFFFFF00  }
0x183: {  	_ =	swait.ge [sflag:s18], $0x100  }
0x184: {  	[sflag:s18] =	ssyncset.done $0x0  }
0x185: {  	[sflag:s18] =	ssyncadd.s32 $0xFFFFFF00  }
0x186: {  	_ =	swait.ge [sflag:s18], $0x100  }
0x187: {  	[sflag:s18] =	ssyncset.done $0x0  }
0x188: {  	[sflag:s18] =	ssyncadd.s32 $0xFFFFFF00  }
0x189: {  	_ =	swait.ge [sflag:s18], $0x100  }
0x18a: {  	[sflag:s18] =	ssyncset.done $0x0  }
0x18b: {  	[sflag:s18] =	ssyncadd.s32 $0xFFFFFF00  }
0x18c: {  	_ =	swait.ge [sflag:s18], $0x100  }
0x18d: {  	[sflag:s18] =	ssyncset.done $0x0  }
0x18e: {  	[sflag:s18] =	ssyncadd.s32 $0xFFFFFF00  }
0x18f: {  	_ =	swait.ge [sflag:s18], $0x100  }
0x190: {  	[sflag:s18] =	ssyncset.done $0x0  }
0x191: {  	[sflag:s18] =	ssyncadd.s32 $0xFFFFFF00  }
0x192: {  	_ =	swait.ge [sflag:s18], $0x100  }
0x193: {  	[sflag:s18] =	ssyncset.done $0x0  }
0x194: {  	[sflag:s18] =	ssyncadd.s32 $0xFFFFFF00  }
0x195: {  	[spmem:s5] =	stream.indirect.scatter.add.f32 [tilespmem:s2], [sflag:$0x3], $0x2, s0, s1, $0xb8;
	[tilespmem:$0x17FE0] =	vst v63  }
0x196: {  	_ = 	snop  }
0x197: {  	[spmem:s5] =	stream.indirect.scatter.add.f32 [tilespmem:s3], [sflag:$0x3], $0x2, s10, s1, $0xb8;
	[tilespmem:$0x17FE0] =	vst v63  }
0x198: {  	_ = 	snop  }
0x199: {  	[spmem:s5] =	stream.indirect.scatter.add.f32 [tilespmem:s6], [sflag:$0x3], $0x2, s22, s1, $0xb8;
	[tilespmem:$0x17FE0] =	vst v63  }
0x19a: {  	_ = 	snop  }
0x19b: {  	[spmem:s5] =	stream.indirect.scatter.add.f32 [tilespmem:s9], [sflag:$0x3], $0x2, s23, s1, $0xb8;
	[tilespmem:$0x17FE0] =	vst v63  }
0x19c: {  	_ = 	snop  }
0x19d: {  	[spmem:s5] =	stream.indirect.scatter.add.f32 [tilespmem:s11], [sflag:$0x3], $0x2, s24, s1, $0xb8;
	[tilespmem:$0x17FE0] =	vst v63  }
0x19e: {  	_ = 	snop  }
0x19f: {  	[spmem:s5] =	stream.indirect.scatter.add.f32 [tilespmem:s12], [sflag:$0x3], $0x2, s25, s1, $0xb8;
	[tilespmem:$0x17FE0] =	vst v63  }
0x1a0: {  	_ = 	snop  }
0x1a1: {  	[spmem:s5] =	stream.indirect.scatter.add.f32 [tilespmem:s13], [sflag:$0x3], $0x2, s26, s1, $0xb8;
	[tilespmem:$0x17FE0] =	vst v63  }
0x1a2: {  	_ = 	snop  }
0x1a3: {  	[spmem:s5] =	stream.indirect.scatter.add.f32 [tilespmem:s14], [sflag:$0x3], $0x2, s28, s1, $0xb8;
	[tilespmem:$0x17FE0] =	vst v63  }
0x1a4: {  	_ =	swait.ge [sflag:s19], $0x100  }
0x1a5: {  	[sflag:s19] =	ssyncset.done $0x0  }
0x1a6: {  	[sflag:s19] =	ssyncadd.s32 $0xFFFFFF00  }
0x1a7: {  	_ =	swait.ge [sflag:s19], $0x100  }
0x1a8: {  	[sflag:s19] =	ssyncset.done $0x0  }
0x1a9: {  	[sflag:s19] =	ssyncadd.s32 $0xFFFFFF00  }
0x1aa: {  	_ =	swait.ge [sflag:s19], $0x100  }
0x1ab: {  	[sflag:s19] =	ssyncset.done $0x0  }
0x1ac: {  	[sflag:s19] =	ssyncadd.s32 $0xFFFFFF00  }
0x1ad: {  	_ =	swait.ge [sflag:s19], $0x100  }
0x1ae: {  	[sflag:s19] =	ssyncset.done $0x0  }
0x1af: {  	[sflag:s19] =	ssyncadd.s32 $0xFFFFFF00  }
0x1b0: {  	_ =	swait.ge [sflag:s19], $0x100  }
0x1b1: {  	[sflag:s19] =	ssyncset.done $0x0  }
0x1b2: {  	[sflag:s19] =	ssyncadd.s32 $0xFFFFFF00  }
0x1b3: {  	_ =	swait.ge [sflag:s19], $0x100  }
0x1b4: {  	[sflag:s19] =	ssyncset.done $0x0  }
0x1b5: {  	[sflag:s19] =	ssyncadd.s32 $0xFFFFFF00  }
.Ltmp4:
0x1b6: {  	_ =	swait.ge [sflag:s19], $0x100;
	(pc) =	sbr.rel @p0 .LBB2_9-.Ltmp4, $4  }
0x1b7: {  	[sflag:s19] =	ssyncset.done $0x0  }
0x1b8: {  	[sflag:s19] =	ssyncadd.s32 $0xFFFFFF00  }
0x1b9: {  	_ =	swait.ge [sflag:s19], $0x100  }
0x1ba: {  	s8 =	smov.u32 s20;
	s30 =	smov.u32 s29;
	[sflag:s19] =	ssyncset.done $0x0  }
0x1bb: {  	s20 =	sadd.s32 s8, s21;
	[sflag:s19] =	ssyncadd.s32 $0xFFFFFF00  }
0x1bc: {  	[tilespmem:s16], [sflag:$0x1] =	stream.linear.gather [hbm4b:s20+s17], $0x400, $0x38;
	[tilespmem:$0x17FE0] =	vst v63  }
0x1bd: {  	[dreg:$0x17] =	wrdreg s7;
	s20 =	sadd.s32 s8, s7  }
0x1be: {  	[tilespmem:s0], [sflag:$0x1] =	stream.linear.gather [hbm4b:s20+s17], $0x400, $0x38;
	[tilespmem:$0x17FE0] =	vst v63  }
0x1bf: {  	_ =	swait.ge [sflag:s15], $0x400  }
0x1c0: {  	[sflag:s15] =	ssyncset.done $0x0  }
0x1c1: {  	[sflag:s15] =	ssyncadd.s32 $0xFFFFFC00  }
0x1c2: {  	[tilespmem:s2], [sflag:$0x2] =	stream.indirect.gather [spmem:s4], $0x2, s16, s1, $0xb8;
	[tilespmem:$0x17FE0] =	vst v63  }
0x1c3: {  	s21 =	rddreg [dreg:$0x6]  }
0x1c4: {  	[tilespmem:s3], [sflag:$0x2] =	stream.indirect.gather [spmem:s4], $0x2, s21, s1, $0xb8;
	[tilespmem:$0x17FE0] =	vst v63  }
0x1c5: {  	s7 =	rddreg [dreg:$0x7]  }
0x1c6: {  	[tilespmem:s6], [sflag:$0x2] =	stream.indirect.gather [spmem:s4], $0x2, s7, s1, $0xb8;
	[tilespmem:$0x17FE0] =	vst v63  }
0x1c7: {  	s17 =	rddreg [dreg:$0x8]  }
0x1c8: {  	[tilespmem:s9], [sflag:$0x2] =	stream.indirect.gather [spmem:s4], $0x2, s17, s1, $0xb8;
	[tilespmem:$0x17FE0] =	vst v63  }
0x1c9: {  	s20 =	rddreg [dreg:$0x9]  }
0x1ca: {  	[tilespmem:s11], [sflag:$0x2] =	stream.indirect.gather [spmem:s4], $0x2, s20, s1, $0xb8;
	[tilespmem:$0x17FE0] =	vst v63  }
0x1cb: {  	s21 =	rddreg [dreg:$0xa]  }
0x1cc: {  	[tilespmem:s12], [sflag:$0x2] =	stream.indirect.gather [spmem:s4], $0x2, s21, s1, $0xb8;
	[tilespmem:$0x17FE0] =	vst v63  }
0x1cd: {  	s7 =	rddreg [dreg:$0xb]  }
0x1ce: {  	[tilespmem:s13], [sflag:$0x2] =	stream.indirect.gather [spmem:s4], $0x2, s7, s1, $0xb8;
	[tilespmem:$0x17FE0] =	vst v63  }
0x1cf: {  	s17 =	simm.s32 $0x7E00  }
0x1d0: {  	[tilespmem:s14], [sflag:$0x2] =	stream.indirect.gather [spmem:s4], $0x2, s17, s1, $0xb8;
	[tilespmem:$0x17FE0] =	vst v63  }
0x1d1: {  	_ =	swait.ge [sflag:s15], $0x400  }
0x1d2: {  	[sflag:s15] =	ssyncset.done $0x0  }
0x1d3: {  	[sflag:s15] =	ssyncadd.s32 $0xFFFFFC00  }
0x1d4: {  	_ =	swait.ge [sflag:s18], $0x100  }
0x1d5: {  	[sflag:s18] =	ssyncset.done $0x0  }
0x1d6: {  	[sflag:s18] =	ssyncadd.s32 $0xFFFFFF00  }
0x1d7: {  	_ =	swait.ge [sflag:s18], $0x100  }
0x1d8: {  	[sflag:s18] =	ssyncset.done $0x0  }
0x1d9: {  	[sflag:s18] =	ssyncadd.s32 $0xFFFFFF00  }
0x1da: {  	_ =	swait.ge [sflag:s18], $0x100  }
0x1db: {  	[sflag:s18] =	ssyncset.done $0x0  }
0x1dc: {  	[sflag:s18] =	ssyncadd.s32 $0xFFFFFF00  }
0x1dd: {  	_ =	swait.ge [sflag:s18], $0x100  }
0x1de: {  	[sflag:s18] =	ssyncset.done $0x0  }
0x1df: {  	[sflag:s18] =	ssyncadd.s32 $0xFFFFFF00  }
0x1e0: {  	_ =	swait.ge [sflag:s18], $0x100  }
0x1e1: {  	[sflag:s18] =	ssyncset.done $0x0  }
0x1e2: {  	[sflag:s18] =	ssyncadd.s32 $0xFFFFFF00  }
0x1e3: {  	_ =	swait.ge [sflag:s18], $0x100  }
0x1e4: {  	[sflag:s18] =	ssyncset.done $0x0  }
0x1e5: {  	[sflag:s18] =	ssyncadd.s32 $0xFFFFFF00  }
0x1e6: {  	_ =	swait.ge [sflag:s18], $0x100  }
0x1e7: {  	[sflag:s18] =	ssyncset.done $0x0  }
0x1e8: {  	[sflag:s18] =	ssyncadd.s32 $0xFFFFFF00  }
0x1e9: {  	_ =	swait.ge [sflag:s18], $0x100  }
0x1ea: {  	[sflag:s18] =	ssyncset.done $0x0  }
0x1eb: {  	[sflag:s18] =	ssyncadd.s32 $0xFFFFFF00  }
0x1ec: {  	[spmem:s5] =	stream.indirect.scatter.add.f32 [tilespmem:s2], [sflag:$0x3], $0x2, s0, s1, $0xb8;
	[tilespmem:$0x17FE0] =	vst v63  }
0x1ed: {  	_ = 	snop  }
0x1ee: {  	[spmem:s5] =	stream.indirect.scatter.add.f32 [tilespmem:s3], [sflag:$0x3], $0x2, s10, s1, $0xb8;
	[tilespmem:$0x17FE0] =	vst v63  }
0x1ef: {  	_ = 	snop  }
0x1f0: {  	[spmem:s5] =	stream.indirect.scatter.add.f32 [tilespmem:s6], [sflag:$0x3], $0x2, s22, s1, $0xb8;
	[tilespmem:$0x17FE0] =	vst v63  }
0x1f1: {  	_ = 	snop  }
0x1f2: {  	[spmem:s5] =	stream.indirect.scatter.add.f32 [tilespmem:s9], [sflag:$0x3], $0x2, s23, s1, $0xb8;
	[tilespmem:$0x17FE0] =	vst v63  }
0x1f3: {  	_ = 	snop  }
0x1f4: {  	[spmem:s5] =	stream.indirect.scatter.add.f32 [tilespmem:s11], [sflag:$0x3], $0x2, s24, s1, $0xb8;
	[tilespmem:$0x17FE0] =	vst v63  }
0x1f5: {  	_ = 	snop  }
0x1f6: {  	[spmem:s5] =	stream.indirect.scatter.add.f32 [tilespmem:s12], [sflag:$0x3], $0x2, s25, s1, $0xb8;
	[tilespmem:$0x17FE0] =	vst v63  }
0x1f7: {  	_ = 	snop  }
0x1f8: {  	[spmem:s5] =	stream.indirect.scatter.add.f32 [tilespmem:s13], [sflag:$0x3], $0x2, s26, s1, $0xb8;
	[tilespmem:$0x17FE0] =	vst v63  }
0x1f9: {  	_ = 	snop  }
0x1fa: {  	[spmem:s5] =	stream.indirect.scatter.add.f32 [tilespmem:s14], [sflag:$0x3], $0x2, s28, s1, $0xb8;
	[tilespmem:$0x17FE0] =	vst v63  }
0x1fb: {  	_ =	swait.ge [sflag:s19], $0x100  }
0x1fc: {  	[sflag:s19] =	ssyncset.done $0x0  }
0x1fd: {  	[sflag:s19] =	ssyncadd.s32 $0xFFFFFF00  }
0x1fe: {  	_ =	swait.ge [sflag:s19], $0x100  }
0x1ff: {  	[sflag:s19] =	ssyncset.done $0x0  }
0x200: {  	[sflag:s19] =	ssyncadd.s32 $0xFFFFFF00  }
0x201: {  	_ =	swait.ge [sflag:s19], $0x100  }
0x202: {  	[sflag:s19] =	ssyncset.done $0x0  }
0x203: {  	[sflag:s19] =	ssyncadd.s32 $0xFFFFFF00  }
0x204: {  	_ =	swait.ge [sflag:s19], $0x100  }
0x205: {  	[sflag:s19] =	ssyncset.done $0x0  }
0x206: {  	[sflag:s19] =	ssyncadd.s32 $0xFFFFFF00  }
0x207: {  	_ =	swait.ge [sflag:s19], $0x100  }
0x208: {  	[sflag:s19] =	ssyncset.done $0x0  }
0x209: {  	[sflag:s19] =	ssyncadd.s32 $0xFFFFFF00  }
0x20a: {  	_ =	swait.ge [sflag:s19], $0x100  }
0x20b: {  	s29 =	simm.s32 $0x2;
	s31 =	simm.s32 $0x7F00;
	[sflag:s19] =	ssyncset.done $0x0  }
0x20c: {  	s30 =	simm.s32 $0x8100;
	s16 =	simm.s32 $0x7A80;
	[sflag:s19] =	ssyncadd.s32 $0xFFFFFF00  }
0x20d: {  	s20 =	simm.s32 $0x7B00;
	s21 =	simm.s32 $0x7B80;
	_ =	swait.ge [sflag:s19], $0x100  }
0x20e: {  	s7 =	simm.s32 $0x8200;
	s17 =	simm.s32 $0x7E80;
	[sflag:s19] =	ssyncset.done $0x0  }
0x20f: {  	s15 =	simm.s32 $0x0;
	s18 =	simm.s32 $0x80;
	[sflag:s19] =	ssyncadd.s32 $0xFFFFFF00  }
0x210: {  	s0 =	simm.s32 $0x1;
	s2 =	simm.s32 $0x8000;
	_ =	swait.ge [sflag:s19], $0x100  }
0x211: {  	s3 =	simm.s32 $0x8180;
	s22 =	simm.s32 $0x7C00;
	[sflag:s19] =	ssyncset.done $0x0  }
0x212: {  	s23 =	simm.s32 $0x7C80;
	s11 =	simm.s32 $0x1;
	[sflag:s19] =	ssyncadd.s32 $0xFFFFFF00  }
0x213: {  	s24 =	simm.s32 $0x7D00;
	s12 =	simm.s32 $0xBB80;
	[bflag:$0x0] =	sbarrier.arrive $0xFFFF  }
0x214: {  	s25 =	simm.s32 $0x7D80;
	s26 =	simm.s32 $0x4;
	[dreg:$0xc] =	wrdreg s20  }
0x215: {  	s28 =	simm.s32 $0x9E80;
	s14 =	simm.s32 $0x3;
	[dreg:$0xd] =	wrdreg s21  }
0x216: {  	s1 =	simm.s32 $0x8080;
	s19 =	simm.s32 $0x8280;
	[dreg:$0xe] =	wrdreg s22  }
0x217: {  	v0 =	vlaneseq.u32;
	s20 =	simm.s32 $0x8680;
	s21 =	simm.s32 $0x8A80;
	[dreg:$0xf] =	wrdreg s23  }
0x218: {  	v0 =	vmul.u32 $0x8, v0;
	s22 =	simm.s32 $0x8E80;
	s23 =	simm.s32 $0x9280;
	[dreg:$0x10] =	wrdreg s24  }
0x219: {  	s24 =	simm.s32 $0x9680;
	[dreg:$0x11] =	wrdreg s25;
	s25 =	simm.s32 $0x9A80  }
.LBB2_11:
0x21a: {  	s6 =	rddreg [dreg:$0x15]  }
0x21b: {  	[tilespmem:s12], [sflag:$0x4] =	stream.linear.gather [spmem:s6], $0xC400, $0x38;
	[tilespmem:$0x17FE0] =	vst v63  }
0x21c: {  	_ =	swait.ge [sflag:s26], $0xC400  }
0x21d: {  	[sflag:s26] =	ssyncset.done $0x0  }
0x21e: {  	s8 =	smul.u32 $0xC, s0;
	[sflag:s26] =	ssyncadd.s32 $0xFFFF3C00  }
0x21f: {  	v1 =	vmov s15;
	s10 =	rddreg [dreg:$0x1]  }
0x220: {  	s13 =	simm.s32 $0x17F80;
	v1 =	vshll.u32 v1, $0x3;
	[dreg:$0x18] =	wrdreg s0;
	s8 =	sadd.s32 s10, s8  }
0x221: {  	v1 =	vor.u32 v0, v1;
	[tilespmem:s13], [sflag:$0x4] =	stream.linear.gather [hbm4b:s8+s15], $0x60, $0x38;
	[tilespmem:$0x17FE0] =	vst v63  }
0x222: {  	v2 =	vor.u32 $0x1, v1;
	_ =	swait.ge [sflag:s26], $0x60  }
0x223: {  	[sflag:s26] =	ssyncset.done $0x0  }
0x224: {  	[sflag:s26] =	ssyncadd.s32 $0xFFFFFFA0  }
0x225: {  	v4 =	vld [tilespmem:$0x17F80]  }
0x226: {  	v5 =	vld.idx.msk [tilespmem:v1+s12+$0x0], $0xffff  }
0x227: {  	s8 =	simm.s32 $0xA300;
	v6 =	vld.idx.msk [tilespmem:v2+s12+$0x0], $0xffff  }
0x228: {  	v3 =	vld [tilespmem:s8+$0x0]  }
0x229: {  	v7 =	vld [tilespmem:$0x17F90]  }
0x22a: {  	v8 =	vld [tilespmem:$0x17FB0]  }
0x22b: {  	v9 =	vld [tilespmem:$0x17FA0];
	_ =	sdelay $0x1  }
0x22c: {  	v5 =	vmul.f32 v5, v3;
	v6 =	vmul.f32 v6, v3  }
0x22d: {  	v10 =	vld [tilespmem:$0x17FC0]  }
0x22e: {  	v11 =	vld [tilespmem:$0x17FD0];
	v4 =	vmul.f32 v4, v5;
	v7 =	vmul.f32 v7, v6  }
0x22f: {  	v5 =	vmul.f32 v9, v5;
	v6 =	vmul.f32 v8, v6  }
0x230: {  	v4 =	vadd.f32 v7, v4  }
0x231: {  	s9 =	simm.s32 $0x10;
	v5 =	vadd.f32 v6, v5  }
0x232: {  	v6 =	vmov s9;
	v4 =	vadd.f32 v4, v10  }
0x233: {  	s13 =	simm.s32 $0x20;
	v6 =	vshll.u32 v6, $0x3;
	v5 =	vadd.f32 v5, v11  }
.LBB2_12:
0x234: {  	p0 =	sne.s32 s13, $0x1870;
	v6 =	vor.u32 v0, v6;
	v4 =	vmul.f32 v4, v3  }
0x235: {  	v7 =	vor.u32 $0x1, v6;
	v3 =	vmul.f32 v5, v3  }
0x236: {  	[tilespmem:v1+s12+$0x0] =	vst.idx.msk $0xffff, v4;
	v1 =	vmov v6  }
0x237: {  	[tilespmem:v2+s12+$0x0] =	vst.idx.msk $0xffff, v3;
	v2 =	vmov v7  }
0x238: {  	v4 =	vld [tilespmem:$0x17F80]  }
0x239: {  	v5 =	vld.idx.msk [tilespmem:v6+s12+$0x0], $0xffff  }
0x23a: {  	s8 =	sadd.s32 $0x10, s8;
	v6 =	vld.idx.msk [tilespmem:v7+s12+$0x0], $0xffff  }
0x23b: {  	v3 =	vld [tilespmem:s8+$0x0]  }
0x23c: {  	v7 =	vld [tilespmem:$0x17F90]  }
0x23d: {  	v8 =	vld [tilespmem:$0x17FB0]  }
0x23e: {  	v9 =	vld [tilespmem:$0x17FA0];
	_ =	sdelay $0x1  }
0x23f: {  	v5 =	vmul.f32 v5, v3;
	v6 =	vmul.f32 v6, v3  }
0x240: {  	v10 =	vld [tilespmem:$0x17FC0]  }
0x241: {  	v4 =	vmul.f32 v4, v5;
	v7 =	vmul.f32 v7, v6;
	v11 =	vld [tilespmem:$0x17FD0]  }
.Ltmp5:
0x242: {  	v6 =	vmul.f32 v8, v6;
	v5 =	vmul.f32 v9, v5;
	(pc) =	sbr.rel @p0 .LBB2_12-.Ltmp5, $4  }
0x243: {  	v4 =	vadd.f32 v7, v4  }
0x244: {  	v5 =	vadd.f32 v6, v5  }
0x245: {  	v6 =	vmov s13;
	v4 =	vadd.f32 v4, v10  }
0x246: {  	s13 =	sadd.s32 $0x10, s13;
	v6 =	vshll.u32 v6, $0x3;
	v5 =	vadd.f32 v5, v11  }
0x247: {  	_ =	sdelay $0x1  }
0x248: {  	v4 =	vmul.f32 v4, v3  }
0x249: {  	v6 =	vor.u32 v0, v6;
	v3 =	vmul.f32 v5, v3  }
0x24a: {  	v7 =	vor.u32 $0x1, v6;
	[tilespmem:v1+s12+$0x0] =	vst.idx.msk $0xffff, v4  }
0x24b: {  	[tilespmem:v2+s12+$0x0] =	vst.idx.msk $0xffff, v3  }
0x24c: {  	s8 =	sadd.s32 $0x10, s8;
	v1 =	vld [tilespmem:$0x17F80]  }
0x24d: {  	v4 =	vld [tilespmem:s8+$0x0]  }
0x24e: {  	v2 =	vld.idx.msk [tilespmem:v6+s12+$0x0], $0xffff  }
0x24f: {  	v3 =	vld.idx.msk [tilespmem:v7+s12+$0x0], $0xffff  }
0x250: {  	v63 =	vld [tilespmem:$0x17F90]  }
0x251: {  	v8 =	vld [tilespmem:$0x17FB0]  }
0x252: {  	v9 =	vld [tilespmem:$0x17FA0];
	_ =	sdelay $0x1  }
0x253: {  	v2 =	vmul.f32 v2, v4;
	v3 =	vmul.f32 v3, v4  }
0x254: {  	v10 =	vld [tilespmem:$0x17FC0]  }
0x255: {  	v11 =	vld [tilespmem:$0x17FD0];
	v1 =	vmul.f32 v1, v2;
	v5 =	vmul.f32 v63, v3  }
0x256: {  	v2 =	vmul.f32 v9, v2;
	v3 =	vmul.f32 v8, v3  }
0x257: {  	v1 =	vadd.f32 v5, v1  }
0x258: {  	v2 =	vadd.f32 v3, v2  }
0x259: {  	v1 =	vadd.f32 v1, v10  }
0x25a: {  	v2 =	vadd.f32 v2, v11  }
0x25b: {  	v1 =	vmul.f32 v1, v4  }
0x25c: {  	v2 =	vmul.f32 v2, v4  }
0x25d: {  	[tilespmem:v6+s12+$0x0] =	vst.idx.msk $0xffff, v1  }
0x25e: {  	s6 =	rddreg [dreg:$0x16];
	[tilespmem:v7+s12+$0x0] =	vst.idx.msk $0xffff, v2  }
0x25f: {  	[spmem:s6] =	stream.linear.scatter [tilespmem:s12], [sflag:$0x4], $0xC400, $0x38;
	[tilespmem:$0x17FE0] =	vst v63  }
0x260: {  	_ =	swait.ge [sflag:s26], $0xC400  }
0x261: {  	[sflag:s26] =	ssyncset.done $0x0  }
0x262: {  	s0 =	rddreg [dreg:$0x15];
	[sflag:s26] =	ssyncadd.s32 $0xFFFF3C00  }
0x263: {  	[spmem:s0] =	stream.linear.scatter [tilespmem:s12], [sflag:$0x4], $0xC400, $0x38;
	[tilespmem:$0x17FE0] =	vst v63  }
0x264: {  	_ =	swait.ge [sflag:s26], $0xC400  }
0x265: {  	[sflag:s26] =	ssyncset.done $0x0  }
0x266: {  	[sflag:s26] =	ssyncadd.s32 $0xFFFF3C00  }
0x267: {  	[bflag:$0x0] =	sbarrier.arrive $0xFFFF  }
0x268: {  	s0 =	rddreg [dreg:$0x12]  }
0x269: {  	s10 =	rddreg [dreg:$0x17];
	s6 =	sadd.s32 $0x0, s0  }
0x26a: {  	[tilespmem:s16], [sflag:$0x1] =	stream.linear.gather [hbm4b:s6+s15], $0x400, $0x38;
	[tilespmem:$0x17FE0] =	vst v63  }
0x26b: {  	s9 =	sadd.s32 $0x0, s10  }
0x26c: {  	[tilespmem:s17], [sflag:$0x1] =	stream.linear.gather [hbm4b:s9+s15], $0x400, $0x38;
	[tilespmem:$0x17FE0] =	vst v63  }
0x26d: {  	_ =	swait.ge [sflag:s11], $0x400  }
0x26e: {  	[sflag:s11] =	ssyncset.done $0x0  }
0x26f: {  	[sflag:s11] =	ssyncadd.s32 $0xFFFFFC00  }
0x270: {  	[tilespmem:s19], [sflag:$0x2] =	stream.indirect.gather [spmem:s4], $0x2, s16, s18, $0xb8;
	[tilespmem:$0x17FE0] =	vst v63  }
0x271: {  	s13 =	rddreg [dreg:$0xc]  }
0x272: {  	[tilespmem:s20], [sflag:$0x2] =	stream.indirect.gather [spmem:s4], $0x2, s13, s18, $0xb8;
	[tilespmem:$0x17FE0] =	vst v63  }
0x273: {  	s9 =	rddreg [dreg:$0xd]  }
0x274: {  	[tilespmem:s21], [sflag:$0x2] =	stream.indirect.gather [spmem:s4], $0x2, s9, s18, $0xb8;
	[tilespmem:$0x17FE0] =	vst v63  }
0x275: {  	s26 =	rddreg [dreg:$0xe]  }
0x276: {  	[tilespmem:s22], [sflag:$0x2] =	stream.indirect.gather [spmem:s4], $0x2, s26, s18, $0xb8;
	[tilespmem:$0x17FE0] =	vst v63  }
0x277: {  	s0 =	rddreg [dreg:$0xf]  }
0x278: {  	[tilespmem:s23], [sflag:$0x2] =	stream.indirect.gather [spmem:s4], $0x2, s0, s18, $0xb8;
	[tilespmem:$0x17FE0] =	vst v63  }
0x279: {  	s6 =	rddreg [dreg:$0x10]  }
0x27a: {  	[tilespmem:s24], [sflag:$0x2] =	stream.indirect.gather [spmem:s4], $0x2, s6, s18, $0xb8;
	[tilespmem:$0x17FE0] =	vst v63  }
0x27b: {  	s13 =	rddreg [dreg:$0x11]  }
0x27c: {  	[tilespmem:s25], [sflag:$0x2] =	stream.indirect.gather [spmem:s4], $0x2, s13, s18, $0xb8;
	[tilespmem:$0x17FE0] =	vst v63  }
0x27d: {  	s26 =	simm.s32 $0x7E00  }
0x27e: {  	[tilespmem:s28], [sflag:$0x2] =	stream.indirect.gather [spmem:s4], $0x2, s26, s18, $0xb8;
	[tilespmem:$0x17FE0] =	vst v63  }
0x27f: {  	_ =	swait.ge [sflag:s11], $0x400  }
0x280: {  	[sflag:s11] =	ssyncset.done $0x0  }
0x281: {  	[sflag:s11] =	ssyncadd.s32 $0xFFFFFC00  }
0x282: {  	_ =	swait.ge [sflag:s29], $0x100  }
0x283: {  	[sflag:s29] =	ssyncset.done $0x0  }
0x284: {  	[sflag:s29] =	ssyncadd.s32 $0xFFFFFF00  }
0x285: {  	_ =	swait.ge [sflag:s29], $0x100  }
0x286: {  	[sflag:s29] =	ssyncset.done $0x0  }
0x287: {  	[sflag:s29] =	ssyncadd.s32 $0xFFFFFF00  }
0x288: {  	_ =	swait.ge [sflag:s29], $0x100  }
0x289: {  	[sflag:s29] =	ssyncset.done $0x0  }
0x28a: {  	[sflag:s29] =	ssyncadd.s32 $0xFFFFFF00  }
0x28b: {  	_ =	swait.ge [sflag:s29], $0x100  }
0x28c: {  	[sflag:s29] =	ssyncset.done $0x0  }
0x28d: {  	[sflag:s29] =	ssyncadd.s32 $0xFFFFFF00  }
0x28e: {  	_ =	swait.ge [sflag:s29], $0x100  }
0x28f: {  	[sflag:s29] =	ssyncset.done $0x0  }
0x290: {  	[sflag:s29] =	ssyncadd.s32 $0xFFFFFF00  }
0x291: {  	_ =	swait.ge [sflag:s29], $0x100  }
0x292: {  	[sflag:s29] =	ssyncset.done $0x0  }
0x293: {  	[sflag:s29] =	ssyncadd.s32 $0xFFFFFF00  }
0x294: {  	_ =	swait.ge [sflag:s29], $0x100  }
0x295: {  	[sflag:s29] =	ssyncset.done $0x0  }
0x296: {  	[sflag:s29] =	ssyncadd.s32 $0xFFFFFF00  }
0x297: {  	_ =	swait.ge [sflag:s29], $0x100  }
0x298: {  	[sflag:s29] =	ssyncset.done $0x0  }
0x299: {  	[sflag:s29] =	ssyncadd.s32 $0xFFFFFF00  }
0x29a: {  	[spmem:s5] =	stream.indirect.scatter.add.f32 [tilespmem:s19], [sflag:$0x3], $0x2, s17, s18, $0xb8;
	[tilespmem:$0x17FE0] =	vst v63  }
0x29b: {  	_ = 	snop  }
0x29c: {  	[spmem:s5] =	stream.indirect.scatter.add.f32 [tilespmem:s20], [sflag:$0x3], $0x2, s31, s18, $0xb8;
	[tilespmem:$0x17FE0] =	vst v63  }
0x29d: {  	s0 =	simm.s32 $0x7F80  }
0x29e: {  	[spmem:s5] =	stream.indirect.scatter.add.f32 [tilespmem:s21], [sflag:$0x3], $0x2, s0, s18, $0xb8;
	[tilespmem:$0x17FE0] =	vst v63  }
0x29f: {  	_ = 	snop  }
0x2a0: {  	[spmem:s5] =	stream.indirect.scatter.add.f32 [tilespmem:s22], [sflag:$0x3], $0x2, s2, s18, $0xb8;
	[tilespmem:$0x17FE0] =	vst v63  }
0x2a1: {  	_ = 	snop  }
0x2a2: {  	[spmem:s5] =	stream.indirect.scatter.add.f32 [tilespmem:s23], [sflag:$0x3], $0x2, s1, s18, $0xb8;
	[tilespmem:$0x17FE0] =	vst v63  }
0x2a3: {  	_ = 	snop  }
0x2a4: {  	[spmem:s5] =	stream.indirect.scatter.add.f32 [tilespmem:s24], [sflag:$0x3], $0x2, s30, s18, $0xb8;
	[tilespmem:$0x17FE0] =	vst v63  }
0x2a5: {  	_ = 	snop  }
0x2a6: {  	[spmem:s5] =	stream.indirect.scatter.add.f32 [tilespmem:s25], [sflag:$0x3], $0x2, s3, s18, $0xb8;
	[tilespmem:$0x17FE0] =	vst v63  }
0x2a7: {  	_ = 	snop  }
0x2a8: {  	[spmem:s5] =	stream.indirect.scatter.add.f32 [tilespmem:s28], [sflag:$0x3], $0x2, s7, s18, $0xb8;
	[tilespmem:$0x17FE0] =	vst v63  }
0x2a9: {  	_ =	swait.ge [sflag:s14], $0x100  }
0x2aa: {  	[sflag:s14] =	ssyncset.done $0x0  }
0x2ab: {  	[sflag:s14] =	ssyncadd.s32 $0xFFFFFF00  }
0x2ac: {  	_ =	swait.ge [sflag:s14], $0x100  }
0x2ad: {  	[sflag:s14] =	ssyncset.done $0x0  }
0x2ae: {  	[sflag:s14] =	ssyncadd.s32 $0xFFFFFF00  }
0x2af: {  	_ =	swait.ge [sflag:s14], $0x100  }
0x2b0: {  	[sflag:s14] =	ssyncset.done $0x0  }
0x2b1: {  	[sflag:s14] =	ssyncadd.s32 $0xFFFFFF00  }
0x2b2: {  	_ =	swait.ge [sflag:s14], $0x100  }
0x2b3: {  	[sflag:s14] =	ssyncset.done $0x0  }
0x2b4: {  	[sflag:s14] =	ssyncadd.s32 $0xFFFFFF00  }
0x2b5: {  	_ =	swait.ge [sflag:s14], $0x100  }
0x2b6: {  	[sflag:s14] =	ssyncset.done $0x0  }
0x2b7: {  	[sflag:s14] =	ssyncadd.s32 $0xFFFFFF00  }
0x2b8: {  	_ =	swait.ge [sflag:s14], $0x100  }
0x2b9: {  	[sflag:s14] =	ssyncset.done $0x0  }
0x2ba: {  	[sflag:s14] =	ssyncadd.s32 $0xFFFFFF00  }
0x2bb: {  	_ =	swait.ge [sflag:s14], $0x100  }
0x2bc: {  	[sflag:s14] =	ssyncset.done $0x0  }
0x2bd: {  	[sflag:s14] =	ssyncadd.s32 $0xFFFFFF00  }
0x2be: {  	_ =	swait.ge [sflag:s14], $0x100  }
0x2bf: {  	s8 =	simm.s32 $0x80;
	s13 =	simm.s32 $0x100;
	[sflag:s14] =	ssyncset.done $0x0  }
.LBB2_14:
0x2c0: {  	s6 =	rddreg [dreg:$0x12]  }
0x2c1: {  	[sflag:s14] =	ssyncadd.s32 $0xFFFFFF00;
	s26 =	smov.u32 s13;
	s6 =	sadd.s32 s8, s6  }
0x2c2: {  	[tilespmem:s16], [sflag:$0x1] =	stream.linear.gather [hbm4b:s6+s15], $0x400, $0x38;
	[tilespmem:$0x17FE0] =	vst v63  }
0x2c3: {  	s9 =	sadd.s32 $0x80, s13;
	p0 =	sne.s32 s13, $0xC300;
	s13 =	sadd.s32 s8, s10  }
0x2c4: {  	[tilespmem:s17], [sflag:$0x1] =	stream.linear.gather [hbm4b:s13+s15], $0x400, $0x38;
	[tilespmem:$0x17FE0] =	vst v63  }
0x2c5: {  	_ =	swait.ge [sflag:s11], $0x400  }
0x2c6: {  	[sflag:s11] =	ssyncset.done $0x0  }
0x2c7: {  	[sflag:s11] =	ssyncadd.s32 $0xFFFFFC00  }
0x2c8: {  	[tilespmem:s19], [sflag:$0x2] =	stream.indirect.gather [spmem:s4], $0x2, s16, s18, $0xb8;
	[tilespmem:$0x17FE0] =	vst v63  }
0x2c9: {  	s6 =	rddreg [dreg:$0xc]  }
0x2ca: {  	[tilespmem:s20], [sflag:$0x2] =	stream.indirect.gather [spmem:s4], $0x2, s6, s18, $0xb8;
	[tilespmem:$0x17FE0] =	vst v63  }
0x2cb: {  	s13 =	rddreg [dreg:$0xd]  }
0x2cc: {  	[tilespmem:s21], [sflag:$0x2] =	stream.indirect.gather [spmem:s4], $0x2, s13, s18, $0xb8;
	[tilespmem:$0x17FE0] =	vst v63  }
0x2cd: {  	s6 =	rddreg [dreg:$0xe]  }
0x2ce: {  	[tilespmem:s22], [sflag:$0x2] =	stream.indirect.gather [spmem:s4], $0x2, s6, s18, $0xb8;
	[tilespmem:$0x17FE0] =	vst v63  }
0x2cf: {  	s13 =	rddreg [dreg:$0xf]  }
0x2d0: {  	[tilespmem:s23], [sflag:$0x2] =	stream.indirect.gather [spmem:s4], $0x2, s13, s18, $0xb8;
	[tilespmem:$0x17FE0] =	vst v63  }
0x2d1: {  	s6 =	rddreg [dreg:$0x10]  }
0x2d2: {  	[tilespmem:s24], [sflag:$0x2] =	stream.indirect.gather [spmem:s4], $0x2, s6, s18, $0xb8;
	[tilespmem:$0x17FE0] =	vst v63  }
0x2d3: {  	s13 =	rddreg [dreg:$0x11]  }
0x2d4: {  	[tilespmem:s25], [sflag:$0x2] =	stream.indirect.gather [spmem:s4], $0x2, s13, s18, $0xb8;
	[tilespmem:$0x17FE0] =	vst v63  }
0x2d5: {  	s8 =	smov.u32 s26;
	s26 =	simm.s32 $0x7E00  }
0x2d6: {  	[tilespmem:s28], [sflag:$0x2] =	stream.indirect.gather [spmem:s4], $0x2, s26, s18, $0xb8;
	[tilespmem:$0x17FE0] =	vst v63  }
0x2d7: {  	s6 =	rddreg [dreg:$0x12];
	_ =	swait.ge [sflag:s11], $0x400  }
0x2d8: {  	[sflag:s11] =	ssyncset.done $0x0  }
0x2d9: {  	[sflag:s11] =	ssyncadd.s32 $0xFFFFFC00  }
0x2da: {  	_ =	swait.ge [sflag:s29], $0x100  }
0x2db: {  	[sflag:s29] =	ssyncset.done $0x0  }
0x2dc: {  	[sflag:s29] =	ssyncadd.s32 $0xFFFFFF00  }
0x2dd: {  	_ =	swait.ge [sflag:s29], $0x100  }
0x2de: {  	[sflag:s29] =	ssyncset.done $0x0  }
0x2df: {  	[sflag:s29] =	ssyncadd.s32 $0xFFFFFF00  }
0x2e0: {  	_ =	swait.ge [sflag:s29], $0x100  }
0x2e1: {  	[sflag:s29] =	ssyncset.done $0x0  }
0x2e2: {  	[sflag:s29] =	ssyncadd.s32 $0xFFFFFF00  }
0x2e3: {  	_ =	swait.ge [sflag:s29], $0x100  }
0x2e4: {  	[sflag:s29] =	ssyncset.done $0x0  }
0x2e5: {  	[sflag:s29] =	ssyncadd.s32 $0xFFFFFF00  }
0x2e6: {  	_ =	swait.ge [sflag:s29], $0x100  }
0x2e7: {  	[sflag:s29] =	ssyncset.done $0x0  }
0x2e8: {  	[sflag:s29] =	ssyncadd.s32 $0xFFFFFF00  }
0x2e9: {  	_ =	swait.ge [sflag:s29], $0x100  }
0x2ea: {  	[sflag:s29] =	ssyncset.done $0x0  }
0x2eb: {  	[sflag:s29] =	ssyncadd.s32 $0xFFFFFF00  }
0x2ec: {  	_ =	swait.ge [sflag:s29], $0x100  }
0x2ed: {  	[sflag:s29] =	ssyncset.done $0x0  }
0x2ee: {  	[sflag:s29] =	ssyncadd.s32 $0xFFFFFF00  }
0x2ef: {  	_ =	swait.ge [sflag:s29], $0x100  }
0x2f0: {  	[sflag:s29] =	ssyncset.done $0x0  }
0x2f1: {  	[sflag:s29] =	ssyncadd.s32 $0xFFFFFF00  }
0x2f2: {  	[spmem:s5] =	stream.indirect.scatter.add.f32 [tilespmem:s19], [sflag:$0x3], $0x2, s17, s18, $0xb8;
	[tilespmem:$0x17FE0] =	vst v63  }
0x2f3: {  	_ = 	snop  }
0x2f4: {  	[spmem:s5] =	stream.indirect.scatter.add.f32 [tilespmem:s20], [sflag:$0x3], $0x2, s31, s18, $0xb8;
	[tilespmem:$0x17FE0] =	vst v63  }
0x2f5: {  	_ = 	snop  }
0x2f6: {  	[spmem:s5] =	stream.indirect.scatter.add.f32 [tilespmem:s21], [sflag:$0x3], $0x2, s0, s18, $0xb8;
	[tilespmem:$0x17FE0] =	vst v63  }
0x2f7: {  	_ = 	snop  }
0x2f8: {  	[spmem:s5] =	stream.indirect.scatter.add.f32 [tilespmem:s22], [sflag:$0x3], $0x2, s2, s18, $0xb8;
	[tilespmem:$0x17FE0] =	vst v63  }
0x2f9: {  	_ = 	snop  }
0x2fa: {  	[spmem:s5] =	stream.indirect.scatter.add.f32 [tilespmem:s23], [sflag:$0x3], $0x2, s1, s18, $0xb8;
	[tilespmem:$0x17FE0] =	vst v63  }
0x2fb: {  	_ = 	snop  }
0x2fc: {  	[spmem:s5] =	stream.indirect.scatter.add.f32 [tilespmem:s24], [sflag:$0x3], $0x2, s30, s18, $0xb8;
	[tilespmem:$0x17FE0] =	vst v63  }
0x2fd: {  	_ = 	snop  }
0x2fe: {  	[spmem:s5] =	stream.indirect.scatter.add.f32 [tilespmem:s25], [sflag:$0x3], $0x2, s3, s18, $0xb8;
	[tilespmem:$0x17FE0] =	vst v63  }
0x2ff: {  	_ = 	snop  }
0x300: {  	[spmem:s5] =	stream.indirect.scatter.add.f32 [tilespmem:s28], [sflag:$0x3], $0x2, s7, s18, $0xb8;
	[tilespmem:$0x17FE0] =	vst v63  }
0x301: {  	_ =	swait.ge [sflag:s14], $0x100  }
0x302: {  	[sflag:s14] =	ssyncset.done $0x0  }
0x303: {  	[sflag:s14] =	ssyncadd.s32 $0xFFFFFF00  }
0x304: {  	_ =	swait.ge [sflag:s14], $0x100  }
0x305: {  	[sflag:s14] =	ssyncset.done $0x0  }
0x306: {  	[sflag:s14] =	ssyncadd.s32 $0xFFFFFF00  }
0x307: {  	_ =	swait.ge [sflag:s14], $0x100  }
0x308: {  	[sflag:s14] =	ssyncset.done $0x0  }
0x309: {  	[sflag:s14] =	ssyncadd.s32 $0xFFFFFF00  }
0x30a: {  	_ =	swait.ge [sflag:s14], $0x100  }
0x30b: {  	[sflag:s14] =	ssyncset.done $0x0  }
0x30c: {  	[sflag:s14] =	ssyncadd.s32 $0xFFFFFF00  }
0x30d: {  	_ =	swait.ge [sflag:s14], $0x100  }
0x30e: {  	[sflag:s14] =	ssyncset.done $0x0  }
0x30f: {  	[sflag:s14] =	ssyncadd.s32 $0xFFFFFF00  }
0x310: {  	_ =	swait.ge [sflag:s14], $0x100  }
0x311: {  	[sflag:s14] =	ssyncset.done $0x0  }
0x312: {  	[sflag:s14] =	ssyncadd.s32 $0xFFFFFF00  }
.Ltmp6:
0x313: {  	_ =	swait.ge [sflag:s14], $0x100;
	(pc) =	sbr.rel @p0 .LBB2_14-.Ltmp6, $4  }
0x314: {  	[sflag:s14] =	ssyncset.done $0x0  }
0x315: {  	[sflag:s14] =	ssyncadd.s32 $0xFFFFFF00  }
0x316: {  	_ =	swait.ge [sflag:s14], $0x100  }
0x317: {  	s13 =	smov.u32 s9;
	[sflag:s14] =	ssyncset.done $0x0  }
0x318: {  	s6 =	sadd.s32 s8, s6;
	[sflag:s14] =	ssyncadd.s32 $0xFFFFFF00  }
0x319: {  	[tilespmem:s16], [sflag:$0x1] =	stream.linear.gather [hbm4b:s6+s15], $0x400, $0x38;
	[tilespmem:$0x17FE0] =	vst v63  }
0x31a: {  	s8 =	sadd.s32 s8, s10  }
0x31b: {  	[tilespmem:s17], [sflag:$0x1] =	stream.linear.gather [hbm4b:s8+s15], $0x400, $0x38;
	[tilespmem:$0x17FE0] =	vst v63  }
0x31c: {  	_ =	swait.ge [sflag:s11], $0x400  }
0x31d: {  	[sflag:s11] =	ssyncset.done $0x0  }
0x31e: {  	[sflag:s11] =	ssyncadd.s32 $0xFFFFFC00  }
0x31f: {  	[tilespmem:s19], [sflag:$0x2] =	stream.indirect.gather [spmem:s4], $0x2, s16, s18, $0xb8;
	[tilespmem:$0x17FE0] =	vst v63  }
0x320: {  	s9 =	rddreg [dreg:$0xc]  }
0x321: {  	[tilespmem:s20], [sflag:$0x2] =	stream.indirect.gather [spmem:s4], $0x2, s9, s18, $0xb8;
	[tilespmem:$0x17FE0] =	vst v63  }
0x322: {  	s10 =	rddreg [dreg:$0xd]  }
0x323: {  	[tilespmem:s21], [sflag:$0x2] =	stream.indirect.gather [spmem:s4], $0x2, s10, s18, $0xb8;
	[tilespmem:$0x17FE0] =	vst v63  }
0x324: {  	s13 =	rddreg [dreg:$0xe]  }
0x325: {  	[tilespmem:s22], [sflag:$0x2] =	stream.indirect.gather [spmem:s4], $0x2, s13, s18, $0xb8;
	[tilespmem:$0x17FE0] =	vst v63  }
0x326: {  	s9 =	rddreg [dreg:$0xf]  }
0x327: {  	[tilespmem:s23], [sflag:$0x2] =	stream.indirect.gather [spmem:s4], $0x2, s9, s18, $0xb8;
	[tilespmem:$0x17FE0] =	vst v63  }
0x328: {  	s10 =	rddreg [dreg:$0x10]  }
0x329: {  	[tilespmem:s24], [sflag:$0x2] =	stream.indirect.gather [spmem:s4], $0x2, s10, s18, $0xb8;
	[tilespmem:$0x17FE0] =	vst v63  }
0x32a: {  	s13 =	rddreg [dreg:$0x11]  }
0x32b: {  	[tilespmem:s25], [sflag:$0x2] =	stream.indirect.gather [spmem:s4], $0x2, s13, s18, $0xb8;
	[tilespmem:$0x17FE0] =	vst v63  }
0x32c: {  	_ = 	snop  }
0x32d: {  	[tilespmem:s28], [sflag:$0x2] =	stream.indirect.gather [spmem:s4], $0x2, s26, s18, $0xb8;
	[tilespmem:$0x17FE0] =	vst v63  }
0x32e: {  	_ =	swait.ge [sflag:s11], $0x400  }
0x32f: {  	[sflag:s11] =	ssyncset.done $0x0  }
0x330: {  	[sflag:s11] =	ssyncadd.s32 $0xFFFFFC00  }
0x331: {  	_ =	swait.ge [sflag:s29], $0x100  }
0x332: {  	[sflag:s29] =	ssyncset.done $0x0  }
0x333: {  	[sflag:s29] =	ssyncadd.s32 $0xFFFFFF00  }
0x334: {  	_ =	swait.ge [sflag:s29], $0x100  }
0x335: {  	[sflag:s29] =	ssyncset.done $0x0  }
0x336: {  	[sflag:s29] =	ssyncadd.s32 $0xFFFFFF00  }
0x337: {  	_ =	swait.ge [sflag:s29], $0x100  }
0x338: {  	[sflag:s29] =	ssyncset.done $0x0  }
0x339: {  	[sflag:s29] =	ssyncadd.s32 $0xFFFFFF00  }
0x33a: {  	_ =	swait.ge [sflag:s29], $0x100  }
0x33b: {  	[sflag:s29] =	ssyncset.done $0x0  }
0x33c: {  	[sflag:s29] =	ssyncadd.s32 $0xFFFFFF00  }
0x33d: {  	_ =	swait.ge [sflag:s29], $0x100  }
0x33e: {  	[sflag:s29] =	ssyncset.done $0x0  }
0x33f: {  	[sflag:s29] =	ssyncadd.s32 $0xFFFFFF00  }
0x340: {  	_ =	swait.ge [sflag:s29], $0x100  }
0x341: {  	[sflag:s29] =	ssyncset.done $0x0  }
0x342: {  	[sflag:s29] =	ssyncadd.s32 $0xFFFFFF00  }
0x343: {  	_ =	swait.ge [sflag:s29], $0x100  }
0x344: {  	[sflag:s29] =	ssyncset.done $0x0  }
0x345: {  	[sflag:s29] =	ssyncadd.s32 $0xFFFFFF00  }
0x346: {  	_ =	swait.ge [sflag:s29], $0x100  }
0x347: {  	[sflag:s29] =	ssyncset.done $0x0  }
0x348: {  	[sflag:s29] =	ssyncadd.s32 $0xFFFFFF00  }
0x349: {  	[spmem:s5] =	stream.indirect.scatter.add.f32 [tilespmem:s19], [sflag:$0x3], $0x2, s17, s18, $0xb8;
	[tilespmem:$0x17FE0] =	vst v63  }
0x34a: {  	_ = 	snop  }
0x34b: {  	[spmem:s5] =	stream.indirect.scatter.add.f32 [tilespmem:s20], [sflag:$0x3], $0x2, s31, s18, $0xb8;
	[tilespmem:$0x17FE0] =	vst v63  }
0x34c: {  	_ = 	snop  }
0x34d: {  	[spmem:s5] =	stream.indirect.scatter.add.f32 [tilespmem:s21], [sflag:$0x3], $0x2, s0, s18, $0xb8;
	[tilespmem:$0x17FE0] =	vst v63  }
0x34e: {  	_ = 	snop  }
0x34f: {  	[spmem:s5] =	stream.indirect.scatter.add.f32 [tilespmem:s22], [sflag:$0x3], $0x2, s2, s18, $0xb8;
	[tilespmem:$0x17FE0] =	vst v63  }
0x350: {  	_ = 	snop  }
0x351: {  	[spmem:s5] =	stream.indirect.scatter.add.f32 [tilespmem:s23], [sflag:$0x3], $0x2, s1, s18, $0xb8;
	[tilespmem:$0x17FE0] =	vst v63  }
0x352: {  	_ = 	snop  }
0x353: {  	[spmem:s5] =	stream.indirect.scatter.add.f32 [tilespmem:s24], [sflag:$0x3], $0x2, s30, s18, $0xb8;
	[tilespmem:$0x17FE0] =	vst v63  }
0x354: {  	_ = 	snop  }
0x355: {  	[spmem:s5] =	stream.indirect.scatter.add.f32 [tilespmem:s25], [sflag:$0x3], $0x2, s3, s18, $0xb8;
	[tilespmem:$0x17FE0] =	vst v63  }
0x356: {  	_ = 	snop  }
0x357: {  	[spmem:s5] =	stream.indirect.scatter.add.f32 [tilespmem:s28], [sflag:$0x3], $0x2, s7, s18, $0xb8;
	[tilespmem:$0x17FE0] =	vst v63  }
0x358: {  	_ =	swait.ge [sflag:s14], $0x100  }
0x359: {  	[sflag:s14] =	ssyncset.done $0x0  }
0x35a: {  	[sflag:s14] =	ssyncadd.s32 $0xFFFFFF00  }
0x35b: {  	_ =	swait.ge [sflag:s14], $0x100  }
0x35c: {  	[sflag:s14] =	ssyncset.done $0x0  }
0x35d: {  	[sflag:s14] =	ssyncadd.s32 $0xFFFFFF00  }
0x35e: {  	_ =	swait.ge [sflag:s14], $0x100  }
0x35f: {  	[sflag:s14] =	ssyncset.done $0x0  }
0x360: {  	[sflag:s14] =	ssyncadd.s32 $0xFFFFFF00  }
0x361: {  	_ =	swait.ge [sflag:s14], $0x100  }
0x362: {  	[sflag:s14] =	ssyncset.done $0x0  }
0x363: {  	[sflag:s14] =	ssyncadd.s32 $0xFFFFFF00  }
0x364: {  	_ =	swait.ge [sflag:s14], $0x100  }
0x365: {  	[sflag:s14] =	ssyncset.done $0x0  }
0x366: {  	[sflag:s14] =	ssyncadd.s32 $0xFFFFFF00  }
0x367: {  	_ =	swait.ge [sflag:s14], $0x100  }
0x368: {  	[sflag:s14] =	ssyncset.done $0x0  }
0x369: {  	[sflag:s14] =	ssyncadd.s32 $0xFFFFFF00  }
0x36a: {  	_ =	swait.ge [sflag:s14], $0x100  }
0x36b: {  	[sflag:s14] =	ssyncset.done $0x0  }
0x36c: {  	[sflag:s14] =	ssyncadd.s32 $0xFFFFFF00  }
0x36d: {  	_ =	swait.ge [sflag:s14], $0x100  }
0x36e: {  	s26 =	rddreg [dreg:$0x18]  }
0x36f: {  	s0 =	sadd.s32 $0x1, s26  }
0x370: {  	p0 =	sne.s32 s0, $0xA  }
.Ltmp7:
0x371: {  	_ = 	snop;
	(pc) =	sbr.rel @p0 .LBB2_11-.Ltmp7, $4  }
0x372: {  	[sflag:s14] =	ssyncset.done $0x0  }
0x373: {  	[sflag:s14] =	ssyncadd.s32 $0xFFFFFF00  }
0x374: {  	[bflag:$0x0] =	sbarrier.arrive $0xFFFF  }
0x375: {  	s26 =	simm.s32 $0x4  }
0x376: {  	s0 =	simm.s32 $0x0;
	v0 =	vlaneseq.u32  }
0x377: {  	v0 =	vmul.u32 $0x8, v0;
	v1 =	vmov s0  }
0x378: {  	s1 =	rddreg [dreg:$0x15];
	s31 =	simm.s32 $0x4;
	s0 =	simm.s32 $0xBB80;
	v1 =	vshll.u32 v1, $0x3  }
0x379: {  	[tilespmem:s0], [sflag:$0x4] =	stream.linear.gather [spmem:s1], $0xC400, $0x38;
	v1 =	vor.u32 v0, v1;
	[tilespmem:$0x17FE0] =	vst v63  }
0x37a: {  	_ =	swait.ge [sflag:s31], $0xC400;
	v2 =	vor.u32 $0x1, v1  }
0x37b: {  	[sflag:s31] =	ssyncset.done $0x0  }
0x37c: {  	s1 =	simm.s32 $0xA300;
	[sflag:s31] =	ssyncadd.s32 $0xFFFF3C00  }
0x37d: {  	v5 =	vld [tilespmem:s1+$0x0]  }
0x37e: {  	v3 =	vld.idx.msk [tilespmem:v1+s0+$0x0], $0xffff  }
0x37f: {  	s2 =	simm.s32 $0x10;
	v4 =	vld.idx.msk [tilespmem:v2+s0+$0x0], $0xffff  }
0x380: {  	v6 =	vmov s2  }
0x381: {  	s2 =	simm.s32 $0x20;
	v6 =	vshll.u32 v6, $0x3  }
.LBB2_17:
0x382: {  	p0 =	sne.s32 s2, $0x1870;
	v6 =	vor.u32 v0, v6  }
0x383: {  	v7 =	vor.u32 $0x1, v6;
	v3 =	vmul.f32 v3, v5  }
0x384: {  	v4 =	vmul.f32 v4, v5  }
0x385: {  	[tilespmem:v1+s0+$0x0] =	vst.idx.msk $0xffff, v3;
	v1 =	vmov v6  }
0x386: {  	[tilespmem:v2+s0+$0x0] =	vst.idx.msk $0xffff, v4;
	v2 =	vmov v7  }
0x387: {  	v3 =	vld.idx.msk [tilespmem:v6+s0+$0x0], $0xffff  }
.Ltmp8:
0x388: {  	s1 =	sadd.s32 $0x10, s1;
	v4 =	vld.idx.msk [tilespmem:v7+s0+$0x0], $0xffff;
	(pc) =	sbr.rel @p0 .LBB2_17-.Ltmp8, $3  }
0x389: {  	v5 =	vld [tilespmem:s1+$0x0];
	_ =	sdelay $0x1  }
0x38a: {  	v6 =	vmov s2  }
0x38b: {  	s2 =	sadd.s32 $0x10, s2;
	v6 =	vshll.u32 v6, $0x3  }
0x38c: {  	_ = 	snop  }
0x38d: {  	v0 =	vor.u32 v0, v6  }
0x38e: {  	v3 =	vmul.f32 v3, v5  }
0x38f: {  	v6 =	vor.u32 $0x1, v0;
	v4 =	vmul.f32 v4, v5  }
0x390: {  	[tilespmem:v1+s0+$0x0] =	vst.idx.msk $0xffff, v3  }
0x391: {  	[tilespmem:v2+s0+$0x0] =	vst.idx.msk $0xffff, v4  }
0x392: {  	s1 =	sadd.s32 $0x10, s1;
	v1 =	vld.idx.msk [tilespmem:v0+s0+$0x0], $0xffff  }
0x393: {  	v2 =	vld [tilespmem:s1+$0x0]  }
0x394: {  	v3 =	vld.idx.msk [tilespmem:v6+s0+$0x0], $0xffff;
	_ =	sdelay $0x3  }
0x395: {  	v1 =	vmul.f32 v1, v2  }
0x396: {  	s26 =	rddreg [dreg:$0x13];
	v2 =	vmul.f32 v3, v2  }
0x397: {  	s28 =	rddreg [dreg:$0x14];
	s29 =	simm.s32 $0x0;
	[tilespmem:v0+s0+$0x0] =	vst.idx.msk $0xffff, v1  }
0x398: {  	s2 =	simm.s32 $0xBB80;
	s30 =	simm.s32 $0x4;
	[tilespmem:v6+s0+$0x0] =	vst.idx.msk $0xffff, v2;
	s0 =	sadd.s32 s26, s28  }
0x399: {  	[hbm4b:s0+s29] =	stream.linear.scatter [tilespmem:s2], [sflag:$0x4], $0xC400, $0x38;
	[tilespmem:$0x17FE0] =	vst v63  }
0x39a: {  	_ =	swait.ge [sflag:s30], $0xC400  }
0x39b: {  	[sflag:s30] =	ssyncset.done $0x0  }
0x39c: {  	[sflag:s30] =	ssyncadd.s32 $0xFFFF3C00  }
0x39d: {  	_ =	sfence.sel $0x180000  }
0x39e: {  	[bflag:$0x0] =	sbarrier.arrive $0xFFFF  }
0x39f: {  	_ =	strace $0x90000047  }
0x3a0: {  	s31 =	stileid.u32;
	[bflag:$0x2] =	sbarrier.arrive $0xFFFF  }
0x3a1: {  	p0 =	sne.s32 s31, $0x0;
	s0 =	rddreg [dreg:$0x5]  }
0x3a2: {  	s0 =	sadd.s32 @!p0 $0x100000, s0  }
0x3a3: {  	[sflag:s0] =	ssyncadd.tile.s32 @!p0 $0x1;
	_ =	shalt  }
.Lfunc_end2:
_tile_overlayer_lowered:
.L_overlay_start_2:
0x3a4: {  	(tag) =	ssettag $0x2  }
0x3a5: {  	s0 =	rddreg [dreg:$0x0];
	s2 =	stileid.u32  }
0x3a6: {  	s1 =	rddreg [dreg:$0x1];
	p0 =	sne.s32 s2, $0x0  }
0x3a7: {  	s3 =	rddreg [dreg:$0x2];
	[bflag:$0x3] =	sbarrier.arrive $0xFFFF;
	s2 =	simm.s32 @!p0 $0x1C04  }
0x3a8: {  	[timem:s3], [sflag:s2] =	dma.local @!p0 [hbm:s0], s1  }
0x3a9: {  	s0 =	simm.s32 @!p0 $0x4  }
0x3aa: {  	_ =	swait.ge @!p0 [sflag:s0], s1  }
0x3ab: {  	s1 =	ssub.s32 @!p0 $0x0, s1;
	[sflag:s0] =	ssyncset.done @!p0 $0x0  }
0x3ac: {  	[sflag:s0] =	ssyncadd.s32 @!p0 s1  }
0x3ad: {  	[bflag:$0x3] =	sbarrier.arrive $0xFFFF  }
0x3ae: {  	_ =	shalt  }

</sc_bundles>
